<compile_context>
chip_gen: v7x
topology: tpu7x:2x2x1
jax: 0.10.2.dev20260603
libtpu: 0.0.44.dev20260713+nightly
codegen_flags: <defaults>
</compile_context>

<pallas_src>
import jax
import jax.numpy as jnp
from jax import lax
from jax.experimental import pallas as pl
from jax.experimental.pallas import tpu as pltpu
from jax.experimental.pallas import tpu_sc as plsc

_F = 26
_V = 100000
_D = 32
_B = 16384

_L = 16
_NW = 32
_CB = _B // _NW
_GS = _L
_GROUPS = _CB // _GS
_CHUNK = 104
_CPG = _GS * _F // _CHUNK
_RG = _GS * _F
_CPW = _CB * _F // _CHUNK


def _make_fm_kernel():
    scmesh = plsc.VectorSubcoreMesh(core_axis_name="c", subcore_axis_name="s")

    def body(dma_hbm, raw_hbm, emb_hbm, lin_hbm, bias_hbm, out_hbm,
             dma_v, raw_v, rows_v, lin_v, out_v, bias_v,
             sem_e0, sem_e1, sem_l0, sem_l1):
        c = lax.axis_index("c")
        s = lax.axis_index("s")
        wid = s * 2 + c
        pltpu.sync_copy(dma_hbm.at[pl.ds(wid * _CPW, _CPW), :], dma_v)
        pltpu.sync_copy(bias_hbm, bias_v)
        sems_e = (sem_e0, sem_e1)
        sems_l = (sem_l0, sem_l1)

        def fire(g, par):
            pltpu.sync_copy(raw_hbm.at[pl.ds(wid * _CPW + g * _CPG, _CPG), :],
                            raw_v.at[par])
            for j in range(_CPG):
                ch = g * _CPG + j
                pltpu.async_copy(emb_hbm.at[dma_v.at[ch]],
                                 rows_v.at[par].at[pl.ds(j * _CHUNK, _CHUNK), :],
                                 sems_e[par])
                pltpu.async_copy(lin_hbm.at[raw_v.at[par].at[j]],
                                 lin_v.at[par].at[j],
                                 sems_l[par])

        def drain(par):
            for j in range(_CPG):
                pltpu.make_async_copy(emb_hbm.at[pl.ds(0, _CHUNK), :],
                                      rows_v.at[par].at[pl.ds(j * _CHUNK, _CHUNK), :],
                                      sems_e[par]).wait()
                pltpu.make_async_copy(lin_hbm.at[pl.ds(0, _CHUNK)],
                                      lin_v.at[par].at[j],
                                      sems_l[par]).wait()

        iota = lax.iota(jnp.int32, _L)
        iota26 = iota * _F
        zero = jnp.zeros((_L,), jnp.float32)

        def compute(g, par):
            rows2 = rows_v.at[par]
            raw2 = raw_v.at[par]
            lin2 = lin_v.at[par]

            def fbody(f, carry):
                accs = carry[:_D]
                acc_sq = carry[_D]
                lin_acc = carry[_D + 1]
                r = iota26 + f
                rc = r // _CHUNK
                rw = r % _CHUNK
                ivraw = plsc.load_gather(raw2, [rc, rw])
                colb = (ivraw & 3) * _D
                lin_acc = lin_acc + plsc.load_gather(lin2, [rc, rw])
                new_accs = []
                for d in range(_D):
                    v = plsc.load_gather(rows2, [r, colb + d])
                    new_accs.append(accs[d] + v)
                    acc_sq = acc_sq + v * v
                return (*new_accs, acc_sq, lin_acc)

            init = (zero,) * (_D + 2)
            res = lax.fori_loop(0, _F, fbody, init)
            accs, acc_sq, lin_acc = res[:_D], res[_D], res[_D + 1]
            ss = accs[0] * accs[0]
            for d in range(1, _D):
                ss = ss + accs[d] * accs[d]
            logit = bias_v[...] + lin_acc + 0.5 * (ss - acc_sq)
            out_v[pl.ds(g * _GS, _L)] = 1.0 / (1.0 + jnp.exp(-logit))

        fire(0, 0)

        def gbody(g2, carry):
            fire(2 * g2 + 1, 1)
            drain(0)
            compute(2 * g2, 0)

            @pl.when(g2 < _GROUPS // 2 - 1)
            def _():
                fire(2 * g2 + 2, 0)

            drain(1)
            compute(2 * g2 + 1, 1)
            return carry

        lax.fori_loop(0, _GROUPS // 2, gbody, 0)
        pltpu.sync_copy(out_v, out_hbm.at[pl.ds(wid * _CB, _CB)])

    return pl.kernel(
        body,
        out_type=jax.ShapeDtypeStruct((_B,), jnp.float32),
        mesh=scmesh,
        scratch_types=[
            pltpu.VMEM((_CPW, _CHUNK), jnp.int32),
            pltpu.VMEM((2, _CPG, _CHUNK), jnp.int32),
            pltpu.VMEM((2, _RG, 4 * _D), jnp.float32),
            pltpu.VMEM((2, _CPG, _CHUNK), jnp.float32),
            pltpu.VMEM((_CB,), jnp.float32),
            pltpu.VMEM((_L,), jnp.float32),
            pltpu.SemaphoreType.DMA,
            pltpu.SemaphoreType.DMA,
            pltpu.SemaphoreType.DMA,
            pltpu.SemaphoreType.DMA,
        ],
        compiler_params=pltpu.CompilerParams(needs_layout_passes=False),
    )


def kernel(x, emb_tables, lin_tables, bias):
    F, V, D = emb_tables.shape
    idx = (x + jnp.arange(F, dtype=jnp.int32)[None, :] * V).reshape(-1)
    raw2d = idx.reshape(-1, _CHUNK)
    dma2d = (idx >> 2).reshape(-1, _CHUNK)
    emb_wide = emb_tables.reshape(F * V // 4, 4 * D)
    lin_flat = lin_tables.reshape(F * V)
    bias16 = jnp.broadcast_to(bias.astype(jnp.float32), (_L,))
    out = _make_fm_kernel()(dma2d, raw2d, emb_wide, lin_flat, bias16)
    return out.reshape(-1, 1)

# --- scband reference (transcript-rebuilt; emitter-appended) ---
"""Pipeline reference for scband-fmmodel-9053791060316 (READ-ONLY COPY).

The authoritative reference and input builder live on the scoring server;
editing this copy changes nothing except your own understanding.
"""

import jax, jax.numpy as jnp
import numpy as np

NUM_FIELDS = 26
VOCAB = 100000
EMBED_DIM = 32
BATCH = 16384


def setup_inputs(seed: int = 0) -> dict:
    key = jax.random.key(seed)
    k1, k2, k3 = jax.random.split(key, 3)
    x = jax.random.randint(k1, (BATCH, NUM_FIELDS), 0, VOCAB, dtype=jnp.int32)
    # xavier_uniform for nn.Embedding(V, D): bound = sqrt(6/(V+D))
    bound_e = float(np.sqrt(6.0 / (VOCAB + EMBED_DIM)))
    emb_tables = jax.random.uniform(k2, (NUM_FIELDS, VOCAB, EMBED_DIM), minval=-bound_e, maxval=bound_e, dtype=jnp.float32)
    bound_l = float(np.sqrt(6.0 / (VOCAB + 1)))
    lin_tables = jax.random.uniform(k3, (NUM_FIELDS, VOCAB, 1), minval=-bound_l, maxval=bound_l, dtype=jnp.float32)
    bias = jnp.zeros((1,), dtype=jnp.float32)
    return {"x": x, "emb_tables": emb_tables, "lin_tables": lin_tables, "bias": bias}


def reference(x, emb_tables, lin_tables, bias):
    # torch code uses bias.item() -> detached scalar broadcast
    logit = jnp.full((x.shape[0],), jax.lax.stop_gradient(bias)[0], dtype=jnp.float32)
    # first-order linear terms: per-field 1-dim embedding lookups (gathers)
    first_order = jnp.zeros_like(logit)
    for i in range(NUM_FIELDS):
        first_order = first_order + jnp.take(lin_tables[i, :, 0], x[:, i], axis=0)
    # second-order: per-field embedding lookups stacked to (B, F, D)
    embeddings = jnp.stack([jnp.take(emb_tables[i], x[:, i], axis=0) for i in range(NUM_FIELDS)], axis=1)
    sum_embed = jnp.sum(embeddings, axis=1)
    sum_square = jnp.sum(sum_embed * sum_embed, axis=1)
    square_embed = embeddings * embeddings
    sum_square_embed = jnp.sum(square_embed, axis=(1, 2))
    second_order = 0.5 * (sum_square - sum_square_embed)
    result = logit + first_order + second_order
    return jax.nn.sigmoid(result.reshape(-1, 1))

if __name__ == "__main__":
    import jax
    _d = setup_inputs()
    print(jax.jit(kernel)(*tuple(_d.values())))

</pallas_src>

<mosaic_0001>
#map = affine_map<(d0, d1) -> (0, 0)>
#map1 = affine_map<(d0, d1) -> (0)>
module attributes {stable_mosaic.version = 14 : i64} {
  func.func @body(%arg0: i32, %arg1: i32, %arg2: memref<4096x104xi32, #tpu.memory_space<hbm>>, %arg3: memref<4096x104xi32, #tpu.memory_space<hbm>>, %arg4: memref<650000x128xf32, #tpu.memory_space<hbm>>, %arg5: memref<2600000xf32, #tpu.memory_space<hbm>>, %arg6: memref<16xf32, #tpu.memory_space<hbm>>, %arg7: memref<16384xf32, #tpu.memory_space<hbm>>, %arg8: memref<128x104xi32, #tpu.memory_space<vmem>>, %arg9: memref<2x4x104xi32, #tpu.memory_space<vmem>>, %arg10: memref<2x416x128xf32, #tpu.memory_space<vmem>>, %arg11: memref<2x4x104xf32, #tpu.memory_space<vmem>>, %arg12: memref<512xf32, #tpu.memory_space<vmem>>, %arg13: memref<16xf32, #tpu.memory_space<vmem>>, %arg14: memref<!tpu.dma_semaphore, #tpu.memory_space<semaphore_mem>>, %arg15: memref<!tpu.dma_semaphore, #tpu.memory_space<semaphore_mem>>, %arg16: memref<!tpu.dma_semaphore, #tpu.memory_space<semaphore_mem>>, %arg17: memref<!tpu.dma_semaphore, #tpu.memory_space<semaphore_mem>>) attributes {dimension_semantics = [#tpu.dimension_semantics<core_parallel>, #tpu.dimension_semantics<subcore_parallel>], iteration_bounds = array<i64: 2, 16>, scalar_prefetch = 0 : i64, scratch_operands = 10 : i64, tpu.core_type = #tpu.core_type<sc_vector_subcore>, window_params = [{transform_indices = #map}, {transform_indices = #map}, {transform_indices = #map}, {transform_indices = #map1}, {transform_indices = #map1}, {transform_indices = #map1}]} {
    %mul3A = arith.constant 2 : i32
    %mul3A_0 = arith.muli %arg1, %mul3A : i32
    %add3A = arith.addi %mul3A_0, %arg0 : i32
    %mul3A_1 = arith.constant 128 : i32
    %mul3A_2 = arith.muli %add3A, %mul3A_1 : i32
    "tpu.region"() ({
      %run_scoped3A_157 = tpu.sem_alloc : memref<!tpu.dma_semaphore, #tpu.memory_space<semaphore_mem>>
      %dma_start3A_158 = arith.constant 0 : i32
      %dma_start3A_159 = tpu.memref_slice %arg2[%mul3A_2, %dma_start3A_158] : memref<4096x104xi32, #tpu.memory_space<hbm>> -> memref<128x104xi32, #tpu.memory_space<hbm>>
      %dma_start3A_160 = arith.constant 0 : i32
      %dma_start3A_161 = tpu.memref_slice %arg2[%mul3A_2, %dma_start3A_160] : memref<4096x104xi32, #tpu.memory_space<hbm>> -> memref<128x104xi32, #tpu.memory_space<hbm>>
      tpu.enqueue_dma source(%dma_start3A_161 : memref<128x104xi32, #tpu.memory_space<hbm>>) target(%arg8 : memref<128x104xi32, #tpu.memory_space<vmem>>) target_semaphore(%run_scoped3A_157 : memref<!tpu.dma_semaphore, #tpu.memory_space<semaphore_mem>>)
      %dma_wait3A = arith.constant 0 : i32
      %dma_wait3A_162 = tpu.memref_slice %arg2[%mul3A_2, %dma_wait3A] : memref<4096x104xi32, #tpu.memory_space<hbm>> -> memref<128x104xi32, #tpu.memory_space<hbm>>
      %dma_wait3A_163 = arith.constant 0 : i32
      %dma_wait3A_164 = tpu.memref_slice %arg2[%mul3A_2, %dma_wait3A_163] : memref<4096x104xi32, #tpu.memory_space<hbm>> -> memref<128x104xi32, #tpu.memory_space<hbm>>
      tpu.wait_dma2 semaphore(%run_scoped3A_157 : memref<!tpu.dma_semaphore, #tpu.memory_space<semaphore_mem>>) src(%dma_wait3A_164 : memref<128x104xi32, #tpu.memory_space<hbm>>) dst(%arg8 : memref<128x104xi32, #tpu.memory_space<vmem>>)
      tpu.yield
    }) : () -> ()
    "tpu.region"() ({
      %run_scoped3A_157 = tpu.sem_alloc : memref<!tpu.dma_semaphore, #tpu.memory_space<semaphore_mem>>
      tpu.enqueue_dma source(%arg6 : memref<16xf32, #tpu.memory_space<hbm>>) target(%arg13 : memref<16xf32, #tpu.memory_space<vmem>>) target_semaphore(%run_scoped3A_157 : memref<!tpu.dma_semaphore, #tpu.memory_space<semaphore_mem>>)
      tpu.wait_dma2 semaphore(%run_scoped3A_157 : memref<!tpu.dma_semaphore, #tpu.memory_space<semaphore_mem>>) src(%arg6 : memref<16xf32, #tpu.memory_space<hbm>>) dst(%arg13 : memref<16xf32, #tpu.memory_space<vmem>>)
      tpu.yield
    }) : () -> ()
    %iota3A = tpu.iota {dimensions = array<i32: 0>} : vector<16xi32>
    %mul3A_3 = arith.constant 26 : i32
    %mul3A_4 = vector.broadcast %mul3A_3 : i32 to vector<16xi32>
    %mul3A_5 = arith.muli %iota3A, %mul3A_4 : vector<16xi32>
    %broadcast_in_dim3A = arith.constant 0.000000e+00 : f32
    %broadcast_in_dim3A_6 = vector.broadcast %broadcast_in_dim3A : f32 to vector<16xf32>
    %mul3A_7 = arith.constant 128 : i32
    %mul3A_8 = arith.muli %add3A, %mul3A_7 : i32
    %add3A_9 = arith.constant 0 : i32
    %add3A_10 = arith.addi %mul3A_8, %add3A_9 : i32
    %run_scoped3A = arith.constant 0 : i32
    "tpu.region"() ({
      %run_scoped3A_157 = tpu.sem_alloc : memref<!tpu.dma_semaphore, #tpu.memory_space<semaphore_mem>>
      %dma_start3A_158 = arith.constant 0 : i32
      %dma_start3A_159 = arith.constant 0 : i32
      %dma_start3A_160 = tpu.memref_slice %arg9[%run_scoped3A, %dma_start3A_158, %dma_start3A_159] : memref<2x4x104xi32, #tpu.memory_space<vmem>> -> memref<1x4x104xi32, #tpu.memory_space<vmem>>
      %dma_start3A_161 = tpu.memref_squeeze %dma_start3A_160 : memref<1x4x104xi32, #tpu.memory_space<vmem>> -> memref<4x104xi32, #tpu.memory_space<vmem>>
      %dma_start3A_162 = arith.constant 0 : i32
      %dma_start3A_163 = tpu.memref_slice %arg3[%add3A_10, %dma_start3A_162] : memref<4096x104xi32, #tpu.memory_space<hbm>> -> memref<4x104xi32, #tpu.memory_space<hbm>>
      %dma_start3A_164 = arith.constant 0 : i32
      %dma_start3A_165 = arith.constant 0 : i32
      %dma_start3A_166 = tpu.memref_slice %arg9[%run_scoped3A, %dma_start3A_164, %dma_start3A_165] : memref<2x4x104xi32, #tpu.memory_space<vmem>> -> memref<1x4x104xi32, #tpu.memory_space<vmem>>
      %dma_start3A_167 = tpu.memref_squeeze %dma_start3A_166 : memref<1x4x104xi32, #tpu.memory_space<vmem>> -> memref<4x104xi32, #tpu.memory_space<vmem>>
      %dma_start3A_168 = arith.constant 0 : i32
      %dma_start3A_169 = tpu.memref_slice %arg3[%add3A_10, %dma_start3A_168] : memref<4096x104xi32, #tpu.memory_space<hbm>> -> memref<4x104xi32, #tpu.memory_space<hbm>>
      tpu.enqueue_dma source(%dma_start3A_169 : memref<4x104xi32, #tpu.memory_space<hbm>>) target(%dma_start3A_167 : memref<4x104xi32, #tpu.memory_space<vmem>>) target_semaphore(%run_scoped3A_157 : memref<!tpu.dma_semaphore, #tpu.memory_space<semaphore_mem>>)
      %dma_wait3A = arith.constant 0 : i32
      %dma_wait3A_170 = arith.constant 0 : i32
      %dma_wait3A_171 = tpu.memref_slice %arg9[%run_scoped3A, %dma_wait3A, %dma_wait3A_170] : memref<2x4x104xi32, #tpu.memory_space<vmem>> -> memref<1x4x104xi32, #tpu.memory_space<vmem>>
      %dma_wait3A_172 = tpu.memref_squeeze %dma_wait3A_171 : memref<1x4x104xi32, #tpu.memory_space<vmem>> -> memref<4x104xi32, #tpu.memory_space<vmem>>
      %dma_wait3A_173 = arith.constant 0 : i32
      %dma_wait3A_174 = tpu.memref_slice %arg3[%add3A_10, %dma_wait3A_173] : memref<4096x104xi32, #tpu.memory_space<hbm>> -> memref<4x104xi32, #tpu.memory_space<hbm>>
      %dma_wait3A_175 = arith.constant 0 : i32
      %dma_wait3A_176 = arith.constant 0 : i32
      %dma_wait3A_177 = tpu.memref_slice %arg9[%run_scoped3A, %dma_wait3A_175, %dma_wait3A_176] : memref<2x4x104xi32, #tpu.memory_space<vmem>> -> memref<1x4x104xi32, #tpu.memory_space<vmem>>
      %dma_wait3A_178 = tpu.memref_squeeze %dma_wait3A_177 : memref<1x4x104xi32, #tpu.memory_space<vmem>> -> memref<4x104xi32, #tpu.memory_space<vmem>>
      %dma_wait3A_179 = arith.constant 0 : i32
      %dma_wait3A_180 = tpu.memref_slice %arg3[%add3A_10, %dma_wait3A_179] : memref<4096x104xi32, #tpu.memory_space<hbm>> -> memref<4x104xi32, #tpu.memory_space<hbm>>
      tpu.wait_dma2 semaphore(%run_scoped3A_157 : memref<!tpu.dma_semaphore, #tpu.memory_space<semaphore_mem>>) src(%dma_wait3A_180 : memref<4x104xi32, #tpu.memory_space<hbm>>) dst(%dma_wait3A_178 : memref<4x104xi32, #tpu.memory_space<vmem>>)
      tpu.yield
    }) : () -> ()
    %dma_start3A = arith.constant 0 : i32
    %dma_start3A_11 = arith.constant 0 : i32
    %dma_start3A_12 = arith.constant 0 : i32
    %dma_start3A_13 = arith.constant 0 : i32
    %dma_start3A_14 = tpu.memref_slice %arg10[%dma_start3A_11, %dma_start3A_12, %dma_start3A_13] : memref<2x416x128xf32, #tpu.memory_space<vmem>> -> memref<1x416x128xf32, #tpu.memory_space<vmem>>
    %dma_start3A_15 = tpu.memref_squeeze %dma_start3A_14 : memref<1x416x128xf32, #tpu.memory_space<vmem>> -> memref<416x128xf32, #tpu.memory_space<vmem>>
    %dma_start3A_16 = arith.constant 0 : i32
    %dma_start3A_17 = arith.constant 0 : i32
    %dma_start3A_18 = tpu.memref_slice %dma_start3A_15[%dma_start3A_16, %dma_start3A_17] : memref<416x128xf32, #tpu.memory_space<vmem>> -> memref<104x128xf32, #tpu.memory_space<vmem>>
    %dma_start3A_19 = arith.constant 0 : i32
    %dma_start3A_20 = tpu.memref_slice %arg8[%dma_start3A, %dma_start3A_19] : memref<128x104xi32, #tpu.memory_space<vmem>> -> memref<1x104xi32, #tpu.memory_space<vmem>>
    %dma_start3A_21 = tpu.memref_squeeze %dma_start3A_20 : memref<1x104xi32, #tpu.memory_space<vmem>> -> memref<104xi32, #tpu.memory_space<vmem>>
    %dma_start3A_22 = arith.constant 0 : i32
    %dma_start3A_23 = arith.constant 0 : i32
    %dma_start3A_24 = tpu.memref_slice %arg4[%dma_start3A_22, %dma_start3A_23] : memref<650000x128xf32, #tpu.memory_space<hbm>> -> memref<650000x128xf32, #tpu.memory_space<hbm>>
    tpu.enqueue_indirect_dma source(%dma_start3A_24 : memref<650000x128xf32, #tpu.memory_space<hbm>>) target(%dma_start3A_18 : memref<104x128xf32, #tpu.memory_space<vmem>>) offsets(%dma_start3A_21 : memref<104xi32, #tpu.memory_space<vmem>>) semaphore(%arg14 : memref<!tpu.dma_semaphore, #tpu.memory_space<semaphore_mem>>)
    %dma_start3A_25 = arith.constant 0 : i32
    %dma_start3A_26 = arith.constant 0 : i32
    %dma_start3A_27 = arith.constant 0 : i32
    %dma_start3A_28 = arith.constant 0 : i32
    %dma_start3A_29 = arith.constant 0 : i32
    %dma_start3A_30 = arith.constant 0 : i32
    %dma_start3A_31 = tpu.memref_slice %arg11[%dma_start3A_27, %dma_start3A_29, %dma_start3A_30] : memref<2x4x104xf32, #tpu.memory_space<vmem>> -> memref<1x4x104xf32, #tpu.memory_space<vmem>>
    %dma_start3A_32 = tpu.memref_squeeze %dma_start3A_31 : memref<1x4x104xf32, #tpu.memory_space<vmem>> -> memref<4x104xf32, #tpu.memory_space<vmem>>
    %dma_start3A_33 = arith.constant 0 : i32
    %dma_start3A_34 = tpu.memref_slice %dma_start3A_32[%dma_start3A_28, %dma_start3A_33] : memref<4x104xf32, #tpu.memory_space<vmem>> -> memref<1x104xf32, #tpu.memory_space<vmem>>
    %dma_start3A_35 = tpu.memref_squeeze %dma_start3A_34 : memref<1x104xf32, #tpu.memory_space<vmem>> -> memref<104xf32, #tpu.memory_space<vmem>>
    %dma_start3A_36 = arith.constant 0 : i32
    %dma_start3A_37 = arith.constant 0 : i32
    %dma_start3A_38 = tpu.memref_slice %arg9[%dma_start3A_25, %dma_start3A_36, %dma_start3A_37] : memref<2x4x104xi32, #tpu.memory_space<vmem>> -> memref<1x4x104xi32, #tpu.memory_space<vmem>>
    %dma_start3A_39 = tpu.memref_squeeze %dma_start3A_38 : memref<1x4x104xi32, #tpu.memory_space<vmem>> -> memref<4x104xi32, #tpu.memory_space<vmem>>
    %dma_start3A_40 = arith.constant 0 : i32
    %dma_start3A_41 = tpu.memref_slice %dma_start3A_39[%dma_start3A_26, %dma_start3A_40] : memref<4x104xi32, #tpu.memory_space<vmem>> -> memref<1x104xi32, #tpu.memory_space<vmem>>
    %dma_start3A_42 = tpu.memref_squeeze %dma_start3A_41 : memref<1x104xi32, #tpu.memory_space<vmem>> -> memref<104xi32, #tpu.memory_space<vmem>>
    %dma_start3A_43 = arith.constant 0 : i32
    %dma_start3A_44 = tpu.memref_slice %arg5[%dma_start3A_43] : memref<2600000xf32, #tpu.memory_space<hbm>> -> memref<2600000xf32, #tpu.memory_space<hbm>>
    tpu.enqueue_indirect_dma source(%dma_start3A_44 : memref<2600000xf32, #tpu.memory_space<hbm>>) target(%dma_start3A_35 : memref<104xf32, #tpu.memory_space<vmem>>) offsets(%dma_start3A_42 : memref<104xi32, #tpu.memory_space<vmem>>) semaphore(%arg16 : memref<!tpu.dma_semaphore, #tpu.memory_space<semaphore_mem>>)
    %dma_start3A_45 = arith.constant 1 : i32
    %dma_start3A_46 = arith.constant 0 : i32
    %dma_start3A_47 = arith.constant 0 : i32
    %dma_start3A_48 = arith.constant 0 : i32
    %dma_start3A_49 = tpu.memref_slice %arg10[%dma_start3A_46, %dma_start3A_47, %dma_start3A_48] : memref<2x416x128xf32, #tpu.memory_space<vmem>> -> memref<1x416x128xf32, #tpu.memory_space<vmem>>
    %dma_start3A_50 = tpu.memref_squeeze %dma_start3A_49 : memref<1x416x128xf32, #tpu.memory_space<vmem>> -> memref<416x128xf32, #tpu.memory_space<vmem>>
    %dma_start3A_51 = arith.constant 104 : i32
    %dma_start3A_52 = arith.constant 0 : i32
    %dma_start3A_53 = tpu.memref_slice %dma_start3A_50[%dma_start3A_51, %dma_start3A_52] : memref<416x128xf32, #tpu.memory_space<vmem>> -> memref<104x128xf32, #tpu.memory_space<vmem>>
    %dma_start3A_54 = arith.constant 0 : i32
    %dma_start3A_55 = tpu.memref_slice %arg8[%dma_start3A_45, %dma_start3A_54] : memref<128x104xi32, #tpu.memory_space<vmem>> -> memref<1x104xi32, #tpu.memory_space<vmem>>
    %dma_start3A_56 = tpu.memref_squeeze %dma_start3A_55 : memref<1x104xi32, #tpu.memory_space<vmem>> -> memref<104xi32, #tpu.memory_space<vmem>>
    %dma_start3A_57 = arith.constant 0 : i32
    %dma_start3A_58 = arith.constant 0 : i32
    %dma_start3A_59 = tpu.memref_slice %arg4[%dma_start3A_57, %dma_start3A_58] : memref<650000x128xf32, #tpu.memory_space<hbm>> -> memref<650000x128xf32, #tpu.memory_space<hbm>>
    tpu.enqueue_indirect_dma source(%dma_start3A_59 : memref<650000x128xf32, #tpu.memory_space<hbm>>) target(%dma_start3A_53 : memref<104x128xf32, #tpu.memory_space<vmem>>) offsets(%dma_start3A_56 : memref<104xi32, #tpu.memory_space<vmem>>) semaphore(%arg14 : memref<!tpu.dma_semaphore, #tpu.memory_space<semaphore_mem>>)
    %dma_start3A_60 = arith.constant 0 : i32
    %dma_start3A_61 = arith.constant 1 : i32
    %dma_start3A_62 = arith.constant 0 : i32
    %dma_start3A_63 = arith.constant 1 : i32
    %dma_start3A_64 = arith.constant 0 : i32
    %dma_start3A_65 = arith.constant 0 : i32
    %dma_start3A_66 = tpu.memref_slice %arg11[%dma_start3A_62, %dma_start3A_64, %dma_start3A_65] : memref<2x4x104xf32, #tpu.memory_space<vmem>> -> memref<1x4x104xf32, #tpu.memory_space<vmem>>
    %dma_start3A_67 = tpu.memref_squeeze %dma_start3A_66 : memref<1x4x104xf32, #tpu.memory_space<vmem>> -> memref<4x104xf32, #tpu.memory_space<vmem>>
    %dma_start3A_68 = arith.constant 0 : i32
    %dma_start3A_69 = tpu.memref_slice %dma_start3A_67[%dma_start3A_63, %dma_start3A_68] : memref<4x104xf32, #tpu.memory_space<vmem>> -> memref<1x104xf32, #tpu.memory_space<vmem>>
    %dma_start3A_70 = tpu.memref_squeeze %dma_start3A_69 : memref<1x104xf32, #tpu.memory_space<vmem>> -> memref<104xf32, #tpu.memory_space<vmem>>
    %dma_start3A_71 = arith.constant 0 : i32
    %dma_start3A_72 = arith.constant 0 : i32
    %dma_start3A_73 = tpu.memref_slice %arg9[%dma_start3A_60, %dma_start3A_71, %dma_start3A_72] : memref<2x4x104xi32, #tpu.memory_space<vmem>> -> memref<1x4x104xi32, #tpu.memory_space<vmem>>
    %dma_start3A_74 = tpu.memref_squeeze %dma_start3A_73 : memref<1x4x104xi32, #tpu.memory_space<vmem>> -> memref<4x104xi32, #tpu.memory_space<vmem>>
    %dma_start3A_75 = arith.constant 0 : i32
    %dma_start3A_76 = tpu.memref_slice %dma_start3A_74[%dma_start3A_61, %dma_start3A_75] : memref<4x104xi32, #tpu.memory_space<vmem>> -> memref<1x104xi32, #tpu.memory_space<vmem>>
    %dma_start3A_77 = tpu.memref_squeeze %dma_start3A_76 : memref<1x104xi32, #tpu.memory_space<vmem>> -> memref<104xi32, #tpu.memory_space<vmem>>
    %dma_start3A_78 = arith.constant 0 : i32
    %dma_start3A_79 = tpu.memref_slice %arg5[%dma_start3A_78] : memref<2600000xf32, #tpu.memory_space<hbm>> -> memref<2600000xf32, #tpu.memory_space<hbm>>
    tpu.enqueue_indirect_dma source(%dma_start3A_79 : memref<2600000xf32, #tpu.memory_space<hbm>>) target(%dma_start3A_70 : memref<104xf32, #tpu.memory_space<vmem>>) offsets(%dma_start3A_77 : memref<104xi32, #tpu.memory_space<vmem>>) semaphore(%arg16 : memref<!tpu.dma_semaphore, #tpu.memory_space<semaphore_mem>>)
    %dma_start3A_80 = arith.constant 2 : i32
    %dma_start3A_81 = arith.constant 0 : i32
    %dma_start3A_82 = arith.constant 0 : i32
    %dma_start3A_83 = arith.constant 0 : i32
    %dma_start3A_84 = tpu.memref_slice %arg10[%dma_start3A_81, %dma_start3A_82, %dma_start3A_83] : memref<2x416x128xf32, #tpu.memory_space<vmem>> -> memref<1x416x128xf32, #tpu.memory_space<vmem>>
    %dma_start3A_85 = tpu.memref_squeeze %dma_start3A_84 : memref<1x416x128xf32, #tpu.memory_space<vmem>> -> memref<416x128xf32, #tpu.memory_space<vmem>>
    %dma_start3A_86 = arith.constant 208 : i32
    %dma_start3A_87 = arith.constant 0 : i32
    %dma_start3A_88 = tpu.memref_slice %dma_start3A_85[%dma_start3A_86, %dma_start3A_87] : memref<416x128xf32, #tpu.memory_space<vmem>> -> memref<104x128xf32, #tpu.memory_space<vmem>>
    %dma_start3A_89 = arith.constant 0 : i32
    %dma_start3A_90 = tpu.memref_slice %arg8[%dma_start3A_80, %dma_start3A_89] : memref<128x104xi32, #tpu.memory_space<vmem>> -> memref<1x104xi32, #tpu.memory_space<vmem>>
    %dma_start3A_91 = tpu.memref_squeeze %dma_start3A_90 : memref<1x104xi32, #tpu.memory_space<vmem>> -> memref<104xi32, #tpu.memory_space<vmem>>
    %dma_start3A_92 = arith.constant 0 : i32
    %dma_start3A_93 = arith.constant 0 : i32
    %dma_start3A_94 = tpu.memref_slice %arg4[%dma_start3A_92, %dma_start3A_93] : memref<650000x128xf32, #tpu.memory_space<hbm>> -> memref<650000x128xf32, #tpu.memory_space<hbm>>
    tpu.enqueue_indirect_dma source(%dma_start3A_94 : memref<650000x128xf32, #tpu.memory_space<hbm>>) target(%dma_start3A_88 : memref<104x128xf32, #tpu.memory_space<vmem>>) offsets(%dma_start3A_91 : memref<104xi32, #tpu.memory_space<vmem>>) semaphore(%arg14 : memref<!tpu.dma_semaphore, #tpu.memory_space<semaphore_mem>>)
    %dma_start3A_95 = arith.constant 0 : i32
    %dma_start3A_96 = arith.constant 2 : i32
    %dma_start3A_97 = arith.constant 0 : i32
    %dma_start3A_98 = arith.constant 2 : i32
    %dma_start3A_99 = arith.constant 0 : i32
    %dma_start3A_100 = arith.constant 0 : i32
    %dma_start3A_101 = tpu.memref_slice %arg11[%dma_start3A_97, %dma_start3A_99, %dma_start3A_100] : memref<2x4x104xf32, #tpu.memory_space<vmem>> -> memref<1x4x104xf32, #tpu.memory_space<vmem>>
    %dma_start3A_102 = tpu.memref_squeeze %dma_start3A_101 : memref<1x4x104xf32, #tpu.memory_space<vmem>> -> memref<4x104xf32, #tpu.memory_space<vmem>>
    %dma_start3A_103 = arith.constant 0 : i32
    %dma_start3A_104 = tpu.memref_slice %dma_start3A_102[%dma_start3A_98, %dma_start3A_103] : memref<4x104xf32, #tpu.memory_space<vmem>> -> memref<1x104xf32, #tpu.memory_space<vmem>>
    %dma_start3A_105 = tpu.memref_squeeze %dma_start3A_104 : memref<1x104xf32, #tpu.memory_space<vmem>> -> memref<104xf32, #tpu.memory_space<vmem>>
    %dma_start3A_106 = arith.constant 0 : i32
    %dma_start3A_107 = arith.constant 0 : i32
    %dma_start3A_108 = tpu.memref_slice %arg9[%dma_start3A_95, %dma_start3A_106, %dma_start3A_107] : memref<2x4x104xi32, #tpu.memory_space<vmem>> -> memref<1x4x104xi32, #tpu.memory_space<vmem>>
    %dma_start3A_109 = tpu.memref_squeeze %dma_start3A_108 : memref<1x4x104xi32, #tpu.memory_space<vmem>> -> memref<4x104xi32, #tpu.memory_space<vmem>>
    %dma_start3A_110 = arith.constant 0 : i32
    %dma_start3A_111 = tpu.memref_slice %dma_start3A_109[%dma_start3A_96, %dma_start3A_110] : memref<4x104xi32, #tpu.memory_space<vmem>> -> memref<1x104xi32, #tpu.memory_space<vmem>>
    %dma_start3A_112 = tpu.memref_squeeze %dma_start3A_111 : memref<1x104xi32, #tpu.memory_space<vmem>> -> memref<104xi32, #tpu.memory_space<vmem>>
    %dma_start3A_113 = arith.constant 0 : i32
    %dma_start3A_114 = tpu.memref_slice %arg5[%dma_start3A_113] : memref<2600000xf32, #tpu.memory_space<hbm>> -> memref<2600000xf32, #tpu.memory_space<hbm>>
    tpu.enqueue_indirect_dma source(%dma_start3A_114 : memref<2600000xf32, #tpu.memory_space<hbm>>) target(%dma_start3A_105 : memref<104xf32, #tpu.memory_space<vmem>>) offsets(%dma_start3A_112 : memref<104xi32, #tpu.memory_space<vmem>>) semaphore(%arg16 : memref<!tpu.dma_semaphore, #tpu.memory_space<semaphore_mem>>)
    %dma_start3A_115 = arith.constant 3 : i32
    %dma_start3A_116 = arith.constant 0 : i32
    %dma_start3A_117 = arith.constant 0 : i32
    %dma_start3A_118 = arith.constant 0 : i32
    %dma_start3A_119 = tpu.memref_slice %arg10[%dma_start3A_116, %dma_start3A_117, %dma_start3A_118] : memref<2x416x128xf32, #tpu.memory_space<vmem>> -> memref<1x416x128xf32, #tpu.memory_space<vmem>>
    %dma_start3A_120 = tpu.memref_squeeze %dma_start3A_119 : memref<1x416x128xf32, #tpu.memory_space<vmem>> -> memref<416x128xf32, #tpu.memory_space<vmem>>
    %dma_start3A_121 = arith.constant 312 : i32
    %dma_start3A_122 = arith.constant 0 : i32
    %dma_start3A_123 = tpu.memref_slice %dma_start3A_120[%dma_start3A_121, %dma_start3A_122] : memref<416x128xf32, #tpu.memory_space<vmem>> -> memref<104x128xf32, #tpu.memory_space<vmem>>
    %dma_start3A_124 = arith.constant 0 : i32
    %dma_start3A_125 = tpu.memref_slice %arg8[%dma_start3A_115, %dma_start3A_124] : memref<128x104xi32, #tpu.memory_space<vmem>> -> memref<1x104xi32, #tpu.memory_space<vmem>>
    %dma_start3A_126 = tpu.memref_squeeze %dma_start3A_125 : memref<1x104xi32, #tpu.memory_space<vmem>> -> memref<104xi32, #tpu.memory_space<vmem>>
    %dma_start3A_127 = arith.constant 0 : i32
    %dma_start3A_128 = arith.constant 0 : i32
    %dma_start3A_129 = tpu.memref_slice %arg4[%dma_start3A_127, %dma_start3A_128] : memref<650000x128xf32, #tpu.memory_space<hbm>> -> memref<650000x128xf32, #tpu.memory_space<hbm>>
    tpu.enqueue_indirect_dma source(%dma_start3A_129 : memref<650000x128xf32, #tpu.memory_space<hbm>>) target(%dma_start3A_123 : memref<104x128xf32, #tpu.memory_space<vmem>>) offsets(%dma_start3A_126 : memref<104xi32, #tpu.memory_space<vmem>>) semaphore(%arg14 : memref<!tpu.dma_semaphore, #tpu.memory_space<semaphore_mem>>)
    %dma_start3A_130 = arith.constant 0 : i32
    %dma_start3A_131 = arith.constant 3 : i32
    %dma_start3A_132 = arith.constant 0 : i32
    %dma_start3A_133 = arith.constant 3 : i32
    %dma_start3A_134 = arith.constant 0 : i32
    %dma_start3A_135 = arith.constant 0 : i32
    %dma_start3A_136 = tpu.memref_slice %arg11[%dma_start3A_132, %dma_start3A_134, %dma_start3A_135] : memref<2x4x104xf32, #tpu.memory_space<vmem>> -> memref<1x4x104xf32, #tpu.memory_space<vmem>>
    %dma_start3A_137 = tpu.memref_squeeze %dma_start3A_136 : memref<1x4x104xf32, #tpu.memory_space<vmem>> -> memref<4x104xf32, #tpu.memory_space<vmem>>
    %dma_start3A_138 = arith.constant 0 : i32
    %dma_start3A_139 = tpu.memref_slice %dma_start3A_137[%dma_start3A_133, %dma_start3A_138] : memref<4x104xf32, #tpu.memory_space<vmem>> -> memref<1x104xf32, #tpu.memory_space<vmem>>
    %dma_start3A_140 = tpu.memref_squeeze %dma_start3A_139 : memref<1x104xf32, #tpu.memory_space<vmem>> -> memref<104xf32, #tpu.memory_space<vmem>>
    %dma_start3A_141 = arith.constant 0 : i32
    %dma_start3A_142 = arith.constant 0 : i32
    %dma_start3A_143 = tpu.memref_slice %arg9[%dma_start3A_130, %dma_start3A_141, %dma_start3A_142] : memref<2x4x104xi32, #tpu.memory_space<vmem>> -> memref<1x4x104xi32, #tpu.memory_space<vmem>>
    %dma_start3A_144 = tpu.memref_squeeze %dma_start3A_143 : memref<1x4x104xi32, #tpu.memory_space<vmem>> -> memref<4x104xi32, #tpu.memory_space<vmem>>
    %dma_start3A_145 = arith.constant 0 : i32
    %dma_start3A_146 = tpu.memref_slice %dma_start3A_144[%dma_start3A_131, %dma_start3A_145] : memref<4x104xi32, #tpu.memory_space<vmem>> -> memref<1x104xi32, #tpu.memory_space<vmem>>
    %dma_start3A_147 = tpu.memref_squeeze %dma_start3A_146 : memref<1x104xi32, #tpu.memory_space<vmem>> -> memref<104xi32, #tpu.memory_space<vmem>>
    %dma_start3A_148 = arith.constant 0 : i32
    %dma_start3A_149 = tpu.memref_slice %arg5[%dma_start3A_148] : memref<2600000xf32, #tpu.memory_space<hbm>> -> memref<2600000xf32, #tpu.memory_space<hbm>>
    tpu.enqueue_indirect_dma source(%dma_start3A_149 : memref<2600000xf32, #tpu.memory_space<hbm>>) target(%dma_start3A_140 : memref<104xf32, #tpu.memory_space<vmem>>) offsets(%dma_start3A_147 : memref<104xi32, #tpu.memory_space<vmem>>) semaphore(%arg16 : memref<!tpu.dma_semaphore, #tpu.memory_space<semaphore_mem>>)
    %scan3A = arith.constant 0 : i32
    %scan3A_150 = arith.constant 0 : i32
    %scan3A_151 = arith.constant 16 : i32
    %scan3A_152 = arith.addi %scan3A_150, %scan3A_151 : i32
    %scan3A_153 = arith.constant 1 : i32
    scf.for %scan3A_157 = %scan3A_150 to %scan3A_152 step %scan3A_153  : i32 {
      %mul3A_158 = arith.constant 2 : i32
      %mul3A_159 = arith.muli %mul3A_158, %scan3A_157 : i32
      %add3A_160 = arith.constant 1 : i32
      %add3A_161 = arith.addi %mul3A_159, %add3A_160 : i32
      %mul3A_162 = arith.constant 128 : i32
      %mul3A_163 = arith.muli %add3A, %mul3A_162 : i32
      %mul3A_164 = arith.constant 4 : i32
      %mul3A_165 = arith.muli %add3A_161, %mul3A_164 : i32
      %add3A_166 = arith.addi %mul3A_163, %mul3A_165 : i32
      %run_scoped3A_167 = arith.constant 1 : i32
      "tpu.region"() ({
        %run_scoped3A_837 = tpu.sem_alloc : memref<!tpu.dma_semaphore, #tpu.memory_space<semaphore_mem>>
        %dma_start3A_838 = arith.constant 0 : i32
        %dma_start3A_839 = arith.constant 0 : i32
        %dma_start3A_840 = tpu.memref_slice %arg9[%run_scoped3A_167, %dma_start3A_838, %dma_start3A_839] : memref<2x4x104xi32, #tpu.memory_space<vmem>> -> memref<1x4x104xi32, #tpu.memory_space<vmem>>
        %dma_start3A_841 = tpu.memref_squeeze %dma_start3A_840 : memref<1x4x104xi32, #tpu.memory_space<vmem>> -> memref<4x104xi32, #tpu.memory_space<vmem>>
        %dma_start3A_842 = arith.constant 0 : i32
        %dma_start3A_843 = tpu.memref_slice %arg3[%add3A_166, %dma_start3A_842] : memref<4096x104xi32, #tpu.memory_space<hbm>> -> memref<4x104xi32, #tpu.memory_space<hbm>>
        %dma_start3A_844 = arith.constant 0 : i32
        %dma_start3A_845 = arith.constant 0 : i32
        %dma_start3A_846 = tpu.memref_slice %arg9[%run_scoped3A_167, %dma_start3A_844, %dma_start3A_845] : memref<2x4x104xi32, #tpu.memory_space<vmem>> -> memref<1x4x104xi32, #tpu.memory_space<vmem>>
        %dma_start3A_847 = tpu.memref_squeeze %dma_start3A_846 : memref<1x4x104xi32, #tpu.memory_space<vmem>> -> memref<4x104xi32, #tpu.memory_space<vmem>>
        %dma_start3A_848 = arith.constant 0 : i32
        %dma_start3A_849 = tpu.memref_slice %arg3[%add3A_166, %dma_start3A_848] : memref<4096x104xi32, #tpu.memory_space<hbm>> -> memref<4x104xi32, #tpu.memory_space<hbm>>
        tpu.enqueue_dma source(%dma_start3A_849 : memref<4x104xi32, #tpu.memory_space<hbm>>) target(%dma_start3A_847 : memref<4x104xi32, #tpu.memory_space<vmem>>) target_semaphore(%run_scoped3A_837 : memref<!tpu.dma_semaphore, #tpu.memory_space<semaphore_mem>>)
        %dma_wait3A_850 = arith.constant 0 : i32
        %dma_wait3A_851 = arith.constant 0 : i32
        %dma_wait3A_852 = tpu.memref_slice %arg9[%run_scoped3A_167, %dma_wait3A_850, %dma_wait3A_851] : memref<2x4x104xi32, #tpu.memory_space<vmem>> -> memref<1x4x104xi32, #tpu.memory_space<vmem>>
        %dma_wait3A_853 = tpu.memref_squeeze %dma_wait3A_852 : memref<1x4x104xi32, #tpu.memory_space<vmem>> -> memref<4x104xi32, #tpu.memory_space<vmem>>
        %dma_wait3A_854 = arith.constant 0 : i32
        %dma_wait3A_855 = tpu.memref_slice %arg3[%add3A_166, %dma_wait3A_854] : memref<4096x104xi32, #tpu.memory_space<hbm>> -> memref<4x104xi32, #tpu.memory_space<hbm>>
        %dma_wait3A_856 = arith.constant 0 : i32
        %dma_wait3A_857 = arith.constant 0 : i32
        %dma_wait3A_858 = tpu.memref_slice %arg9[%run_scoped3A_167, %dma_wait3A_856, %dma_wait3A_857] : memref<2x4x104xi32, #tpu.memory_space<vmem>> -> memref<1x4x104xi32, #tpu.memory_space<vmem>>
        %dma_wait3A_859 = tpu.memref_squeeze %dma_wait3A_858 : memref<1x4x104xi32, #tpu.memory_space<vmem>> -> memref<4x104xi32, #tpu.memory_space<vmem>>
        %dma_wait3A_860 = arith.constant 0 : i32
        %dma_wait3A_861 = tpu.memref_slice %arg3[%add3A_166, %dma_wait3A_860] : memref<4096x104xi32, #tpu.memory_space<hbm>> -> memref<4x104xi32, #tpu.memory_space<hbm>>
        tpu.wait_dma2 semaphore(%run_scoped3A_837 : memref<!tpu.dma_semaphore, #tpu.memory_space<semaphore_mem>>) src(%dma_wait3A_861 : memref<4x104xi32, #tpu.memory_space<hbm>>) dst(%dma_wait3A_859 : memref<4x104xi32, #tpu.memory_space<vmem>>)
        tpu.yield
      }) : () -> ()
      %mul3A_168 = arith.constant 4 : i32
      %mul3A_169 = arith.muli %add3A_161, %mul3A_168 : i32
      %add3A_170 = arith.constant 0 : i32
      %add3A_171 = arith.addi %mul3A_169, %add3A_170 : i32
      %dma_start3A_172 = arith.constant 1 : i32
      %dma_start3A_173 = arith.constant 0 : i32
      %dma_start3A_174 = arith.constant 0 : i32
      %dma_start3A_175 = tpu.memref_slice %arg10[%dma_start3A_172, %dma_start3A_173, %dma_start3A_174] : memref<2x416x128xf32, #tpu.memory_space<vmem>> -> memref<1x416x128xf32, #tpu.memory_space<vmem>>
      %dma_start3A_176 = tpu.memref_squeeze %dma_start3A_175 : memref<1x416x128xf32, #tpu.memory_space<vmem>> -> memref<416x128xf32, #tpu.memory_space<vmem>>
      %dma_start3A_177 = arith.constant 0 : i32
      %dma_start3A_178 = arith.constant 0 : i32
      %dma_start3A_179 = tpu.memref_slice %dma_start3A_176[%dma_start3A_177, %dma_start3A_178] : memref<416x128xf32, #tpu.memory_space<vmem>> -> memref<104x128xf32, #tpu.memory_space<vmem>>
      %dma_start3A_180 = arith.constant 0 : i32
      %dma_start3A_181 = tpu.memref_slice %arg8[%add3A_171, %dma_start3A_180] : memref<128x104xi32, #tpu.memory_space<vmem>> -> memref<1x104xi32, #tpu.memory_space<vmem>>
      %dma_start3A_182 = tpu.memref_squeeze %dma_start3A_181 : memref<1x104xi32, #tpu.memory_space<vmem>> -> memref<104xi32, #tpu.memory_space<vmem>>
      %dma_start3A_183 = arith.constant 0 : i32
      %dma_start3A_184 = arith.constant 0 : i32
      %dma_start3A_185 = tpu.memref_slice %arg4[%dma_start3A_183, %dma_start3A_184] : memref<650000x128xf32, #tpu.memory_space<hbm>> -> memref<650000x128xf32, #tpu.memory_space<hbm>>
      tpu.enqueue_indirect_dma source(%dma_start3A_185 : memref<650000x128xf32, #tpu.memory_space<hbm>>) target(%dma_start3A_179 : memref<104x128xf32, #tpu.memory_space<vmem>>) offsets(%dma_start3A_182 : memref<104xi32, #tpu.memory_space<vmem>>) semaphore(%arg15 : memref<!tpu.dma_semaphore, #tpu.memory_space<semaphore_mem>>)
      %dma_start3A_186 = arith.constant 1 : i32
      %dma_start3A_187 = arith.constant 0 : i32
      %dma_start3A_188 = arith.constant 1 : i32
      %dma_start3A_189 = arith.constant 0 : i32
      %dma_start3A_190 = arith.constant 0 : i32
      %dma_start3A_191 = arith.constant 0 : i32
      %dma_start3A_192 = tpu.memref_slice %arg11[%dma_start3A_188, %dma_start3A_190, %dma_start3A_191] : memref<2x4x104xf32, #tpu.memory_space<vmem>> -> memref<1x4x104xf32, #tpu.memory_space<vmem>>
      %dma_start3A_193 = tpu.memref_squeeze %dma_start3A_192 : memref<1x4x104xf32, #tpu.memory_space<vmem>> -> memref<4x104xf32, #tpu.memory_space<vmem>>
      %dma_start3A_194 = arith.constant 0 : i32
      %dma_start3A_195 = tpu.memref_slice %dma_start3A_193[%dma_start3A_189, %dma_start3A_194] : memref<4x104xf32, #tpu.memory_space<vmem>> -> memref<1x104xf32, #tpu.memory_space<vmem>>
      %dma_start3A_196 = tpu.memref_squeeze %dma_start3A_195 : memref<1x104xf32, #tpu.memory_space<vmem>> -> memref<104xf32, #tpu.memory_space<vmem>>
      %dma_start3A_197 = arith.constant 0 : i32
      %dma_start3A_198 = arith.constant 0 : i32
      %dma_start3A_199 = tpu.memref_slice %arg9[%dma_start3A_186, %dma_start3A_197, %dma_start3A_198] : memref<2x4x104xi32, #tpu.memory_space<vmem>> -> memref<1x4x104xi32, #tpu.memory_space<vmem>>
      %dma_start3A_200 = tpu.memref_squeeze %dma_start3A_199 : memref<1x4x104xi32, #tpu.memory_space<vmem>> -> memref<4x104xi32, #tpu.memory_space<vmem>>
      %dma_start3A_201 = arith.constant 0 : i32
      %dma_start3A_202 = tpu.memref_slice %dma_start3A_200[%dma_start3A_187, %dma_start3A_201] : memref<4x104xi32, #tpu.memory_space<vmem>> -> memref<1x104xi32, #tpu.memory_space<vmem>>
      %dma_start3A_203 = tpu.memref_squeeze %dma_start3A_202 : memref<1x104xi32, #tpu.memory_space<vmem>> -> memref<104xi32, #tpu.memory_space<vmem>>
      %dma_start3A_204 = arith.constant 0 : i32
      %dma_start3A_205 = tpu.memref_slice %arg5[%dma_start3A_204] : memref<2600000xf32, #tpu.memory_space<hbm>> -> memref<2600000xf32, #tpu.memory_space<hbm>>
      tpu.enqueue_indirect_dma source(%dma_start3A_205 : memref<2600000xf32, #tpu.memory_space<hbm>>) target(%dma_start3A_196 : memref<104xf32, #tpu.memory_space<vmem>>) offsets(%dma_start3A_203 : memref<104xi32, #tpu.memory_space<vmem>>) semaphore(%arg17 : memref<!tpu.dma_semaphore, #tpu.memory_space<semaphore_mem>>)
      %mul3A_206 = arith.constant 4 : i32
      %mul3A_207 = arith.muli %add3A_161, %mul3A_206 : i32
      %add3A_208 = arith.constant 1 : i32
      %add3A_209 = arith.addi %mul3A_207, %add3A_208 : i32
      %dma_start3A_210 = arith.constant 1 : i32
      %dma_start3A_211 = arith.constant 0 : i32
      %dma_start3A_212 = arith.constant 0 : i32
      %dma_start3A_213 = tpu.memref_slice %arg10[%dma_start3A_210, %dma_start3A_211, %dma_start3A_212] : memref<2x416x128xf32, #tpu.memory_space<vmem>> -> memref<1x416x128xf32, #tpu.memory_space<vmem>>
      %dma_start3A_214 = tpu.memref_squeeze %dma_start3A_213 : memref<1x416x128xf32, #tpu.memory_space<vmem>> -> memref<416x128xf32, #tpu.memory_space<vmem>>
      %dma_start3A_215 = arith.constant 104 : i32
      %dma_start3A_216 = arith.constant 0 : i32
      %dma_start3A_217 = tpu.memref_slice %dma_start3A_214[%dma_start3A_215, %dma_start3A_216] : memref<416x128xf32, #tpu.memory_space<vmem>> -> memref<104x128xf32, #tpu.memory_space<vmem>>
      %dma_start3A_218 = arith.constant 0 : i32
      %dma_start3A_219 = tpu.memref_slice %arg8[%add3A_209, %dma_start3A_218] : memref<128x104xi32, #tpu.memory_space<vmem>> -> memref<1x104xi32, #tpu.memory_space<vmem>>
      %dma_start3A_220 = tpu.memref_squeeze %dma_start3A_219 : memref<1x104xi32, #tpu.memory_space<vmem>> -> memref<104xi32, #tpu.memory_space<vmem>>
      %dma_start3A_221 = arith.constant 0 : i32
      %dma_start3A_222 = arith.constant 0 : i32
      %dma_start3A_223 = tpu.memref_slice %arg4[%dma_start3A_221, %dma_start3A_222] : memref<650000x128xf32, #tpu.memory_space<hbm>> -> memref<650000x128xf32, #tpu.memory_space<hbm>>
      tpu.enqueue_indirect_dma source(%dma_start3A_223 : memref<650000x128xf32, #tpu.memory_space<hbm>>) target(%dma_start3A_217 : memref<104x128xf32, #tpu.memory_space<vmem>>) offsets(%dma_start3A_220 : memref<104xi32, #tpu.memory_space<vmem>>) semaphore(%arg15 : memref<!tpu.dma_semaphore, #tpu.memory_space<semaphore_mem>>)
      %dma_start3A_224 = arith.constant 1 : i32
      %dma_start3A_225 = arith.constant 1 : i32
      %dma_start3A_226 = arith.constant 1 : i32
      %dma_start3A_227 = arith.constant 1 : i32
      %dma_start3A_228 = arith.constant 0 : i32
      %dma_start3A_229 = arith.constant 0 : i32
      %dma_start3A_230 = tpu.memref_slice %arg11[%dma_start3A_226, %dma_start3A_228, %dma_start3A_229] : memref<2x4x104xf32, #tpu.memory_space<vmem>> -> memref<1x4x104xf32, #tpu.memory_space<vmem>>
      %dma_start3A_231 = tpu.memref_squeeze %dma_start3A_230 : memref<1x4x104xf32, #tpu.memory_space<vmem>> -> memref<4x104xf32, #tpu.memory_space<vmem>>
      %dma_start3A_232 = arith.constant 0 : i32
      %dma_start3A_233 = tpu.memref_slice %dma_start3A_231[%dma_start3A_227, %dma_start3A_232] : memref<4x104xf32, #tpu.memory_space<vmem>> -> memref<1x104xf32, #tpu.memory_space<vmem>>
      %dma_start3A_234 = tpu.memref_squeeze %dma_start3A_233 : memref<1x104xf32, #tpu.memory_space<vmem>> -> memref<104xf32, #tpu.memory_space<vmem>>
      %dma_start3A_235 = arith.constant 0 : i32
      %dma_start3A_236 = arith.constant 0 : i32
      %dma_start3A_237 = tpu.memref_slice %arg9[%dma_start3A_224, %dma_start3A_235, %dma_start3A_236] : memref<2x4x104xi32, #tpu.memory_space<vmem>> -> memref<1x4x104xi32, #tpu.memory_space<vmem>>
      %dma_start3A_238 = tpu.memref_squeeze %dma_start3A_237 : memref<1x4x104xi32, #tpu.memory_space<vmem>> -> memref<4x104xi32, #tpu.memory_space<vmem>>
      %dma_start3A_239 = arith.constant 0 : i32
      %dma_start3A_240 = tpu.memref_slice %dma_start3A_238[%dma_start3A_225, %dma_start3A_239] : memref<4x104xi32, #tpu.memory_space<vmem>> -> memref<1x104xi32, #tpu.memory_space<vmem>>
      %dma_start3A_241 = tpu.memref_squeeze %dma_start3A_240 : memref<1x104xi32, #tpu.memory_space<vmem>> -> memref<104xi32, #tpu.memory_space<vmem>>
      %dma_start3A_242 = arith.constant 0 : i32
      %dma_start3A_243 = tpu.memref_slice %arg5[%dma_start3A_242] : memref<2600000xf32, #tpu.memory_space<hbm>> -> memref<2600000xf32, #tpu.memory_space<hbm>>
      tpu.enqueue_indirect_dma source(%dma_start3A_243 : memref<2600000xf32, #tpu.memory_space<hbm>>) target(%dma_start3A_234 : memref<104xf32, #tpu.memory_space<vmem>>) offsets(%dma_start3A_241 : memref<104xi32, #tpu.memory_space<vmem>>) semaphore(%arg17 : memref<!tpu.dma_semaphore, #tpu.memory_space<semaphore_mem>>)
      %mul3A_244 = arith.constant 4 : i32
      %mul3A_245 = arith.muli %add3A_161, %mul3A_244 : i32
      %add3A_246 = arith.constant 2 : i32
      %add3A_247 = arith.addi %mul3A_245, %add3A_246 : i32
      %dma_start3A_248 = arith.constant 1 : i32
      %dma_start3A_249 = arith.constant 0 : i32
      %dma_start3A_250 = arith.constant 0 : i32
      %dma_start3A_251 = tpu.memref_slice %arg10[%dma_start3A_248, %dma_start3A_249, %dma_start3A_250] : memref<2x416x128xf32, #tpu.memory_space<vmem>> -> memref<1x416x128xf32, #tpu.memory_space<vmem>>
      %dma_start3A_252 = tpu.memref_squeeze %dma_start3A_251 : memref<1x416x128xf32, #tpu.memory_space<vmem>> -> memref<416x128xf32, #tpu.memory_space<vmem>>
      %dma_start3A_253 = arith.constant 208 : i32
      %dma_start3A_254 = arith.constant 0 : i32
      %dma_start3A_255 = tpu.memref_slice %dma_start3A_252[%dma_start3A_253, %dma_start3A_254] : memref<416x128xf32, #tpu.memory_space<vmem>> -> memref<104x128xf32, #tpu.memory_space<vmem>>
      %dma_start3A_256 = arith.constant 0 : i32
      %dma_start3A_257 = tpu.memref_slice %arg8[%add3A_247, %dma_start3A_256] : memref<128x104xi32, #tpu.memory_space<vmem>> -> memref<1x104xi32, #tpu.memory_space<vmem>>
      %dma_start3A_258 = tpu.memref_squeeze %dma_start3A_257 : memref<1x104xi32, #tpu.memory_space<vmem>> -> memref<104xi32, #tpu.memory_space<vmem>>
      %dma_start3A_259 = arith.constant 0 : i32
      %dma_start3A_260 = arith.constant 0 : i32
      %dma_start3A_261 = tpu.memref_slice %arg4[%dma_start3A_259, %dma_start3A_260] : memref<650000x128xf32, #tpu.memory_space<hbm>> -> memref<650000x128xf32, #tpu.memory_space<hbm>>
      tpu.enqueue_indirect_dma source(%dma_start3A_261 : memref<650000x128xf32, #tpu.memory_space<hbm>>) target(%dma_start3A_255 : memref<104x128xf32, #tpu.memory_space<vmem>>) offsets(%dma_start3A_258 : memref<104xi32, #tpu.memory_space<vmem>>) semaphore(%arg15 : memref<!tpu.dma_semaphore, #tpu.memory_space<semaphore_mem>>)
      %dma_start3A_262 = arith.constant 1 : i32
      %dma_start3A_263 = arith.constant 2 : i32
      %dma_start3A_264 = arith.constant 1 : i32
      %dma_start3A_265 = arith.constant 2 : i32
      %dma_start3A_266 = arith.constant 0 : i32
      %dma_start3A_267 = arith.constant 0 : i32
      %dma_start3A_268 = tpu.memref_slice %arg11[%dma_start3A_264, %dma_start3A_266, %dma_start3A_267] : memref<2x4x104xf32, #tpu.memory_space<vmem>> -> memref<1x4x104xf32, #tpu.memory_space<vmem>>
      %dma_start3A_269 = tpu.memref_squeeze %dma_start3A_268 : memref<1x4x104xf32, #tpu.memory_space<vmem>> -> memref<4x104xf32, #tpu.memory_space<vmem>>
      %dma_start3A_270 = arith.constant 0 : i32
      %dma_start3A_271 = tpu.memref_slice %dma_start3A_269[%dma_start3A_265, %dma_start3A_270] : memref<4x104xf32, #tpu.memory_space<vmem>> -> memref<1x104xf32, #tpu.memory_space<vmem>>
      %dma_start3A_272 = tpu.memref_squeeze %dma_start3A_271 : memref<1x104xf32, #tpu.memory_space<vmem>> -> memref<104xf32, #tpu.memory_space<vmem>>
      %dma_start3A_273 = arith.constant 0 : i32
      %dma_start3A_274 = arith.constant 0 : i32
      %dma_start3A_275 = tpu.memref_slice %arg9[%dma_start3A_262, %dma_start3A_273, %dma_start3A_274] : memref<2x4x104xi32, #tpu.memory_space<vmem>> -> memref<1x4x104xi32, #tpu.memory_space<vmem>>
      %dma_start3A_276 = tpu.memref_squeeze %dma_start3A_275 : memref<1x4x104xi32, #tpu.memory_space<vmem>> -> memref<4x104xi32, #tpu.memory_space<vmem>>
      %dma_start3A_277 = arith.constant 0 : i32
      %dma_start3A_278 = tpu.memref_slice %dma_start3A_276[%dma_start3A_263, %dma_start3A_277] : memref<4x104xi32, #tpu.memory_space<vmem>> -> memref<1x104xi32, #tpu.memory_space<vmem>>
      %dma_start3A_279 = tpu.memref_squeeze %dma_start3A_278 : memref<1x104xi32, #tpu.memory_space<vmem>> -> memref<104xi32, #tpu.memory_space<vmem>>
      %dma_start3A_280 = arith.constant 0 : i32
      %dma_start3A_281 = tpu.memref_slice %arg5[%dma_start3A_280] : memref<2600000xf32, #tpu.memory_space<hbm>> -> memref<2600000xf32, #tpu.memory_space<hbm>>
      tpu.enqueue_indirect_dma source(%dma_start3A_281 : memref<2600000xf32, #tpu.memory_space<hbm>>) target(%dma_start3A_272 : memref<104xf32, #tpu.memory_space<vmem>>) offsets(%dma_start3A_279 : memref<104xi32, #tpu.memory_space<vmem>>) semaphore(%arg17 : memref<!tpu.dma_semaphore, #tpu.memory_space<semaphore_mem>>)
      %mul3A_282 = arith.constant 4 : i32
      %mul3A_283 = arith.muli %add3A_161, %mul3A_282 : i32
      %add3A_284 = arith.constant 3 : i32
      %add3A_285 = arith.addi %mul3A_283, %add3A_284 : i32
      %dma_start3A_286 = arith.constant 1 : i32
      %dma_start3A_287 = arith.constant 0 : i32
      %dma_start3A_288 = arith.constant 0 : i32
      %dma_start3A_289 = tpu.memref_slice %arg10[%dma_start3A_286, %dma_start3A_287, %dma_start3A_288] : memref<2x416x128xf32, #tpu.memory_space<vmem>> -> memref<1x416x128xf32, #tpu.memory_space<vmem>>
      %dma_start3A_290 = tpu.memref_squeeze %dma_start3A_289 : memref<1x416x128xf32, #tpu.memory_space<vmem>> -> memref<416x128xf32, #tpu.memory_space<vmem>>
      %dma_start3A_291 = arith.constant 312 : i32
      %dma_start3A_292 = arith.constant 0 : i32
      %dma_start3A_293 = tpu.memref_slice %dma_start3A_290[%dma_start3A_291, %dma_start3A_292] : memref<416x128xf32, #tpu.memory_space<vmem>> -> memref<104x128xf32, #tpu.memory_space<vmem>>
      %dma_start3A_294 = arith.constant 0 : i32
      %dma_start3A_295 = tpu.memref_slice %arg8[%add3A_285, %dma_start3A_294] : memref<128x104xi32, #tpu.memory_space<vmem>> -> memref<1x104xi32, #tpu.memory_space<vmem>>
      %dma_start3A_296 = tpu.memref_squeeze %dma_start3A_295 : memref<1x104xi32, #tpu.memory_space<vmem>> -> memref<104xi32, #tpu.memory_space<vmem>>
      %dma_start3A_297 = arith.constant 0 : i32
      %dma_start3A_298 = arith.constant 0 : i32
      %dma_start3A_299 = tpu.memref_slice %arg4[%dma_start3A_297, %dma_start3A_298] : memref<650000x128xf32, #tpu.memory_space<hbm>> -> memref<650000x128xf32, #tpu.memory_space<hbm>>
      tpu.enqueue_indirect_dma source(%dma_start3A_299 : memref<650000x128xf32, #tpu.memory_space<hbm>>) target(%dma_start3A_293 : memref<104x128xf32, #tpu.memory_space<vmem>>) offsets(%dma_start3A_296 : memref<104xi32, #tpu.memory_space<vmem>>) semaphore(%arg15 : memref<!tpu.dma_semaphore, #tpu.memory_space<semaphore_mem>>)
      %dma_start3A_300 = arith.constant 1 : i32
      %dma_start3A_301 = arith.constant 3 : i32
      %dma_start3A_302 = arith.constant 1 : i32
      %dma_start3A_303 = arith.constant 3 : i32
      %dma_start3A_304 = arith.constant 0 : i32
      %dma_start3A_305 = arith.constant 0 : i32
      %dma_start3A_306 = tpu.memref_slice %arg11[%dma_start3A_302, %dma_start3A_304, %dma_start3A_305] : memref<2x4x104xf32, #tpu.memory_space<vmem>> -> memref<1x4x104xf32, #tpu.memory_space<vmem>>
      %dma_start3A_307 = tpu.memref_squeeze %dma_start3A_306 : memref<1x4x104xf32, #tpu.memory_space<vmem>> -> memref<4x104xf32, #tpu.memory_space<vmem>>
      %dma_start3A_308 = arith.constant 0 : i32
      %dma_start3A_309 = tpu.memref_slice %dma_start3A_307[%dma_start3A_303, %dma_start3A_308] : memref<4x104xf32, #tpu.memory_space<vmem>> -> memref<1x104xf32, #tpu.memory_space<vmem>>
      %dma_start3A_310 = tpu.memref_squeeze %dma_start3A_309 : memref<1x104xf32, #tpu.memory_space<vmem>> -> memref<104xf32, #tpu.memory_space<vmem>>
      %dma_start3A_311 = arith.constant 0 : i32
      %dma_start3A_312 = arith.constant 0 : i32
      %dma_start3A_313 = tpu.memref_slice %arg9[%dma_start3A_300, %dma_start3A_311, %dma_start3A_312] : memref<2x4x104xi32, #tpu.memory_space<vmem>> -> memref<1x4x104xi32, #tpu.memory_space<vmem>>
      %dma_start3A_314 = tpu.memref_squeeze %dma_start3A_313 : memref<1x4x104xi32, #tpu.memory_space<vmem>> -> memref<4x104xi32, #tpu.memory_space<vmem>>
      %dma_start3A_315 = arith.constant 0 : i32
      %dma_start3A_316 = tpu.memref_slice %dma_start3A_314[%dma_start3A_301, %dma_start3A_315] : memref<4x104xi32, #tpu.memory_space<vmem>> -> memref<1x104xi32, #tpu.memory_space<vmem>>
      %dma_start3A_317 = tpu.memref_squeeze %dma_start3A_316 : memref<1x104xi32, #tpu.memory_space<vmem>> -> memref<104xi32, #tpu.memory_space<vmem>>
      %dma_start3A_318 = arith.constant 0 : i32
      %dma_start3A_319 = tpu.memref_slice %arg5[%dma_start3A_318] : memref<2600000xf32, #tpu.memory_space<hbm>> -> memref<2600000xf32, #tpu.memory_space<hbm>>
      tpu.enqueue_indirect_dma source(%dma_start3A_319 : memref<2600000xf32, #tpu.memory_space<hbm>>) target(%dma_start3A_310 : memref<104xf32, #tpu.memory_space<vmem>>) offsets(%dma_start3A_317 : memref<104xi32, #tpu.memory_space<vmem>>) semaphore(%arg17 : memref<!tpu.dma_semaphore, #tpu.memory_space<semaphore_mem>>)
      %dma_wait3A = arith.constant 0 : i32
      %dma_wait3A_320 = arith.constant 0 : i32
      %dma_wait3A_321 = arith.constant 0 : i32
      %dma_wait3A_322 = tpu.memref_slice %arg10[%dma_wait3A, %dma_wait3A_320, %dma_wait3A_321] : memref<2x416x128xf32, #tpu.memory_space<vmem>> -> memref<1x416x128xf32, #tpu.memory_space<vmem>>
      %dma_wait3A_323 = tpu.memref_squeeze %dma_wait3A_322 : memref<1x416x128xf32, #tpu.memory_space<vmem>> -> memref<416x128xf32, #tpu.memory_space<vmem>>
      %dma_wait3A_324 = arith.constant 0 : i32
      %dma_wait3A_325 = arith.constant 0 : i32
      %dma_wait3A_326 = tpu.memref_slice %dma_wait3A_323[%dma_wait3A_324, %dma_wait3A_325] : memref<416x128xf32, #tpu.memory_space<vmem>> -> memref<104x128xf32, #tpu.memory_space<vmem>>
      %dma_wait3A_327 = arith.constant 0 : i32
      %dma_wait3A_328 = arith.constant 0 : i32
      %dma_wait3A_329 = tpu.memref_slice %arg4[%dma_wait3A_327, %dma_wait3A_328] : memref<650000x128xf32, #tpu.memory_space<hbm>> -> memref<104x128xf32, #tpu.memory_space<hbm>>
      %dma_wait3A_330 = arith.constant 0 : i32
      %dma_wait3A_331 = arith.constant 0 : i32
      %dma_wait3A_332 = tpu.memref_slice %arg10[%dma_wait3A, %dma_wait3A_330, %dma_wait3A_331] : memref<2x416x128xf32, #tpu.memory_space<vmem>> -> memref<1x416x128xf32, #tpu.memory_space<vmem>>
      %dma_wait3A_333 = tpu.memref_squeeze %dma_wait3A_332 : memref<1x416x128xf32, #tpu.memory_space<vmem>> -> memref<416x128xf32, #tpu.memory_space<vmem>>
      %dma_wait3A_334 = arith.constant 0 : i32
      %dma_wait3A_335 = arith.constant 0 : i32
      %dma_wait3A_336 = tpu.memref_slice %dma_wait3A_333[%dma_wait3A_334, %dma_wait3A_335] : memref<416x128xf32, #tpu.memory_space<vmem>> -> memref<104x128xf32, #tpu.memory_space<vmem>>
      %dma_wait3A_337 = arith.constant 0 : i32
      %dma_wait3A_338 = arith.constant 0 : i32
      %dma_wait3A_339 = tpu.memref_slice %arg4[%dma_wait3A_337, %dma_wait3A_338] : memref<650000x128xf32, #tpu.memory_space<hbm>> -> memref<104x128xf32, #tpu.memory_space<hbm>>
      tpu.wait_dma2 semaphore(%arg14 : memref<!tpu.dma_semaphore, #tpu.memory_space<semaphore_mem>>) src(%dma_wait3A_339 : memref<104x128xf32, #tpu.memory_space<hbm>>) dst(%dma_wait3A_336 : memref<104x128xf32, #tpu.memory_space<vmem>>)
      %dma_wait3A_340 = arith.constant 0 : i32
      %dma_wait3A_341 = arith.constant 0 : i32
      %dma_wait3A_342 = arith.constant 0 : i32
      %dma_wait3A_343 = arith.constant 0 : i32
      %dma_wait3A_344 = tpu.memref_slice %arg11[%dma_wait3A_340, %dma_wait3A_342, %dma_wait3A_343] : memref<2x4x104xf32, #tpu.memory_space<vmem>> -> memref<1x4x104xf32, #tpu.memory_space<vmem>>
      %dma_wait3A_345 = tpu.memref_squeeze %dma_wait3A_344 : memref<1x4x104xf32, #tpu.memory_space<vmem>> -> memref<4x104xf32, #tpu.memory_space<vmem>>
      %dma_wait3A_346 = arith.constant 0 : i32
      %dma_wait3A_347 = tpu.memref_slice %dma_wait3A_345[%dma_wait3A_341, %dma_wait3A_346] : memref<4x104xf32, #tpu.memory_space<vmem>> -> memref<1x104xf32, #tpu.memory_space<vmem>>
      %dma_wait3A_348 = tpu.memref_squeeze %dma_wait3A_347 : memref<1x104xf32, #tpu.memory_space<vmem>> -> memref<104xf32, #tpu.memory_space<vmem>>
      %dma_wait3A_349 = arith.constant 0 : i32
      %dma_wait3A_350 = tpu.memref_slice %arg5[%dma_wait3A_349] : memref<2600000xf32, #tpu.memory_space<hbm>> -> memref<104xf32, #tpu.memory_space<hbm>>
      %dma_wait3A_351 = arith.constant 0 : i32
      %dma_wait3A_352 = arith.constant 0 : i32
      %dma_wait3A_353 = tpu.memref_slice %arg11[%dma_wait3A_340, %dma_wait3A_351, %dma_wait3A_352] : memref<2x4x104xf32, #tpu.memory_space<vmem>> -> memref<1x4x104xf32, #tpu.memory_space<vmem>>
      %dma_wait3A_354 = tpu.memref_squeeze %dma_wait3A_353 : memref<1x4x104xf32, #tpu.memory_space<vmem>> -> memref<4x104xf32, #tpu.memory_space<vmem>>
      %dma_wait3A_355 = arith.constant 0 : i32
      %dma_wait3A_356 = tpu.memref_slice %dma_wait3A_354[%dma_wait3A_341, %dma_wait3A_355] : memref<4x104xf32, #tpu.memory_space<vmem>> -> memref<1x104xf32, #tpu.memory_space<vmem>>
      %dma_wait3A_357 = tpu.memref_squeeze %dma_wait3A_356 : memref<1x104xf32, #tpu.memory_space<vmem>> -> memref<104xf32, #tpu.memory_space<vmem>>
      %dma_wait3A_358 = arith.constant 0 : i32
      %dma_wait3A_359 = tpu.memref_slice %arg5[%dma_wait3A_358] : memref<2600000xf32, #tpu.memory_space<hbm>> -> memref<104xf32, #tpu.memory_space<hbm>>
      tpu.wait_dma2 semaphore(%arg16 : memref<!tpu.dma_semaphore, #tpu.memory_space<semaphore_mem>>) src(%dma_wait3A_359 : memref<104xf32, #tpu.memory_space<hbm>>) dst(%dma_wait3A_357 : memref<104xf32, #tpu.memory_space<vmem>>)
      %dma_wait3A_360 = arith.constant 0 : i32
      %dma_wait3A_361 = arith.constant 0 : i32
      %dma_wait3A_362 = arith.constant 0 : i32
      %dma_wait3A_363 = tpu.memref_slice %arg10[%dma_wait3A_360, %dma_wait3A_361, %dma_wait3A_362] : memref<2x416x128xf32, #tpu.memory_space<vmem>> -> memref<1x416x128xf32, #tpu.memory_space<vmem>>
      %dma_wait3A_364 = tpu.memref_squeeze %dma_wait3A_363 : memref<1x416x128xf32, #tpu.memory_space<vmem>> -> memref<416x128xf32, #tpu.memory_space<vmem>>
      %dma_wait3A_365 = arith.constant 104 : i32
      %dma_wait3A_366 = arith.constant 0 : i32
      %dma_wait3A_367 = tpu.memref_slice %dma_wait3A_364[%dma_wait3A_365, %dma_wait3A_366] : memref<416x128xf32, #tpu.memory_space<vmem>> -> memref<104x128xf32, #tpu.memory_space<vmem>>
      %dma_wait3A_368 = arith.constant 0 : i32
      %dma_wait3A_369 = arith.constant 0 : i32
      %dma_wait3A_370 = tpu.memref_slice %arg4[%dma_wait3A_368, %dma_wait3A_369] : memref<650000x128xf32, #tpu.memory_space<hbm>> -> memref<104x128xf32, #tpu.memory_space<hbm>>
      %dma_wait3A_371 = arith.constant 0 : i32
      %dma_wait3A_372 = arith.constant 0 : i32
      %dma_wait3A_373 = tpu.memref_slice %arg10[%dma_wait3A_360, %dma_wait3A_371, %dma_wait3A_372] : memref<2x416x128xf32, #tpu.memory_space<vmem>> -> memref<1x416x128xf32, #tpu.memory_space<vmem>>
      %dma_wait3A_374 = tpu.memref_squeeze %dma_wait3A_373 : memref<1x416x128xf32, #tpu.memory_space<vmem>> -> memref<416x128xf32, #tpu.memory_space<vmem>>
      %dma_wait3A_375 = arith.constant 104 : i32
      %dma_wait3A_376 = arith.constant 0 : i32
      %dma_wait3A_377 = tpu.memref_slice %dma_wait3A_374[%dma_wait3A_375, %dma_wait3A_376] : memref<416x128xf32, #tpu.memory_space<vmem>> -> memref<104x128xf32, #tpu.memory_space<vmem>>
      %dma_wait3A_378 = arith.constant 0 : i32
      %dma_wait3A_379 = arith.constant 0 : i32
      %dma_wait3A_380 = tpu.memref_slice %arg4[%dma_wait3A_378, %dma_wait3A_379] : memref<650000x128xf32, #tpu.memory_space<hbm>> -> memref<104x128xf32, #tpu.memory_space<hbm>>
      tpu.wait_dma2 semaphore(%arg14 : memref<!tpu.dma_semaphore, #tpu.memory_space<semaphore_mem>>) src(%dma_wait3A_380 : memref<104x128xf32, #tpu.memory_space<hbm>>) dst(%dma_wait3A_377 : memref<104x128xf32, #tpu.memory_space<vmem>>)
      %dma_wait3A_381 = arith.constant 0 : i32
      %dma_wait3A_382 = arith.constant 1 : i32
      %dma_wait3A_383 = arith.constant 0 : i32
      %dma_wait3A_384 = arith.constant 0 : i32
      %dma_wait3A_385 = tpu.memref_slice %arg11[%dma_wait3A_381, %dma_wait3A_383, %dma_wait3A_384] : memref<2x4x104xf32, #tpu.memory_space<vmem>> -> memref<1x4x104xf32, #tpu.memory_space<vmem>>
      %dma_wait3A_386 = tpu.memref_squeeze %dma_wait3A_385 : memref<1x4x104xf32, #tpu.memory_space<vmem>> -> memref<4x104xf32, #tpu.memory_space<vmem>>
      %dma_wait3A_387 = arith.constant 0 : i32
      %dma_wait3A_388 = tpu.memref_slice %dma_wait3A_386[%dma_wait3A_382, %dma_wait3A_387] : memref<4x104xf32, #tpu.memory_space<vmem>> -> memref<1x104xf32, #tpu.memory_space<vmem>>
      %dma_wait3A_389 = tpu.memref_squeeze %dma_wait3A_388 : memref<1x104xf32, #tpu.memory_space<vmem>> -> memref<104xf32, #tpu.memory_space<vmem>>
      %dma_wait3A_390 = arith.constant 0 : i32
      %dma_wait3A_391 = tpu.memref_slice %arg5[%dma_wait3A_390] : memref<2600000xf32, #tpu.memory_space<hbm>> -> memref<104xf32, #tpu.memory_space<hbm>>
      %dma_wait3A_392 = arith.constant 0 : i32
      %dma_wait3A_393 = arith.constant 0 : i32
      %dma_wait3A_394 = tpu.memref_slice %arg11[%dma_wait3A_381, %dma_wait3A_392, %dma_wait3A_393] : memref<2x4x104xf32, #tpu.memory_space<vmem>> -> memref<1x4x104xf32, #tpu.memory_space<vmem>>
      %dma_wait3A_395 = tpu.memref_squeeze %dma_wait3A_394 : memref<1x4x104xf32, #tpu.memory_space<vmem>> -> memref<4x104xf32, #tpu.memory_space<vmem>>
      %dma_wait3A_396 = arith.constant 0 : i32
      %dma_wait3A_397 = tpu.memref_slice %dma_wait3A_395[%dma_wait3A_382, %dma_wait3A_396] : memref<4x104xf32, #tpu.memory_space<vmem>> -> memref<1x104xf32, #tpu.memory_space<vmem>>
      %dma_wait3A_398 = tpu.memref_squeeze %dma_wait3A_397 : memref<1x104xf32, #tpu.memory_space<vmem>> -> memref<104xf32, #tpu.memory_space<vmem>>
      %dma_wait3A_399 = arith.constant 0 : i32
      %dma_wait3A_400 = tpu.memref_slice %arg5[%dma_wait3A_399] : memref<2600000xf32, #tpu.memory_space<hbm>> -> memref<104xf32, #tpu.memory_space<hbm>>
      tpu.wait_dma2 semaphore(%arg16 : memref<!tpu.dma_semaphore, #tpu.memory_space<semaphore_mem>>) src(%dma_wait3A_400 : memref<104xf32, #tpu.memory_space<hbm>>) dst(%dma_wait3A_398 : memref<104xf32, #tpu.memory_space<vmem>>)
      %dma_wait3A_401 = arith.constant 0 : i32
      %dma_wait3A_402 = arith.constant 0 : i32
      %dma_wait3A_403 = arith.constant 0 : i32
      %dma_wait3A_404 = tpu.memref_slice %arg10[%dma_wait3A_401, %dma_wait3A_402, %dma_wait3A_403] : memref<2x416x128xf32, #tpu.memory_space<vmem>> -> memref<1x416x128xf32, #tpu.memory_space<vmem>>
      %dma_wait3A_405 = tpu.memref_squeeze %dma_wait3A_404 : memref<1x416x128xf32, #tpu.memory_space<vmem>> -> memref<416x128xf32, #tpu.memory_space<vmem>>
      %dma_wait3A_406 = arith.constant 208 : i32
      %dma_wait3A_407 = arith.constant 0 : i32
      %dma_wait3A_408 = tpu.memref_slice %dma_wait3A_405[%dma_wait3A_406, %dma_wait3A_407] : memref<416x128xf32, #tpu.memory_space<vmem>> -> memref<104x128xf32, #tpu.memory_space<vmem>>
      %dma_wait3A_409 = arith.constant 0 : i32
      %dma_wait3A_410 = arith.constant 0 : i32
      %dma_wait3A_411 = tpu.memref_slice %arg4[%dma_wait3A_409, %dma_wait3A_410] : memref<650000x128xf32, #tpu.memory_space<hbm>> -> memref<104x128xf32, #tpu.memory_space<hbm>>
      %dma_wait3A_412 = arith.constant 0 : i32
      %dma_wait3A_413 = arith.constant 0 : i32
      %dma_wait3A_414 = tpu.memref_slice %arg10[%dma_wait3A_401, %dma_wait3A_412, %dma_wait3A_413] : memref<2x416x128xf32, #tpu.memory_space<vmem>> -> memref<1x416x128xf32, #tpu.memory_space<vmem>>
      %dma_wait3A_415 = tpu.memref_squeeze %dma_wait3A_414 : memref<1x416x128xf32, #tpu.memory_space<vmem>> -> memref<416x128xf32, #tpu.memory_space<vmem>>
      %dma_wait3A_416 = arith.constant 208 : i32
      %dma_wait3A_417 = arith.constant 0 : i32
      %dma_wait3A_418 = tpu.memref_slice %dma_wait3A_415[%dma_wait3A_416, %dma_wait3A_417] : memref<416x128xf32, #tpu.memory_space<vmem>> -> memref<104x128xf32, #tpu.memory_space<vmem>>
      %dma_wait3A_419 = arith.constant 0 : i32
      %dma_wait3A_420 = arith.constant 0 : i32
      %dma_wait3A_421 = tpu.memref_slice %arg4[%dma_wait3A_419, %dma_wait3A_420] : memref<650000x128xf32, #tpu.memory_space<hbm>> -> memref<104x128xf32, #tpu.memory_space<hbm>>
      tpu.wait_dma2 semaphore(%arg14 : memref<!tpu.dma_semaphore, #tpu.memory_space<semaphore_mem>>) src(%dma_wait3A_421 : memref<104x128xf32, #tpu.memory_space<hbm>>) dst(%dma_wait3A_418 : memref<104x128xf32, #tpu.memory_space<vmem>>)
      %dma_wait3A_422 = arith.constant 0 : i32
      %dma_wait3A_423 = arith.constant 2 : i32
      %dma_wait3A_424 = arith.constant 0 : i32
      %dma_wait3A_425 = arith.constant 0 : i32
      %dma_wait3A_426 = tpu.memref_slice %arg11[%dma_wait3A_422, %dma_wait3A_424, %dma_wait3A_425] : memref<2x4x104xf32, #tpu.memory_space<vmem>> -> memref<1x4x104xf32, #tpu.memory_space<vmem>>
      %dma_wait3A_427 = tpu.memref_squeeze %dma_wait3A_426 : memref<1x4x104xf32, #tpu.memory_space<vmem>> -> memref<4x104xf32, #tpu.memory_space<vmem>>
      %dma_wait3A_428 = arith.constant 0 : i32
      %dma_wait3A_429 = tpu.memref_slice %dma_wait3A_427[%dma_wait3A_423, %dma_wait3A_428] : memref<4x104xf32, #tpu.memory_space<vmem>> -> memref<1x104xf32, #tpu.memory_space<vmem>>
      %dma_wait3A_430 = tpu.memref_squeeze %dma_wait3A_429 : memref<1x104xf32, #tpu.memory_space<vmem>> -> memref<104xf32, #tpu.memory_space<vmem>>
      %dma_wait3A_431 = arith.constant 0 : i32
      %dma_wait3A_432 = tpu.memref_slice %arg5[%dma_wait3A_431] : memref<2600000xf32, #tpu.memory_space<hbm>> -> memref<104xf32, #tpu.memory_space<hbm>>
      %dma_wait3A_433 = arith.constant 0 : i32
      %dma_wait3A_434 = arith.constant 0 : i32
      %dma_wait3A_435 = tpu.memref_slice %arg11[%dma_wait3A_422, %dma_wait3A_433, %dma_wait3A_434] : memref<2x4x104xf32, #tpu.memory_space<vmem>> -> memref<1x4x104xf32, #tpu.memory_space<vmem>>
      %dma_wait3A_436 = tpu.memref_squeeze %dma_wait3A_435 : memref<1x4x104xf32, #tpu.memory_space<vmem>> -> memref<4x104xf32, #tpu.memory_space<vmem>>
      %dma_wait3A_437 = arith.constant 0 : i32
      %dma_wait3A_438 = tpu.memref_slice %dma_wait3A_436[%dma_wait3A_423, %dma_wait3A_437] : memref<4x104xf32, #tpu.memory_space<vmem>> -> memref<1x104xf32, #tpu.memory_space<vmem>>
      %dma_wait3A_439 = tpu.memref_squeeze %dma_wait3A_438 : memref<1x104xf32, #tpu.memory_space<vmem>> -> memref<104xf32, #tpu.memory_space<vmem>>
      %dma_wait3A_440 = arith.constant 0 : i32
      %dma_wait3A_441 = tpu.memref_slice %arg5[%dma_wait3A_440] : memref<2600000xf32, #tpu.memory_space<hbm>> -> memref<104xf32, #tpu.memory_space<hbm>>
      tpu.wait_dma2 semaphore(%arg16 : memref<!tpu.dma_semaphore, #tpu.memory_space<semaphore_mem>>) src(%dma_wait3A_441 : memref<104xf32, #tpu.memory_space<hbm>>) dst(%dma_wait3A_439 : memref<104xf32, #tpu.memory_space<vmem>>)
      %dma_wait3A_442 = arith.constant 0 : i32
      %dma_wait3A_443 = arith.constant 0 : i32
      %dma_wait3A_444 = arith.constant 0 : i32
      %dma_wait3A_445 = tpu.memref_slice %arg10[%dma_wait3A_442, %dma_wait3A_443, %dma_wait3A_444] : memref<2x416x128xf32, #tpu.memory_space<vmem>> -> memref<1x416x128xf32, #tpu.memory_space<vmem>>
      %dma_wait3A_446 = tpu.memref_squeeze %dma_wait3A_445 : memref<1x416x128xf32, #tpu.memory_space<vmem>> -> memref<416x128xf32, #tpu.memory_space<vmem>>
      %dma_wait3A_447 = arith.constant 312 : i32
      %dma_wait3A_448 = arith.constant 0 : i32
      %dma_wait3A_449 = tpu.memref_slice %dma_wait3A_446[%dma_wait3A_447, %dma_wait3A_448] : memref<416x128xf32, #tpu.memory_space<vmem>> -> memref<104x128xf32, #tpu.memory_space<vmem>>
      %dma_wait3A_450 = arith.constant 0 : i32
      %dma_wait3A_451 = arith.constant 0 : i32
      %dma_wait3A_452 = tpu.memref_slice %arg4[%dma_wait3A_450, %dma_wait3A_451] : memref<650000x128xf32, #tpu.memory_space<hbm>> -> memref<104x128xf32, #tpu.memory_space<hbm>>
      %dma_wait3A_453 = arith.constant 0 : i32
      %dma_wait3A_454 = arith.constant 0 : i32
      %dma_wait3A_455 = tpu.memref_slice %arg10[%dma_wait3A_442, %dma_wait3A_453, %dma_wait3A_454] : memref<2x416x128xf32, #tpu.memory_space<vmem>> -> memref<1x416x128xf32, #tpu.memory_space<vmem>>
      %dma_wait3A_456 = tpu.memref_squeeze %dma_wait3A_455 : memref<1x416x128xf32, #tpu.memory_space<vmem>> -> memref<416x128xf32, #tpu.memory_space<vmem>>
      %dma_wait3A_457 = arith.constant 312 : i32
      %dma_wait3A_458 = arith.constant 0 : i32
      %dma_wait3A_459 = tpu.memref_slice %dma_wait3A_456[%dma_wait3A_457, %dma_wait3A_458] : memref<416x128xf32, #tpu.memory_space<vmem>> -> memref<104x128xf32, #tpu.memory_space<vmem>>
      %dma_wait3A_460 = arith.constant 0 : i32
      %dma_wait3A_461 = arith.constant 0 : i32
      %dma_wait3A_462 = tpu.memref_slice %arg4[%dma_wait3A_460, %dma_wait3A_461] : memref<650000x128xf32, #tpu.memory_space<hbm>> -> memref<104x128xf32, #tpu.memory_space<hbm>>
      tpu.wait_dma2 semaphore(%arg14 : memref<!tpu.dma_semaphore, #tpu.memory_space<semaphore_mem>>) src(%dma_wait3A_462 : memref<104x128xf32, #tpu.memory_space<hbm>>) dst(%dma_wait3A_459 : memref<104x128xf32, #tpu.memory_space<vmem>>)
      %dma_wait3A_463 = arith.constant 0 : i32
      %dma_wait3A_464 = arith.constant 3 : i32
      %dma_wait3A_465 = arith.constant 0 : i32
      %dma_wait3A_466 = arith.constant 0 : i32
      %dma_wait3A_467 = tpu.memref_slice %arg11[%dma_wait3A_463, %dma_wait3A_465, %dma_wait3A_466] : memref<2x4x104xf32, #tpu.memory_space<vmem>> -> memref<1x4x104xf32, #tpu.memory_space<vmem>>
      %dma_wait3A_468 = tpu.memref_squeeze %dma_wait3A_467 : memref<1x4x104xf32, #tpu.memory_space<vmem>> -> memref<4x104xf32, #tpu.memory_space<vmem>>
      %dma_wait3A_469 = arith.constant 0 : i32
      %dma_wait3A_470 = tpu.memref_slice %dma_wait3A_468[%dma_wait3A_464, %dma_wait3A_469] : memref<4x104xf32, #tpu.memory_space<vmem>> -> memref<1x104xf32, #tpu.memory_space<vmem>>
      %dma_wait3A_471 = tpu.memref_squeeze %dma_wait3A_470 : memref<1x104xf32, #tpu.memory_space<vmem>> -> memref<104xf32, #tpu.memory_space<vmem>>
      %dma_wait3A_472 = arith.constant 0 : i32
      %dma_wait3A_473 = tpu.memref_slice %arg5[%dma_wait3A_472] : memref<2600000xf32, #tpu.memory_space<hbm>> -> memref<104xf32, #tpu.memory_space<hbm>>
      %dma_wait3A_474 = arith.constant 0 : i32
      %dma_wait3A_475 = arith.constant 0 : i32
      %dma_wait3A_476 = tpu.memref_slice %arg11[%dma_wait3A_463, %dma_wait3A_474, %dma_wait3A_475] : memref<2x4x104xf32, #tpu.memory_space<vmem>> -> memref<1x4x104xf32, #tpu.memory_space<vmem>>
      %dma_wait3A_477 = tpu.memref_squeeze %dma_wait3A_476 : memref<1x4x104xf32, #tpu.memory_space<vmem>> -> memref<4x104xf32, #tpu.memory_space<vmem>>
      %dma_wait3A_478 = arith.constant 0 : i32
      %dma_wait3A_479 = tpu.memref_slice %dma_wait3A_477[%dma_wait3A_464, %dma_wait3A_478] : memref<4x104xf32, #tpu.memory_space<vmem>> -> memref<1x104xf32, #tpu.memory_space<vmem>>
      %dma_wait3A_480 = tpu.memref_squeeze %dma_wait3A_479 : memref<1x104xf32, #tpu.memory_space<vmem>> -> memref<104xf32, #tpu.memory_space<vmem>>
      %dma_wait3A_481 = arith.constant 0 : i32
      %dma_wait3A_482 = tpu.memref_slice %arg5[%dma_wait3A_481] : memref<2600000xf32, #tpu.memory_space<hbm>> -> memref<104xf32, #tpu.memory_space<hbm>>
      tpu.wait_dma2 semaphore(%arg16 : memref<!tpu.dma_semaphore, #tpu.memory_space<semaphore_mem>>) src(%dma_wait3A_482 : memref<104xf32, #tpu.memory_space<hbm>>) dst(%dma_wait3A_480 : memref<104xf32, #tpu.memory_space<vmem>>)
      %mul3A_483 = arith.constant 2 : i32
      %mul3A_484 = arith.muli %mul3A_483, %scan3A_157 : i32
      %scan3A_485 = arith.constant 0 : i32
      %scan3A_486 = arith.constant 0 : i32
      %scan3A_487 = arith.constant 0 : i32
      %scan3A_488 = arith.constant 0 : i32
      %scan3A_489 = arith.constant 26 : i32
      %scan3A_490 = arith.addi %scan3A_488, %scan3A_489 : i32
      %scan3A_491 = arith.constant 1 : i32
      %scan3A_492:34 = scf.for %scan3A_837 = %scan3A_488 to %scan3A_490 step %scan3A_491 iter_args(%scan3A_838 = %broadcast_in_dim3A_6, %scan3A_839 = %broadcast_in_dim3A_6, %scan3A_840 = %broadcast_in_dim3A_6, %scan3A_841 = %broadcast_in_dim3A_6, %scan3A_842 = %broadcast_in_dim3A_6, %scan3A_843 = %broadcast_in_dim3A_6, %scan3A_844 = %broadcast_in_dim3A_6, %scan3A_845 = %broadcast_in_dim3A_6, %scan3A_846 = %broadcast_in_dim3A_6, %scan3A_847 = %broadcast_in_dim3A_6, %scan3A_848 = %broadcast_in_dim3A_6, %scan3A_849 = %broadcast_in_dim3A_6, %scan3A_850 = %broadcast_in_dim3A_6, %scan3A_851 = %broadcast_in_dim3A_6, %scan3A_852 = %broadcast_in_dim3A_6, %scan3A_853 = %broadcast_in_dim3A_6, %scan3A_854 = %broadcast_in_dim3A_6, %scan3A_855 = %broadcast_in_dim3A_6, %scan3A_856 = %broadcast_in_dim3A_6, %scan3A_857 = %broadcast_in_dim3A_6, %scan3A_858 = %broadcast_in_dim3A_6, %scan3A_859 = %broadcast_in_dim3A_6, %scan3A_860 = %broadcast_in_dim3A_6, %scan3A_861 = %broadcast_in_dim3A_6, %scan3A_862 = %broadcast_in_dim3A_6, %scan3A_863 = %broadcast_in_dim3A_6, %scan3A_864 = %broadcast_in_dim3A_6, %scan3A_865 = %broadcast_in_dim3A_6, %scan3A_866 = %broadcast_in_dim3A_6, %scan3A_867 = %broadcast_in_dim3A_6, %scan3A_868 = %broadcast_in_dim3A_6, %scan3A_869 = %broadcast_in_dim3A_6, %scan3A_870 = %broadcast_in_dim3A_6, %scan3A_871 = %broadcast_in_dim3A_6) -> (vector<16xf32>, vector<16xf32>, vector<16xf32>, vector<16xf32>, vector<16xf32>, vector<16xf32>, vector<16xf32>, vector<16xf32>, vector<16xf32>, vector<16xf32>, vector<16xf32>, vector<16xf32>, vector<16xf32>, vector<16xf32>, vector<16xf32>, vector<16xf32>, vector<16xf32>, vector<16xf32>, vector<16xf32>, vector<16xf32>, vector<16xf32>, vector<16xf32>, vector<16xf32>, vector<16xf32>, vector<16xf32>, vector<16xf32>, vector<16xf32>, vector<16xf32>, vector<16xf32>, vector<16xf32>, vector<16xf32>, vector<16xf32>, vector<16xf32>, vector<16xf32>)  : i32 {
        %add3A_872 = vector.broadcast %scan3A_837 : i32 to vector<16xi32>
        %add3A_873 = arith.addi %mul3A_5, %add3A_872 : vector<16xi32>
        %jit3A = arith.constant 104 : i32
        %div3A_874 = vector.broadcast %jit3A : i32 to vector<16xi32>
        %div3A_875 = arith.divsi %add3A_873, %div3A_874 : vector<16xi32>
        %sign3A = arith.constant 0 : i32
        %sign3A_876 = vector.broadcast %sign3A : i32 to vector<16xi32>
        %sign3A_877 = arith.cmpi sgt, %add3A_873, %sign3A_876 : vector<16xi32>
        %sign3A_878 = arith.extui %sign3A_877 : vector<16xi1> to vector<16xi32>
        %sign3A_879 = arith.constant 0 : i32
        %sign3A_880 = vector.broadcast %sign3A_879 : i32 to vector<16xi32>
        %sign3A_881 = arith.cmpi slt, %add3A_873, %sign3A_880 : vector<16xi32>
        %sign3A_882 = arith.extui %sign3A_881 : vector<16xi1> to vector<16xi32>
        %sign3A_883 = arith.subi %sign3A_878, %sign3A_882 : vector<16xi32>
        %sign3A_884 = arith.constant 0 : i32
        %sign3A_885 = arith.cmpi sgt, %jit3A, %sign3A_884 : i32
        %sign3A_886 = arith.extui %sign3A_885 : i1 to i32
        %sign3A_887 = arith.constant 0 : i32
        %sign3A_888 = arith.cmpi slt, %jit3A, %sign3A_887 : i32
        %sign3A_889 = arith.extui %sign3A_888 : i1 to i32
        %sign3A_890 = arith.subi %sign3A_886, %sign3A_889 : i32
        %ne3A = vector.broadcast %sign3A_890 : i32 to vector<16xi32>
        %ne3A_891 = arith.cmpi ne, %sign3A_883, %ne3A : vector<16xi32>
        %rem3A = vector.broadcast %jit3A : i32 to vector<16xi32>
        %rem3A_892 = arith.remsi %add3A_873, %rem3A : vector<16xi32>
        %ne3A_893 = arith.constant 0 : i32
        %ne3A_894 = vector.broadcast %ne3A_893 : i32 to vector<16xi32>
        %ne3A_895 = arith.cmpi ne, %rem3A_892, %ne3A_894 : vector<16xi32>
        %and3A = arith.andi %ne3A_891, %ne3A_895 : vector<16xi1>
        %sub3A_896 = arith.constant 1 : i32
        %sub3A_897 = vector.broadcast %sub3A_896 : i32 to vector<16xi32>
        %sub3A_898 = arith.subi %div3A_875, %sub3A_897 : vector<16xi32>
        %select_n3A = arith.select %and3A, %sub3A_898, %div3A_875 : vector<16xi1>, vector<16xi32>
        %jit3A_899 = arith.constant 104 : i32
        %eq3A = arith.constant 0 : i32
        %eq3A_900 = arith.cmpi eq, %jit3A_899, %eq3A : i32
        %jit3A_901 = arith.constant 1 : i32
        %select_n3A_902 = arith.select %eq3A_900, %jit3A_901, %jit3A_899 : i32
        %rem3A_903 = vector.broadcast %select_n3A_902 : i32 to vector<16xi32>
        %rem3A_904 = arith.remsi %add3A_873, %rem3A_903 : vector<16xi32>
        %ne3A_905 = arith.constant 0 : i32
        %ne3A_906 = vector.broadcast %ne3A_905 : i32 to vector<16xi32>
        %ne3A_907 = arith.cmpi ne, %rem3A_904, %ne3A_906 : vector<16xi32>
        %lt3A_908 = arith.constant 0 : i32
        %lt3A_909 = vector.broadcast %lt3A_908 : i32 to vector<16xi32>
        %lt3A_910 = arith.cmpi slt, %rem3A_904, %lt3A_909 : vector<16xi32>
        %lt3A_911 = arith.constant 0 : i32
        %lt3A_912 = arith.cmpi slt, %select_n3A_902, %lt3A_911 : i32
        %ne3A_913 = vector.broadcast %lt3A_912 : i1 to vector<16xi1>
        %ne3A_914 = vector.broadcast %ne3A_913 : vector<16xi1> to vector<16xi1>
        %ne3A_915 = arith.xori %lt3A_910, %ne3A_914 : vector<16xi1>
        %and3A_916 = arith.andi %ne3A_915, %ne3A_907 : vector<16xi1>
        %add3A_917 = vector.broadcast %select_n3A_902 : i32 to vector<16xi32>
        %add3A_918 = arith.addi %rem3A_904, %add3A_917 : vector<16xi32>
        %select_n3A_919 = arith.select %and3A_916, %add3A_918, %rem3A_904 : vector<16xi1>, vector<16xi32>
        %gather3A = arith.constant 0 : i32
        %gather3A_920 = arith.constant 0 : i32
        %gather3A_921 = tpu.memref_slice %arg9[%scan3A_485, %gather3A, %gather3A_920] : memref<2x4x104xi32, #tpu.memory_space<vmem>> -> memref<1x4x104xi32, #tpu.memory_space<vmem>>
        %gather3A_922 = tpu.memref_squeeze %gather3A_921 : memref<1x4x104xi32, #tpu.memory_space<vmem>> -> memref<4x104xi32, #tpu.memory_space<vmem>>
        %gather3A_923 = tpu.vector_load_idx %gather3A_922[%select_n3A, %select_n3A_919] : memref<4x104xi32, #tpu.memory_space<vmem>>[vector<16xi32>, vector<16xi32>], vector<16xi32>,
        %and3A_924 = arith.constant 3 : i32
        %and3A_925 = vector.broadcast %and3A_924 : i32 to vector<16xi32>
        %and3A_926 = arith.andi %gather3A_923, %and3A_925 : vector<16xi32>
        %mul3A_927 = arith.constant 32 : i32
        %mul3A_928 = vector.broadcast %mul3A_927 : i32 to vector<16xi32>
        %mul3A_929 = arith.muli %and3A_926, %mul3A_928 : vector<16xi32>
        %gather3A_930 = arith.constant 0 : i32
        %gather3A_931 = arith.constant 0 : i32
        %gather3A_932 = tpu.memref_slice %arg11[%scan3A_486, %gather3A_930, %gather3A_931] : memref<2x4x104xf32, #tpu.memory_space<vmem>> -> memref<1x4x104xf32, #tpu.memory_space<vmem>>
        %gather3A_933 = tpu.memref_squeeze %gather3A_932 : memref<1x4x104xf32, #tpu.memory_space<vmem>> -> memref<4x104xf32, #tpu.memory_space<vmem>>
        %gather3A_934 = tpu.vector_load_idx %gather3A_933[%select_n3A, %select_n3A_919] : memref<4x104xf32, #tpu.memory_space<vmem>>[vector<16xi32>, vector<16xi32>], vector<16xf32>,
        %add3A_935 = arith.addf %scan3A_871, %gather3A_934 : vector<16xf32>
        %add3A_936 = arith.constant 0 : i32
        %add3A_937 = vector.broadcast %add3A_936 : i32 to vector<16xi32>
        %add3A_938 = arith.addi %mul3A_929, %add3A_937 : vector<16xi32>
        %gather3A_939 = arith.constant 0 : i32
        %gather3A_940 = arith.constant 0 : i32
        %gather3A_941 = tpu.memref_slice %arg10[%scan3A_487, %gather3A_939, %gather3A_940] : memref<2x416x128xf32, #tpu.memory_space<vmem>> -> memref<1x416x128xf32, #tpu.memory_space<vmem>>
        %gather3A_942 = tpu.memref_squeeze %gather3A_941 : memref<1x416x128xf32, #tpu.memory_space<vmem>> -> memref<416x128xf32, #tpu.memory_space<vmem>>
        %gather3A_943 = tpu.vector_load_idx %gather3A_942[%add3A_873, %add3A_938] : memref<416x128xf32, #tpu.memory_space<vmem>>[vector<16xi32>, vector<16xi32>], vector<16xf32>,
        %add3A_944 = arith.addf %scan3A_838, %gather3A_943 : vector<16xf32>
        %mul3A_945 = arith.mulf %gather3A_943, %gather3A_943 : vector<16xf32>
        %add3A_946 = arith.addf %scan3A_870, %mul3A_945 : vector<16xf32>
        %add3A_947 = arith.constant 1 : i32
        %add3A_948 = vector.broadcast %add3A_947 : i32 to vector<16xi32>
        %add3A_949 = arith.addi %mul3A_929, %add3A_948 : vector<16xi32>
        %gather3A_950 = arith.constant 0 : i32
        %gather3A_951 = arith.constant 0 : i32
        %gather3A_952 = tpu.memref_slice %arg10[%scan3A_487, %gather3A_950, %gather3A_951] : memref<2x416x128xf32, #tpu.memory_space<vmem>> -> memref<1x416x128xf32, #tpu.memory_space<vmem>>
        %gather3A_953 = tpu.memref_squeeze %gather3A_952 : memref<1x416x128xf32, #tpu.memory_space<vmem>> -> memref<416x128xf32, #tpu.memory_space<vmem>>
        %gather3A_954 = tpu.vector_load_idx %gather3A_953[%add3A_873, %add3A_949] : memref<416x128xf32, #tpu.memory_space<vmem>>[vector<16xi32>, vector<16xi32>], vector<16xf32>,
        %add3A_955 = arith.addf %scan3A_839, %gather3A_954 : vector<16xf32>
        %mul3A_956 = arith.mulf %gather3A_954, %gather3A_954 : vector<16xf32>
        %add3A_957 = arith.addf %add3A_946, %mul3A_956 : vector<16xf32>
        %add3A_958 = arith.constant 2 : i32
        %add3A_959 = vector.broadcast %add3A_958 : i32 to vector<16xi32>
        %add3A_960 = arith.addi %mul3A_929, %add3A_959 : vector<16xi32>
        %gather3A_961 = arith.constant 0 : i32
        %gather3A_962 = arith.constant 0 : i32
        %gather3A_963 = tpu.memref_slice %arg10[%scan3A_487, %gather3A_961, %gather3A_962] : memref<2x416x128xf32, #tpu.memory_space<vmem>> -> memref<1x416x128xf32, #tpu.memory_space<vmem>>
        %gather3A_964 = tpu.memref_squeeze %gather3A_963 : memref<1x416x128xf32, #tpu.memory_space<vmem>> -> memref<416x128xf32, #tpu.memory_space<vmem>>
        %gather3A_965 = tpu.vector_load_idx %gather3A_964[%add3A_873, %add3A_960] : memref<416x128xf32, #tpu.memory_space<vmem>>[vector<16xi32>, vector<16xi32>], vector<16xf32>,
        %add3A_966 = arith.addf %scan3A_840, %gather3A_965 : vector<16xf32>
        %mul3A_967 = arith.mulf %gather3A_965, %gather3A_965 : vector<16xf32>
        %add3A_968 = arith.addf %add3A_957, %mul3A_967 : vector<16xf32>
        %add3A_969 = arith.constant 3 : i32
        %add3A_970 = vector.broadcast %add3A_969 : i32 to vector<16xi32>
        %add3A_971 = arith.addi %mul3A_929, %add3A_970 : vector<16xi32>
        %gather3A_972 = arith.constant 0 : i32
        %gather3A_973 = arith.constant 0 : i32
        %gather3A_974 = tpu.memref_slice %arg10[%scan3A_487, %gather3A_972, %gather3A_973] : memref<2x416x128xf32, #tpu.memory_space<vmem>> -> memref<1x416x128xf32, #tpu.memory_space<vmem>>
        %gather3A_975 = tpu.memref_squeeze %gather3A_974 : memref<1x416x128xf32, #tpu.memory_space<vmem>> -> memref<416x128xf32, #tpu.memory_space<vmem>>
        %gather3A_976 = tpu.vector_load_idx %gather3A_975[%add3A_873, %add3A_971] : memref<416x128xf32, #tpu.memory_space<vmem>>[vector<16xi32>, vector<16xi32>], vector<16xf32>,
        %add3A_977 = arith.addf %scan3A_841, %gather3A_976 : vector<16xf32>
        %mul3A_978 = arith.mulf %gather3A_976, %gather3A_976 : vector<16xf32>
        %add3A_979 = arith.addf %add3A_968, %mul3A_978 : vector<16xf32>
        %add3A_980 = arith.constant 4 : i32
        %add3A_981 = vector.broadcast %add3A_980 : i32 to vector<16xi32>
        %add3A_982 = arith.addi %mul3A_929, %add3A_981 : vector<16xi32>
        %gather3A_983 = arith.constant 0 : i32
        %gather3A_984 = arith.constant 0 : i32
        %gather3A_985 = tpu.memref_slice %arg10[%scan3A_487, %gather3A_983, %gather3A_984] : memref<2x416x128xf32, #tpu.memory_space<vmem>> -> memref<1x416x128xf32, #tpu.memory_space<vmem>>
        %gather3A_986 = tpu.memref_squeeze %gather3A_985 : memref<1x416x128xf32, #tpu.memory_space<vmem>> -> memref<416x128xf32, #tpu.memory_space<vmem>>
        %gather3A_987 = tpu.vector_load_idx %gather3A_986[%add3A_873, %add3A_982] : memref<416x128xf32, #tpu.memory_space<vmem>>[vector<16xi32>, vector<16xi32>], vector<16xf32>,
        %add3A_988 = arith.addf %scan3A_842, %gather3A_987 : vector<16xf32>
        %mul3A_989 = arith.mulf %gather3A_987, %gather3A_987 : vector<16xf32>
        %add3A_990 = arith.addf %add3A_979, %mul3A_989 : vector<16xf32>
        %add3A_991 = arith.constant 5 : i32
        %add3A_992 = vector.broadcast %add3A_991 : i32 to vector<16xi32>
        %add3A_993 = arith.addi %mul3A_929, %add3A_992 : vector<16xi32>
        %gather3A_994 = arith.constant 0 : i32
        %gather3A_995 = arith.constant 0 : i32
        %gather3A_996 = tpu.memref_slice %arg10[%scan3A_487, %gather3A_994, %gather3A_995] : memref<2x416x128xf32, #tpu.memory_space<vmem>> -> memref<1x416x128xf32, #tpu.memory_space<vmem>>
        %gather3A_997 = tpu.memref_squeeze %gather3A_996 : memref<1x416x128xf32, #tpu.memory_space<vmem>> -> memref<416x128xf32, #tpu.memory_space<vmem>>
        %gather3A_998 = tpu.vector_load_idx %gather3A_997[%add3A_873, %add3A_993] : memref<416x128xf32, #tpu.memory_space<vmem>>[vector<16xi32>, vector<16xi32>], vector<16xf32>,
        %add3A_999 = arith.addf %scan3A_843, %gather3A_998 : vector<16xf32>
        %mul3A_1000 = arith.mulf %gather3A_998, %gather3A_998 : vector<16xf32>
        %add3A_1001 = arith.addf %add3A_990, %mul3A_1000 : vector<16xf32>
        %add3A_1002 = arith.constant 6 : i32
        %add3A_1003 = vector.broadcast %add3A_1002 : i32 to vector<16xi32>
        %add3A_1004 = arith.addi %mul3A_929, %add3A_1003 : vector<16xi32>
        %gather3A_1005 = arith.constant 0 : i32
        %gather3A_1006 = arith.constant 0 : i32
        %gather3A_1007 = tpu.memref_slice %arg10[%scan3A_487, %gather3A_1005, %gather3A_1006] : memref<2x416x128xf32, #tpu.memory_space<vmem>> -> memref<1x416x128xf32, #tpu.memory_space<vmem>>
        %gather3A_1008 = tpu.memref_squeeze %gather3A_1007 : memref<1x416x128xf32, #tpu.memory_space<vmem>> -> memref<416x128xf32, #tpu.memory_space<vmem>>
        %gather3A_1009 = tpu.vector_load_idx %gather3A_1008[%add3A_873, %add3A_1004] : memref<416x128xf32, #tpu.memory_space<vmem>>[vector<16xi32>, vector<16xi32>], vector<16xf32>,
        %add3A_1010 = arith.addf %scan3A_844, %gather3A_1009 : vector<16xf32>
        %mul3A_1011 = arith.mulf %gather3A_1009, %gather3A_1009 : vector<16xf32>
        %add3A_1012 = arith.addf %add3A_1001, %mul3A_1011 : vector<16xf32>
        %add3A_1013 = arith.constant 7 : i32
        %add3A_1014 = vector.broadcast %add3A_1013 : i32 to vector<16xi32>
        %add3A_1015 = arith.addi %mul3A_929, %add3A_1014 : vector<16xi32>
        %gather3A_1016 = arith.constant 0 : i32
        %gather3A_1017 = arith.constant 0 : i32
        %gather3A_1018 = tpu.memref_slice %arg10[%scan3A_487, %gather3A_1016, %gather3A_1017] : memref<2x416x128xf32, #tpu.memory_space<vmem>> -> memref<1x416x128xf32, #tpu.memory_space<vmem>>
        %gather3A_1019 = tpu.memref_squeeze %gather3A_1018 : memref<1x416x128xf32, #tpu.memory_space<vmem>> -> memref<416x128xf32, #tpu.memory_space<vmem>>
        %gather3A_1020 = tpu.vector_load_idx %gather3A_1019[%add3A_873, %add3A_1015] : memref<416x128xf32, #tpu.memory_space<vmem>>[vector<16xi32>, vector<16xi32>], vector<16xf32>,
        %add3A_1021 = arith.addf %scan3A_845, %gather3A_1020 : vector<16xf32>
        %mul3A_1022 = arith.mulf %gather3A_1020, %gather3A_1020 : vector<16xf32>
        %add3A_1023 = arith.addf %add3A_1012, %mul3A_1022 : vector<16xf32>
        %add3A_1024 = arith.constant 8 : i32
        %add3A_1025 = vector.broadcast %add3A_1024 : i32 to vector<16xi32>
        %add3A_1026 = arith.addi %mul3A_929, %add3A_1025 : vector<16xi32>
        %gather3A_1027 = arith.constant 0 : i32
        %gather3A_1028 = arith.constant 0 : i32
        %gather3A_1029 = tpu.memref_slice %arg10[%scan3A_487, %gather3A_1027, %gather3A_1028] : memref<2x416x128xf32, #tpu.memory_space<vmem>> -> memref<1x416x128xf32, #tpu.memory_space<vmem>>
        %gather3A_1030 = tpu.memref_squeeze %gather3A_1029 : memref<1x416x128xf32, #tpu.memory_space<vmem>> -> memref<416x128xf32, #tpu.memory_space<vmem>>
        %gather3A_1031 = tpu.vector_load_idx %gather3A_1030[%add3A_873, %add3A_1026] : memref<416x128xf32, #tpu.memory_space<vmem>>[vector<16xi32>, vector<16xi32>], vector<16xf32>,
        %add3A_1032 = arith.addf %scan3A_846, %gather3A_1031 : vector<16xf32>
        %mul3A_1033 = arith.mulf %gather3A_1031, %gather3A_1031 : vector<16xf32>
        %add3A_1034 = arith.addf %add3A_1023, %mul3A_1033 : vector<16xf32>
        %add3A_1035 = arith.constant 9 : i32
        %add3A_1036 = vector.broadcast %add3A_1035 : i32 to vector<16xi32>
        %add3A_1037 = arith.addi %mul3A_929, %add3A_1036 : vector<16xi32>
        %gather3A_1038 = arith.constant 0 : i32
        %gather3A_1039 = arith.constant 0 : i32
        %gather3A_1040 = tpu.memref_slice %arg10[%scan3A_487, %gather3A_1038, %gather3A_1039] : memref<2x416x128xf32, #tpu.memory_space<vmem>> -> memref<1x416x128xf32, #tpu.memory_space<vmem>>
        %gather3A_1041 = tpu.memref_squeeze %gather3A_1040 : memref<1x416x128xf32, #tpu.memory_space<vmem>> -> memref<416x128xf32, #tpu.memory_space<vmem>>
        %gather3A_1042 = tpu.vector_load_idx %gather3A_1041[%add3A_873, %add3A_1037] : memref<416x128xf32, #tpu.memory_space<vmem>>[vector<16xi32>, vector<16xi32>], vector<16xf32>,
        %add3A_1043 = arith.addf %scan3A_847, %gather3A_1042 : vector<16xf32>
        %mul3A_1044 = arith.mulf %gather3A_1042, %gather3A_1042 : vector<16xf32>
        %add3A_1045 = arith.addf %add3A_1034, %mul3A_1044 : vector<16xf32>
        %add3A_1046 = arith.constant 10 : i32
        %add3A_1047 = vector.broadcast %add3A_1046 : i32 to vector<16xi32>
        %add3A_1048 = arith.addi %mul3A_929, %add3A_1047 : vector<16xi32>
        %gather3A_1049 = arith.constant 0 : i32
        %gather3A_1050 = arith.constant 0 : i32
        %gather3A_1051 = tpu.memref_slice %arg10[%scan3A_487, %gather3A_1049, %gather3A_1050] : memref<2x416x128xf32, #tpu.memory_space<vmem>> -> memref<1x416x128xf32, #tpu.memory_space<vmem>>
        %gather3A_1052 = tpu.memref_squeeze %gather3A_1051 : memref<1x416x128xf32, #tpu.memory_space<vmem>> -> memref<416x128xf32, #tpu.memory_space<vmem>>
        %gather3A_1053 = tpu.vector_load_idx %gather3A_1052[%add3A_873, %add3A_1048] : memref<416x128xf32, #tpu.memory_space<vmem>>[vector<16xi32>, vector<16xi32>], vector<16xf32>,
        %add3A_1054 = arith.addf %scan3A_848, %gather3A_1053 : vector<16xf32>
        %mul3A_1055 = arith.mulf %gather3A_1053, %gather3A_1053 : vector<16xf32>
        %add3A_1056 = arith.addf %add3A_1045, %mul3A_1055 : vector<16xf32>
        %add3A_1057 = arith.constant 11 : i32
        %add3A_1058 = vector.broadcast %add3A_1057 : i32 to vector<16xi32>
        %add3A_1059 = arith.addi %mul3A_929, %add3A_1058 : vector<16xi32>
        %gather3A_1060 = arith.constant 0 : i32
        %gather3A_1061 = arith.constant 0 : i32
        %gather3A_1062 = tpu.memref_slice %arg10[%scan3A_487, %gather3A_1060, %gather3A_1061] : memref<2x416x128xf32, #tpu.memory_space<vmem>> -> memref<1x416x128xf32, #tpu.memory_space<vmem>>
        %gather3A_1063 = tpu.memref_squeeze %gather3A_1062 : memref<1x416x128xf32, #tpu.memory_space<vmem>> -> memref<416x128xf32, #tpu.memory_space<vmem>>
        %gather3A_1064 = tpu.vector_load_idx %gather3A_1063[%add3A_873, %add3A_1059] : memref<416x128xf32, #tpu.memory_space<vmem>>[vector<16xi32>, vector<16xi32>], vector<16xf32>,
        %add3A_1065 = arith.addf %scan3A_849, %gather3A_1064 : vector<16xf32>
        %mul3A_1066 = arith.mulf %gather3A_1064, %gather3A_1064 : vector<16xf32>
        %add3A_1067 = arith.addf %add3A_1056, %mul3A_1066 : vector<16xf32>
        %add3A_1068 = arith.constant 12 : i32
        %add3A_1069 = vector.broadcast %add3A_1068 : i32 to vector<16xi32>
        %add3A_1070 = arith.addi %mul3A_929, %add3A_1069 : vector<16xi32>
        %gather3A_1071 = arith.constant 0 : i32
        %gather3A_1072 = arith.constant 0 : i32
        %gather3A_1073 = tpu.memref_slice %arg10[%scan3A_487, %gather3A_1071, %gather3A_1072] : memref<2x416x128xf32, #tpu.memory_space<vmem>> -> memref<1x416x128xf32, #tpu.memory_space<vmem>>
        %gather3A_1074 = tpu.memref_squeeze %gather3A_1073 : memref<1x416x128xf32, #tpu.memory_space<vmem>> -> memref<416x128xf32, #tpu.memory_space<vmem>>
        %gather3A_1075 = tpu.vector_load_idx %gather3A_1074[%add3A_873, %add3A_1070] : memref<416x128xf32, #tpu.memory_space<vmem>>[vector<16xi32>, vector<16xi32>], vector<16xf32>,
        %add3A_1076 = arith.addf %scan3A_850, %gather3A_1075 : vector<16xf32>
        %mul3A_1077 = arith.mulf %gather3A_1075, %gather3A_1075 : vector<16xf32>
        %add3A_1078 = arith.addf %add3A_1067, %mul3A_1077 : vector<16xf32>
        %add3A_1079 = arith.constant 13 : i32
        %add3A_1080 = vector.broadcast %add3A_1079 : i32 to vector<16xi32>
        %add3A_1081 = arith.addi %mul3A_929, %add3A_1080 : vector<16xi32>
        %gather3A_1082 = arith.constant 0 : i32
        %gather3A_1083 = arith.constant 0 : i32
        %gather3A_1084 = tpu.memref_slice %arg10[%scan3A_487, %gather3A_1082, %gather3A_1083] : memref<2x416x128xf32, #tpu.memory_space<vmem>> -> memref<1x416x128xf32, #tpu.memory_space<vmem>>
        %gather3A_1085 = tpu.memref_squeeze %gather3A_1084 : memref<1x416x128xf32, #tpu.memory_space<vmem>> -> memref<416x128xf32, #tpu.memory_space<vmem>>
        %gather3A_1086 = tpu.vector_load_idx %gather3A_1085[%add3A_873, %add3A_1081] : memref<416x128xf32, #tpu.memory_space<vmem>>[vector<16xi32>, vector<16xi32>], vector<16xf32>,
        %add3A_1087 = arith.addf %scan3A_851, %gather3A_1086 : vector<16xf32>
        %mul3A_1088 = arith.mulf %gather3A_1086, %gather3A_1086 : vector<16xf32>
        %add3A_1089 = arith.addf %add3A_1078, %mul3A_1088 : vector<16xf32>
        %add3A_1090 = arith.constant 14 : i32
        %add3A_1091 = vector.broadcast %add3A_1090 : i32 to vector<16xi32>
        %add3A_1092 = arith.addi %mul3A_929, %add3A_1091 : vector<16xi32>
        %gather3A_1093 = arith.constant 0 : i32
        %gather3A_1094 = arith.constant 0 : i32
        %gather3A_1095 = tpu.memref_slice %arg10[%scan3A_487, %gather3A_1093, %gather3A_1094] : memref<2x416x128xf32, #tpu.memory_space<vmem>> -> memref<1x416x128xf32, #tpu.memory_space<vmem>>
        %gather3A_1096 = tpu.memref_squeeze %gather3A_1095 : memref<1x416x128xf32, #tpu.memory_space<vmem>> -> memref<416x128xf32, #tpu.memory_space<vmem>>
        %gather3A_1097 = tpu.vector_load_idx %gather3A_1096[%add3A_873, %add3A_1092] : memref<416x128xf32, #tpu.memory_space<vmem>>[vector<16xi32>, vector<16xi32>], vector<16xf32>,
        %add3A_1098 = arith.addf %scan3A_852, %gather3A_1097 : vector<16xf32>
        %mul3A_1099 = arith.mulf %gather3A_1097, %gather3A_1097 : vector<16xf32>
        %add3A_1100 = arith.addf %add3A_1089, %mul3A_1099 : vector<16xf32>
        %add3A_1101 = arith.constant 15 : i32
        %add3A_1102 = vector.broadcast %add3A_1101 : i32 to vector<16xi32>
        %add3A_1103 = arith.addi %mul3A_929, %add3A_1102 : vector<16xi32>
        %gather3A_1104 = arith.constant 0 : i32
        %gather3A_1105 = arith.constant 0 : i32
        %gather3A_1106 = tpu.memref_slice %arg10[%scan3A_487, %gather3A_1104, %gather3A_1105] : memref<2x416x128xf32, #tpu.memory_space<vmem>> -> memref<1x416x128xf32, #tpu.memory_space<vmem>>
        %gather3A_1107 = tpu.memref_squeeze %gather3A_1106 : memref<1x416x128xf32, #tpu.memory_space<vmem>> -> memref<416x128xf32, #tpu.memory_space<vmem>>
        %gather3A_1108 = tpu.vector_load_idx %gather3A_1107[%add3A_873, %add3A_1103] : memref<416x128xf32, #tpu.memory_space<vmem>>[vector<16xi32>, vector<16xi32>], vector<16xf32>,
        %add3A_1109 = arith.addf %scan3A_853, %gather3A_1108 : vector<16xf32>
        %mul3A_1110 = arith.mulf %gather3A_1108, %gather3A_1108 : vector<16xf32>
        %add3A_1111 = arith.addf %add3A_1100, %mul3A_1110 : vector<16xf32>
        %add3A_1112 = arith.constant 16 : i32
        %add3A_1113 = vector.broadcast %add3A_1112 : i32 to vector<16xi32>
        %add3A_1114 = arith.addi %mul3A_929, %add3A_1113 : vector<16xi32>
        %gather3A_1115 = arith.constant 0 : i32
        %gather3A_1116 = arith.constant 0 : i32
        %gather3A_1117 = tpu.memref_slice %arg10[%scan3A_487, %gather3A_1115, %gather3A_1116] : memref<2x416x128xf32, #tpu.memory_space<vmem>> -> memref<1x416x128xf32, #tpu.memory_space<vmem>>
        %gather3A_1118 = tpu.memref_squeeze %gather3A_1117 : memref<1x416x128xf32, #tpu.memory_space<vmem>> -> memref<416x128xf32, #tpu.memory_space<vmem>>
        %gather3A_1119 = tpu.vector_load_idx %gather3A_1118[%add3A_873, %add3A_1114] : memref<416x128xf32, #tpu.memory_space<vmem>>[vector<16xi32>, vector<16xi32>], vector<16xf32>,
        %add3A_1120 = arith.addf %scan3A_854, %gather3A_1119 : vector<16xf32>
        %mul3A_1121 = arith.mulf %gather3A_1119, %gather3A_1119 : vector<16xf32>
        %add3A_1122 = arith.addf %add3A_1111, %mul3A_1121 : vector<16xf32>
        %add3A_1123 = arith.constant 17 : i32
        %add3A_1124 = vector.broadcast %add3A_1123 : i32 to vector<16xi32>
        %add3A_1125 = arith.addi %mul3A_929, %add3A_1124 : vector<16xi32>
        %gather3A_1126 = arith.constant 0 : i32
        %gather3A_1127 = arith.constant 0 : i32
        %gather3A_1128 = tpu.memref_slice %arg10[%scan3A_487, %gather3A_1126, %gather3A_1127] : memref<2x416x128xf32, #tpu.memory_space<vmem>> -> memref<1x416x128xf32, #tpu.memory_space<vmem>>
        %gather3A_1129 = tpu.memref_squeeze %gather3A_1128 : memref<1x416x128xf32, #tpu.memory_space<vmem>> -> memref<416x128xf32, #tpu.memory_space<vmem>>
        %gather3A_1130 = tpu.vector_load_idx %gather3A_1129[%add3A_873, %add3A_1125] : memref<416x128xf32, #tpu.memory_space<vmem>>[vector<16xi32>, vector<16xi32>], vector<16xf32>,
        %add3A_1131 = arith.addf %scan3A_855, %gather3A_1130 : vector<16xf32>
        %mul3A_1132 = arith.mulf %gather3A_1130, %gather3A_1130 : vector<16xf32>
        %add3A_1133 = arith.addf %add3A_1122, %mul3A_1132 : vector<16xf32>
        %add3A_1134 = arith.constant 18 : i32
        %add3A_1135 = vector.broadcast %add3A_1134 : i32 to vector<16xi32>
        %add3A_1136 = arith.addi %mul3A_929, %add3A_1135 : vector<16xi32>
        %gather3A_1137 = arith.constant 0 : i32
        %gather3A_1138 = arith.constant 0 : i32
        %gather3A_1139 = tpu.memref_slice %arg10[%scan3A_487, %gather3A_1137, %gather3A_1138] : memref<2x416x128xf32, #tpu.memory_space<vmem>> -> memref<1x416x128xf32, #tpu.memory_space<vmem>>
        %gather3A_1140 = tpu.memref_squeeze %gather3A_1139 : memref<1x416x128xf32, #tpu.memory_space<vmem>> -> memref<416x128xf32, #tpu.memory_space<vmem>>
        %gather3A_1141 = tpu.vector_load_idx %gather3A_1140[%add3A_873, %add3A_1136] : memref<416x128xf32, #tpu.memory_space<vmem>>[vector<16xi32>, vector<16xi32>], vector<16xf32>,
        %add3A_1142 = arith.addf %scan3A_856, %gather3A_1141 : vector<16xf32>
        %mul3A_1143 = arith.mulf %gather3A_1141, %gather3A_1141 : vector<16xf32>
        %add3A_1144 = arith.addf %add3A_1133, %mul3A_1143 : vector<16xf32>
        %add3A_1145 = arith.constant 19 : i32
        %add3A_1146 = vector.broadcast %add3A_1145 : i32 to vector<16xi32>
        %add3A_1147 = arith.addi %mul3A_929, %add3A_1146 : vector<16xi32>
        %gather3A_1148 = arith.constant 0 : i32
        %gather3A_1149 = arith.constant 0 : i32
        %gather3A_1150 = tpu.memref_slice %arg10[%scan3A_487, %gather3A_1148, %gather3A_1149] : memref<2x416x128xf32, #tpu.memory_space<vmem>> -> memref<1x416x128xf32, #tpu.memory_space<vmem>>
        %gather3A_1151 = tpu.memref_squeeze %gather3A_1150 : memref<1x416x128xf32, #tpu.memory_space<vmem>> -> memref<416x128xf32, #tpu.memory_space<vmem>>
        %gather3A_1152 = tpu.vector_load_idx %gather3A_1151[%add3A_873, %add3A_1147] : memref<416x128xf32, #tpu.memory_space<vmem>>[vector<16xi32>, vector<16xi32>], vector<16xf32>,
        %add3A_1153 = arith.addf %scan3A_857, %gather3A_1152 : vector<16xf32>
        %mul3A_1154 = arith.mulf %gather3A_1152, %gather3A_1152 : vector<16xf32>
        %add3A_1155 = arith.addf %add3A_1144, %mul3A_1154 : vector<16xf32>
        %add3A_1156 = arith.constant 20 : i32
        %add3A_1157 = vector.broadcast %add3A_1156 : i32 to vector<16xi32>
        %add3A_1158 = arith.addi %mul3A_929, %add3A_1157 : vector<16xi32>
        %gather3A_1159 = arith.constant 0 : i32
        %gather3A_1160 = arith.constant 0 : i32
        %gather3A_1161 = tpu.memref_slice %arg10[%scan3A_487, %gather3A_1159, %gather3A_1160] : memref<2x416x128xf32, #tpu.memory_space<vmem>> -> memref<1x416x128xf32, #tpu.memory_space<vmem>>
        %gather3A_1162 = tpu.memref_squeeze %gather3A_1161 : memref<1x416x128xf32, #tpu.memory_space<vmem>> -> memref<416x128xf32, #tpu.memory_space<vmem>>
        %gather3A_1163 = tpu.vector_load_idx %gather3A_1162[%add3A_873, %add3A_1158] : memref<416x128xf32, #tpu.memory_space<vmem>>[vector<16xi32>, vector<16xi32>], vector<16xf32>,
        %add3A_1164 = arith.addf %scan3A_858, %gather3A_1163 : vector<16xf32>
        %mul3A_1165 = arith.mulf %gather3A_1163, %gather3A_1163 : vector<16xf32>
        %add3A_1166 = arith.addf %add3A_1155, %mul3A_1165 : vector<16xf32>
        %add3A_1167 = arith.constant 21 : i32
        %add3A_1168 = vector.broadcast %add3A_1167 : i32 to vector<16xi32>
        %add3A_1169 = arith.addi %mul3A_929, %add3A_1168 : vector<16xi32>
        %gather3A_1170 = arith.constant 0 : i32
        %gather3A_1171 = arith.constant 0 : i32
        %gather3A_1172 = tpu.memref_slice %arg10[%scan3A_487, %gather3A_1170, %gather3A_1171] : memref<2x416x128xf32, #tpu.memory_space<vmem>> -> memref<1x416x128xf32, #tpu.memory_space<vmem>>
        %gather3A_1173 = tpu.memref_squeeze %gather3A_1172 : memref<1x416x128xf32, #tpu.memory_space<vmem>> -> memref<416x128xf32, #tpu.memory_space<vmem>>
        %gather3A_1174 = tpu.vector_load_idx %gather3A_1173[%add3A_873, %add3A_1169] : memref<416x128xf32, #tpu.memory_space<vmem>>[vector<16xi32>, vector<16xi32>], vector<16xf32>,
        %add3A_1175 = arith.addf %scan3A_859, %gather3A_1174 : vector<16xf32>
        %mul3A_1176 = arith.mulf %gather3A_1174, %gather3A_1174 : vector<16xf32>
        %add3A_1177 = arith.addf %add3A_1166, %mul3A_1176 : vector<16xf32>
        %add3A_1178 = arith.constant 22 : i32
        %add3A_1179 = vector.broadcast %add3A_1178 : i32 to vector<16xi32>
        %add3A_1180 = arith.addi %mul3A_929, %add3A_1179 : vector<16xi32>
        %gather3A_1181 = arith.constant 0 : i32
        %gather3A_1182 = arith.constant 0 : i32
        %gather3A_1183 = tpu.memref_slice %arg10[%scan3A_487, %gather3A_1181, %gather3A_1182] : memref<2x416x128xf32, #tpu.memory_space<vmem>> -> memref<1x416x128xf32, #tpu.memory_space<vmem>>
        %gather3A_1184 = tpu.memref_squeeze %gather3A_1183 : memref<1x416x128xf32, #tpu.memory_space<vmem>> -> memref<416x128xf32, #tpu.memory_space<vmem>>
        %gather3A_1185 = tpu.vector_load_idx %gather3A_1184[%add3A_873, %add3A_1180] : memref<416x128xf32, #tpu.memory_space<vmem>>[vector<16xi32>, vector<16xi32>], vector<16xf32>,
        %add3A_1186 = arith.addf %scan3A_860, %gather3A_1185 : vector<16xf32>
        %mul3A_1187 = arith.mulf %gather3A_1185, %gather3A_1185 : vector<16xf32>
        %add3A_1188 = arith.addf %add3A_1177, %mul3A_1187 : vector<16xf32>
        %add3A_1189 = arith.constant 23 : i32
        %add3A_1190 = vector.broadcast %add3A_1189 : i32 to vector<16xi32>
        %add3A_1191 = arith.addi %mul3A_929, %add3A_1190 : vector<16xi32>
        %gather3A_1192 = arith.constant 0 : i32
        %gather3A_1193 = arith.constant 0 : i32
        %gather3A_1194 = tpu.memref_slice %arg10[%scan3A_487, %gather3A_1192, %gather3A_1193] : memref<2x416x128xf32, #tpu.memory_space<vmem>> -> memref<1x416x128xf32, #tpu.memory_space<vmem>>
        %gather3A_1195 = tpu.memref_squeeze %gather3A_1194 : memref<1x416x128xf32, #tpu.memory_space<vmem>> -> memref<416x128xf32, #tpu.memory_space<vmem>>
        %gather3A_1196 = tpu.vector_load_idx %gather3A_1195[%add3A_873, %add3A_1191] : memref<416x128xf32, #tpu.memory_space<vmem>>[vector<16xi32>, vector<16xi32>], vector<16xf32>,
        %add3A_1197 = arith.addf %scan3A_861, %gather3A_1196 : vector<16xf32>
        %mul3A_1198 = arith.mulf %gather3A_1196, %gather3A_1196 : vector<16xf32>
        %add3A_1199 = arith.addf %add3A_1188, %mul3A_1198 : vector<16xf32>
        %add3A_1200 = arith.constant 24 : i32
        %add3A_1201 = vector.broadcast %add3A_1200 : i32 to vector<16xi32>
        %add3A_1202 = arith.addi %mul3A_929, %add3A_1201 : vector<16xi32>
        %gather3A_1203 = arith.constant 0 : i32
        %gather3A_1204 = arith.constant 0 : i32
        %gather3A_1205 = tpu.memref_slice %arg10[%scan3A_487, %gather3A_1203, %gather3A_1204] : memref<2x416x128xf32, #tpu.memory_space<vmem>> -> memref<1x416x128xf32, #tpu.memory_space<vmem>>
        %gather3A_1206 = tpu.memref_squeeze %gather3A_1205 : memref<1x416x128xf32, #tpu.memory_space<vmem>> -> memref<416x128xf32, #tpu.memory_space<vmem>>
        %gather3A_1207 = tpu.vector_load_idx %gather3A_1206[%add3A_873, %add3A_1202] : memref<416x128xf32, #tpu.memory_space<vmem>>[vector<16xi32>, vector<16xi32>], vector<16xf32>,
        %add3A_1208 = arith.addf %scan3A_862, %gather3A_1207 : vector<16xf32>
        %mul3A_1209 = arith.mulf %gather3A_1207, %gather3A_1207 : vector<16xf32>
        %add3A_1210 = arith.addf %add3A_1199, %mul3A_1209 : vector<16xf32>
        %add3A_1211 = arith.constant 25 : i32
        %add3A_1212 = vector.broadcast %add3A_1211 : i32 to vector<16xi32>
        %add3A_1213 = arith.addi %mul3A_929, %add3A_1212 : vector<16xi32>
        %gather3A_1214 = arith.constant 0 : i32
        %gather3A_1215 = arith.constant 0 : i32
        %gather3A_1216 = tpu.memref_slice %arg10[%scan3A_487, %gather3A_1214, %gather3A_1215] : memref<2x416x128xf32, #tpu.memory_space<vmem>> -> memref<1x416x128xf32, #tpu.memory_space<vmem>>
        %gather3A_1217 = tpu.memref_squeeze %gather3A_1216 : memref<1x416x128xf32, #tpu.memory_space<vmem>> -> memref<416x128xf32, #tpu.memory_space<vmem>>
        %gather3A_1218 = tpu.vector_load_idx %gather3A_1217[%add3A_873, %add3A_1213] : memref<416x128xf32, #tpu.memory_space<vmem>>[vector<16xi32>, vector<16xi32>], vector<16xf32>,
        %add3A_1219 = arith.addf %scan3A_863, %gather3A_1218 : vector<16xf32>
        %mul3A_1220 = arith.mulf %gather3A_1218, %gather3A_1218 : vector<16xf32>
        %add3A_1221 = arith.addf %add3A_1210, %mul3A_1220 : vector<16xf32>
        %add3A_1222 = arith.constant 26 : i32
        %add3A_1223 = vector.broadcast %add3A_1222 : i32 to vector<16xi32>
        %add3A_1224 = arith.addi %mul3A_929, %add3A_1223 : vector<16xi32>
        %gather3A_1225 = arith.constant 0 : i32
        %gather3A_1226 = arith.constant 0 : i32
        %gather3A_1227 = tpu.memref_slice %arg10[%scan3A_487, %gather3A_1225, %gather3A_1226] : memref<2x416x128xf32, #tpu.memory_space<vmem>> -> memref<1x416x128xf32, #tpu.memory_space<vmem>>
        %gather3A_1228 = tpu.memref_squeeze %gather3A_1227 : memref<1x416x128xf32, #tpu.memory_space<vmem>> -> memref<416x128xf32, #tpu.memory_space<vmem>>
        %gather3A_1229 = tpu.vector_load_idx %gather3A_1228[%add3A_873, %add3A_1224] : memref<416x128xf32, #tpu.memory_space<vmem>>[vector<16xi32>, vector<16xi32>], vector<16xf32>,
        %add3A_1230 = arith.addf %scan3A_864, %gather3A_1229 : vector<16xf32>
        %mul3A_1231 = arith.mulf %gather3A_1229, %gather3A_1229 : vector<16xf32>
        %add3A_1232 = arith.addf %add3A_1221, %mul3A_1231 : vector<16xf32>
        %add3A_1233 = arith.constant 27 : i32
        %add3A_1234 = vector.broadcast %add3A_1233 : i32 to vector<16xi32>
        %add3A_1235 = arith.addi %mul3A_929, %add3A_1234 : vector<16xi32>
        %gather3A_1236 = arith.constant 0 : i32
        %gather3A_1237 = arith.constant 0 : i32
        %gather3A_1238 = tpu.memref_slice %arg10[%scan3A_487, %gather3A_1236, %gather3A_1237] : memref<2x416x128xf32, #tpu.memory_space<vmem>> -> memref<1x416x128xf32, #tpu.memory_space<vmem>>
        %gather3A_1239 = tpu.memref_squeeze %gather3A_1238 : memref<1x416x128xf32, #tpu.memory_space<vmem>> -> memref<416x128xf32, #tpu.memory_space<vmem>>
        %gather3A_1240 = tpu.vector_load_idx %gather3A_1239[%add3A_873, %add3A_1235] : memref<416x128xf32, #tpu.memory_space<vmem>>[vector<16xi32>, vector<16xi32>], vector<16xf32>,
        %add3A_1241 = arith.addf %scan3A_865, %gather3A_1240 : vector<16xf32>
        %mul3A_1242 = arith.mulf %gather3A_1240, %gather3A_1240 : vector<16xf32>
        %add3A_1243 = arith.addf %add3A_1232, %mul3A_1242 : vector<16xf32>
        %add3A_1244 = arith.constant 28 : i32
        %add3A_1245 = vector.broadcast %add3A_1244 : i32 to vector<16xi32>
        %add3A_1246 = arith.addi %mul3A_929, %add3A_1245 : vector<16xi32>
        %gather3A_1247 = arith.constant 0 : i32
        %gather3A_1248 = arith.constant 0 : i32
        %gather3A_1249 = tpu.memref_slice %arg10[%scan3A_487, %gather3A_1247, %gather3A_1248] : memref<2x416x128xf32, #tpu.memory_space<vmem>> -> memref<1x416x128xf32, #tpu.memory_space<vmem>>
        %gather3A_1250 = tpu.memref_squeeze %gather3A_1249 : memref<1x416x128xf32, #tpu.memory_space<vmem>> -> memref<416x128xf32, #tpu.memory_space<vmem>>
        %gather3A_1251 = tpu.vector_load_idx %gather3A_1250[%add3A_873, %add3A_1246] : memref<416x128xf32, #tpu.memory_space<vmem>>[vector<16xi32>, vector<16xi32>], vector<16xf32>,
        %add3A_1252 = arith.addf %scan3A_866, %gather3A_1251 : vector<16xf32>
        %mul3A_1253 = arith.mulf %gather3A_1251, %gather3A_1251 : vector<16xf32>
        %add3A_1254 = arith.addf %add3A_1243, %mul3A_1253 : vector<16xf32>
        %add3A_1255 = arith.constant 29 : i32
        %add3A_1256 = vector.broadcast %add3A_1255 : i32 to vector<16xi32>
        %add3A_1257 = arith.addi %mul3A_929, %add3A_1256 : vector<16xi32>
        %gather3A_1258 = arith.constant 0 : i32
        %gather3A_1259 = arith.constant 0 : i32
        %gather3A_1260 = tpu.memref_slice %arg10[%scan3A_487, %gather3A_1258, %gather3A_1259] : memref<2x416x128xf32, #tpu.memory_space<vmem>> -> memref<1x416x128xf32, #tpu.memory_space<vmem>>
        %gather3A_1261 = tpu.memref_squeeze %gather3A_1260 : memref<1x416x128xf32, #tpu.memory_space<vmem>> -> memref<416x128xf32, #tpu.memory_space<vmem>>
        %gather3A_1262 = tpu.vector_load_idx %gather3A_1261[%add3A_873, %add3A_1257] : memref<416x128xf32, #tpu.memory_space<vmem>>[vector<16xi32>, vector<16xi32>], vector<16xf32>,
        %add3A_1263 = arith.addf %scan3A_867, %gather3A_1262 : vector<16xf32>
        %mul3A_1264 = arith.mulf %gather3A_1262, %gather3A_1262 : vector<16xf32>
        %add3A_1265 = arith.addf %add3A_1254, %mul3A_1264 : vector<16xf32>
        %add3A_1266 = arith.constant 30 : i32
        %add3A_1267 = vector.broadcast %add3A_1266 : i32 to vector<16xi32>
        %add3A_1268 = arith.addi %mul3A_929, %add3A_1267 : vector<16xi32>
        %gather3A_1269 = arith.constant 0 : i32
        %gather3A_1270 = arith.constant 0 : i32
        %gather3A_1271 = tpu.memref_slice %arg10[%scan3A_487, %gather3A_1269, %gather3A_1270] : memref<2x416x128xf32, #tpu.memory_space<vmem>> -> memref<1x416x128xf32, #tpu.memory_space<vmem>>
        %gather3A_1272 = tpu.memref_squeeze %gather3A_1271 : memref<1x416x128xf32, #tpu.memory_space<vmem>> -> memref<416x128xf32, #tpu.memory_space<vmem>>
        %gather3A_1273 = tpu.vector_load_idx %gather3A_1272[%add3A_873, %add3A_1268] : memref<416x128xf32, #tpu.memory_space<vmem>>[vector<16xi32>, vector<16xi32>], vector<16xf32>,
        %add3A_1274 = arith.addf %scan3A_868, %gather3A_1273 : vector<16xf32>
        %mul3A_1275 = arith.mulf %gather3A_1273, %gather3A_1273 : vector<16xf32>
        %add3A_1276 = arith.addf %add3A_1265, %mul3A_1275 : vector<16xf32>
        %add3A_1277 = arith.constant 31 : i32
        %add3A_1278 = vector.broadcast %add3A_1277 : i32 to vector<16xi32>
        %add3A_1279 = arith.addi %mul3A_929, %add3A_1278 : vector<16xi32>
        %gather3A_1280 = arith.constant 0 : i32
        %gather3A_1281 = arith.constant 0 : i32
        %gather3A_1282 = tpu.memref_slice %arg10[%scan3A_487, %gather3A_1280, %gather3A_1281] : memref<2x416x128xf32, #tpu.memory_space<vmem>> -> memref<1x416x128xf32, #tpu.memory_space<vmem>>
        %gather3A_1283 = tpu.memref_squeeze %gather3A_1282 : memref<1x416x128xf32, #tpu.memory_space<vmem>> -> memref<416x128xf32, #tpu.memory_space<vmem>>
        %gather3A_1284 = tpu.vector_load_idx %gather3A_1283[%add3A_873, %add3A_1279] : memref<416x128xf32, #tpu.memory_space<vmem>>[vector<16xi32>, vector<16xi32>], vector<16xf32>,
        %add3A_1285 = arith.addf %scan3A_869, %gather3A_1284 : vector<16xf32>
        %mul3A_1286 = arith.mulf %gather3A_1284, %gather3A_1284 : vector<16xf32>
        %add3A_1287 = arith.addf %add3A_1276, %mul3A_1286 : vector<16xf32>
        scf.yield %add3A_944, %add3A_955, %add3A_966, %add3A_977, %add3A_988, %add3A_999, %add3A_1010, %add3A_1021, %add3A_1032, %add3A_1043, %add3A_1054, %add3A_1065, %add3A_1076, %add3A_1087, %add3A_1098, %add3A_1109, %add3A_1120, %add3A_1131, %add3A_1142, %add3A_1153, %add3A_1164, %add3A_1175, %add3A_1186, %add3A_1197, %add3A_1208, %add3A_1219, %add3A_1230, %add3A_1241, %add3A_1252, %add3A_1263, %add3A_1274, %add3A_1285, %add3A_1287, %add3A_935 : vector<16xf32>, vector<16xf32>, vector<16xf32>, vector<16xf32>, vector<16xf32>, vector<16xf32>, vector<16xf32>, vector<16xf32>, vector<16xf32>, vector<16xf32>, vector<16xf32>, vector<16xf32>, vector<16xf32>, vector<16xf32>, vector<16xf32>, vector<16xf32>, vector<16xf32>, vector<16xf32>, vector<16xf32>, vector<16xf32>, vector<16xf32>, vector<16xf32>, vector<16xf32>, vector<16xf32>, vector<16xf32>, vector<16xf32>, vector<16xf32>, vector<16xf32>, vector<16xf32>, vector<16xf32>, vector<16xf32>, vector<16xf32>, vector<16xf32>, vector<16xf32>
      }
      %scan3A_493 = arith.constant 26 : i32
      %mul3A_494 = arith.mulf %scan3A_492#0, %scan3A_492#0 : vector<16xf32>
      %mul3A_495 = arith.mulf %scan3A_492#1, %scan3A_492#1 : vector<16xf32>
      %add3A_496 = arith.addf %mul3A_494, %mul3A_495 : vector<16xf32>
      %mul3A_497 = arith.mulf %scan3A_492#2, %scan3A_492#2 : vector<16xf32>
      %add3A_498 = arith.addf %add3A_496, %mul3A_497 : vector<16xf32>
      %mul3A_499 = arith.mulf %scan3A_492#3, %scan3A_492#3 : vector<16xf32>
      %add3A_500 = arith.addf %add3A_498, %mul3A_499 : vector<16xf32>
      %mul3A_501 = arith.mulf %scan3A_492#4, %scan3A_492#4 : vector<16xf32>
      %add3A_502 = arith.addf %add3A_500, %mul3A_501 : vector<16xf32>
      %mul3A_503 = arith.mulf %scan3A_492#5, %scan3A_492#5 : vector<16xf32>
      %add3A_504 = arith.addf %add3A_502, %mul3A_503 : vector<16xf32>
      %mul3A_505 = arith.mulf %scan3A_492#6, %scan3A_492#6 : vector<16xf32>
      %add3A_506 = arith.addf %add3A_504, %mul3A_505 : vector<16xf32>
      %mul3A_507 = arith.mulf %scan3A_492#7, %scan3A_492#7 : vector<16xf32>
      %add3A_508 = arith.addf %add3A_506, %mul3A_507 : vector<16xf32>
      %mul3A_509 = arith.mulf %scan3A_492#8, %scan3A_492#8 : vector<16xf32>
      %add3A_510 = arith.addf %add3A_508, %mul3A_509 : vector<16xf32>
      %mul3A_511 = arith.mulf %scan3A_492#9, %scan3A_492#9 : vector<16xf32>
      %add3A_512 = arith.addf %add3A_510, %mul3A_511 : vector<16xf32>
      %mul3A_513 = arith.mulf %scan3A_492#10, %scan3A_492#10 : vector<16xf32>
      %add3A_514 = arith.addf %add3A_512, %mul3A_513 : vector<16xf32>
      %mul3A_515 = arith.mulf %scan3A_492#11, %scan3A_492#11 : vector<16xf32>
      %add3A_516 = arith.addf %add3A_514, %mul3A_515 : vector<16xf32>
      %mul3A_517 = arith.mulf %scan3A_492#12, %scan3A_492#12 : vector<16xf32>
      %add3A_518 = arith.addf %add3A_516, %mul3A_517 : vector<16xf32>
      %mul3A_519 = arith.mulf %scan3A_492#13, %scan3A_492#13 : vector<16xf32>
      %add3A_520 = arith.addf %add3A_518, %mul3A_519 : vector<16xf32>
      %mul3A_521 = arith.mulf %scan3A_492#14, %scan3A_492#14 : vector<16xf32>
      %add3A_522 = arith.addf %add3A_520, %mul3A_521 : vector<16xf32>
      %mul3A_523 = arith.mulf %scan3A_492#15, %scan3A_492#15 : vector<16xf32>
      %add3A_524 = arith.addf %add3A_522, %mul3A_523 : vector<16xf32>
      %mul3A_525 = arith.mulf %scan3A_492#16, %scan3A_492#16 : vector<16xf32>
      %add3A_526 = arith.addf %add3A_524, %mul3A_525 : vector<16xf32>
      %mul3A_527 = arith.mulf %scan3A_492#17, %scan3A_492#17 : vector<16xf32>
      %add3A_528 = arith.addf %add3A_526, %mul3A_527 : vector<16xf32>
      %mul3A_529 = arith.mulf %scan3A_492#18, %scan3A_492#18 : vector<16xf32>
      %add3A_530 = arith.addf %add3A_528, %mul3A_529 : vector<16xf32>
      %mul3A_531 = arith.mulf %scan3A_492#19, %scan3A_492#19 : vector<16xf32>
      %add3A_532 = arith.addf %add3A_530, %mul3A_531 : vector<16xf32>
      %mul3A_533 = arith.mulf %scan3A_492#20, %scan3A_492#20 : vector<16xf32>
      %add3A_534 = arith.addf %add3A_532, %mul3A_533 : vector<16xf32>
      %mul3A_535 = arith.mulf %scan3A_492#21, %scan3A_492#21 : vector<16xf32>
      %add3A_536 = arith.addf %add3A_534, %mul3A_535 : vector<16xf32>
      %mul3A_537 = arith.mulf %scan3A_492#22, %scan3A_492#22 : vector<16xf32>
      %add3A_538 = arith.addf %add3A_536, %mul3A_537 : vector<16xf32>
      %mul3A_539 = arith.mulf %scan3A_492#23, %scan3A_492#23 : vector<16xf32>
      %add3A_540 = arith.addf %add3A_538, %mul3A_539 : vector<16xf32>
      %mul3A_541 = arith.mulf %scan3A_492#24, %scan3A_492#24 : vector<16xf32>
      %add3A_542 = arith.addf %add3A_540, %mul3A_541 : vector<16xf32>
      %mul3A_543 = arith.mulf %scan3A_492#25, %scan3A_492#25 : vector<16xf32>
      %add3A_544 = arith.addf %add3A_542, %mul3A_543 : vector<16xf32>
      %mul3A_545 = arith.mulf %scan3A_492#26, %scan3A_492#26 : vector<16xf32>
      %add3A_546 = arith.addf %add3A_544, %mul3A_545 : vector<16xf32>
      %mul3A_547 = arith.mulf %scan3A_492#27, %scan3A_492#27 : vector<16xf32>
      %add3A_548 = arith.addf %add3A_546, %mul3A_547 : vector<16xf32>
      %mul3A_549 = arith.mulf %scan3A_492#28, %scan3A_492#28 : vector<16xf32>
      %add3A_550 = arith.addf %add3A_548, %mul3A_549 : vector<16xf32>
      %mul3A_551 = arith.mulf %scan3A_492#29, %scan3A_492#29 : vector<16xf32>
      %add3A_552 = arith.addf %add3A_550, %mul3A_551 : vector<16xf32>
      %mul3A_553 = arith.mulf %scan3A_492#30, %scan3A_492#30 : vector<16xf32>
      %add3A_554 = arith.addf %add3A_552, %mul3A_553 : vector<16xf32>
      %mul3A_555 = arith.mulf %scan3A_492#31, %scan3A_492#31 : vector<16xf32>
      %add3A_556 = arith.addf %add3A_554, %mul3A_555 : vector<16xf32>
      %get3A = arith.constant 0 : index
      %get3A_557 = tpu.vector_load %arg13[%get3A] {strides = array<i32>} : memref<16xf32, #tpu.memory_space<vmem>>, vector<16xf32>,
      %add3A_558 = arith.addf %get3A_557, %scan3A_492#33 : vector<16xf32>
      %sub3A = arith.subf %add3A_556, %scan3A_492#32 : vector<16xf32>
      %mul3A_559 = arith.constant 5.000000e-01 : f32
      %mul3A_560 = vector.broadcast %mul3A_559 : f32 to vector<16xf32>
      %mul3A_561 = arith.mulf %mul3A_560, %sub3A : vector<16xf32>
      %add3A_562 = arith.addf %add3A_558, %mul3A_561 : vector<16xf32>
      %neg3A = arith.constant 0.000000e+00 : f32
      %neg3A_563 = vector.broadcast %neg3A : f32 to vector<16xf32>
      %neg3A_564 = arith.subf %neg3A_563, %add3A_562 : vector<16xf32>
      %exp3A = math.exp %neg3A_564 : vector<16xf32>
      %add3A_565 = arith.constant 1.000000e+00 : f32
      %add3A_566 = vector.broadcast %add3A_565 : f32 to vector<16xf32>
      %add3A_567 = arith.addf %add3A_566, %exp3A : vector<16xf32>
      %div3A = arith.constant 1.000000e+00 : f32
      %div3A_568 = vector.broadcast %div3A : f32 to vector<16xf32>
      %div3A_569 = arith.divf %div3A_568, %add3A_567 : vector<16xf32>
      %mul3A_570 = arith.constant 16 : i32
      %mul3A_571 = arith.muli %mul3A_484, %mul3A_570 : i32
      %swap3A = arith.index_cast %mul3A_571 : i32 to index
      %swap3A_572 = tpu.vector_load %arg12[%swap3A] {strides = array<i32>} : memref<512xf32, #tpu.memory_space<vmem>>, vector<16xf32>,
      tpu.vector_store %arg12[%swap3A], %div3A_569 {strides = array<i32>} : memref<512xf32, #tpu.memory_space<vmem>>, vector<16xf32>,
      %lt3A = arith.constant 15 : i32
      %lt3A_573 = arith.cmpi slt, %scan3A_157, %lt3A : i32
      %convert_element_type3A = arith.extui %lt3A_573 : i1 to i32
      %cond3A = arith.constant 0 : i32
      %cond3A_574 = arith.cmpi ne, %convert_element_type3A, %cond3A : i32
      scf.if %cond3A_574 {
        %mul3A_837 = arith.constant 2 : i32
        %mul3A_838 = arith.muli %mul3A_837, %scan3A_157 : i32
        %add3A_839 = arith.constant 2 : i32
        %add3A_840 = arith.addi %mul3A_838, %add3A_839 : i32
        %mul3A_841 = arith.constant 128 : i32
        %mul3A_842 = arith.muli %add3A, %mul3A_841 : i32
        %mul3A_843 = arith.constant 4 : i32
        %mul3A_844 = arith.muli %add3A_840, %mul3A_843 : i32
        %add3A_845 = arith.addi %mul3A_842, %mul3A_844 : i32
        %run_scoped3A_846 = arith.constant 0 : i32
        "tpu.region"() ({
          %run_scoped3A_999 = tpu.sem_alloc : memref<!tpu.dma_semaphore, #tpu.memory_space<semaphore_mem>>
          %dma_start3A_1000 = arith.constant 0 : i32
          %dma_start3A_1001 = arith.constant 0 : i32
          %dma_start3A_1002 = tpu.memref_slice %arg9[%run_scoped3A_846, %dma_start3A_1000, %dma_start3A_1001] : memref<2x4x104xi32, #tpu.memory_space<vmem>> -> memref<1x4x104xi32, #tpu.memory_space<vmem>>
          %dma_start3A_1003 = tpu.memref_squeeze %dma_start3A_1002 : memref<1x4x104xi32, #tpu.memory_space<vmem>> -> memref<4x104xi32, #tpu.memory_space<vmem>>
          %dma_start3A_1004 = arith.constant 0 : i32
          %dma_start3A_1005 = tpu.memref_slice %arg3[%add3A_845, %dma_start3A_1004] : memref<4096x104xi32, #tpu.memory_space<hbm>> -> memref<4x104xi32, #tpu.memory_space<hbm>>
          %dma_start3A_1006 = arith.constant 0 : i32
          %dma_start3A_1007 = arith.constant 0 : i32
          %dma_start3A_1008 = tpu.memref_slice %arg9[%run_scoped3A_846, %dma_start3A_1006, %dma_start3A_1007] : memref<2x4x104xi32, #tpu.memory_space<vmem>> -> memref<1x4x104xi32, #tpu.memory_space<vmem>>
          %dma_start3A_1009 = tpu.memref_squeeze %dma_start3A_1008 : memref<1x4x104xi32, #tpu.memory_space<vmem>> -> memref<4x104xi32, #tpu.memory_space<vmem>>
          %dma_start3A_1010 = arith.constant 0 : i32
          %dma_start3A_1011 = tpu.memref_slice %arg3[%add3A_845, %dma_start3A_1010] : memref<4096x104xi32, #tpu.memory_space<hbm>> -> memref<4x104xi32, #tpu.memory_space<hbm>>
          tpu.enqueue_dma source(%dma_start3A_1011 : memref<4x104xi32, #tpu.memory_space<hbm>>) target(%dma_start3A_1009 : memref<4x104xi32, #tpu.memory_space<vmem>>) target_semaphore(%run_scoped3A_999 : memref<!tpu.dma_semaphore, #tpu.memory_space<semaphore_mem>>)
          %dma_wait3A_1012 = arith.constant 0 : i32
          %dma_wait3A_1013 = arith.constant 0 : i32
          %dma_wait3A_1014 = tpu.memref_slice %arg9[%run_scoped3A_846, %dma_wait3A_1012, %dma_wait3A_1013] : memref<2x4x104xi32, #tpu.memory_space<vmem>> -> memref<1x4x104xi32, #tpu.memory_space<vmem>>
          %dma_wait3A_1015 = tpu.memref_squeeze %dma_wait3A_1014 : memref<1x4x104xi32, #tpu.memory_space<vmem>> -> memref<4x104xi32, #tpu.memory_space<vmem>>
          %dma_wait3A_1016 = arith.constant 0 : i32
          %dma_wait3A_1017 = tpu.memref_slice %arg3[%add3A_845, %dma_wait3A_1016] : memref<4096x104xi32, #tpu.memory_space<hbm>> -> memref<4x104xi32, #tpu.memory_space<hbm>>
          %dma_wait3A_1018 = arith.constant 0 : i32
          %dma_wait3A_1019 = arith.constant 0 : i32
          %dma_wait3A_1020 = tpu.memref_slice %arg9[%run_scoped3A_846, %dma_wait3A_1018, %dma_wait3A_1019] : memref<2x4x104xi32, #tpu.memory_space<vmem>> -> memref<1x4x104xi32, #tpu.memory_space<vmem>>
          %dma_wait3A_1021 = tpu.memref_squeeze %dma_wait3A_1020 : memref<1x4x104xi32, #tpu.memory_space<vmem>> -> memref<4x104xi32, #tpu.memory_space<vmem>>
          %dma_wait3A_1022 = arith.constant 0 : i32
          %dma_wait3A_1023 = tpu.memref_slice %arg3[%add3A_845, %dma_wait3A_1022] : memref<4096x104xi32, #tpu.memory_space<hbm>> -> memref<4x104xi32, #tpu.memory_space<hbm>>
          tpu.wait_dma2 semaphore(%run_scoped3A_999 : memref<!tpu.dma_semaphore, #tpu.memory_space<semaphore_mem>>) src(%dma_wait3A_1023 : memref<4x104xi32, #tpu.memory_space<hbm>>) dst(%dma_wait3A_1021 : memref<4x104xi32, #tpu.memory_space<vmem>>)
          tpu.yield
        }) : () -> ()
        %mul3A_847 = arith.constant 4 : i32
        %mul3A_848 = arith.muli %add3A_840, %mul3A_847 : i32
        %add3A_849 = arith.constant 0 : i32
        %add3A_850 = arith.addi %mul3A_848, %add3A_849 : i32
        %dma_start3A_851 = arith.constant 0 : i32
        %dma_start3A_852 = arith.constant 0 : i32
        %dma_start3A_853 = arith.constant 0 : i32
        %dma_start3A_854 = tpu.memref_slice %arg10[%dma_start3A_851, %dma_start3A_852, %dma_start3A_853] : memref<2x416x128xf32, #tpu.memory_space<vmem>> -> memref<1x416x128xf32, #tpu.memory_space<vmem>>
        %dma_start3A_855 = tpu.memref_squeeze %dma_start3A_854 : memref<1x416x128xf32, #tpu.memory_space<vmem>> -> memref<416x128xf32, #tpu.memory_space<vmem>>
        %dma_start3A_856 = arith.constant 0 : i32
        %dma_start3A_857 = arith.constant 0 : i32
        %dma_start3A_858 = tpu.memref_slice %dma_start3A_855[%dma_start3A_856, %dma_start3A_857] : memref<416x128xf32, #tpu.memory_space<vmem>> -> memref<104x128xf32, #tpu.memory_space<vmem>>
        %dma_start3A_859 = arith.constant 0 : i32
        %dma_start3A_860 = tpu.memref_slice %arg8[%add3A_850, %dma_start3A_859] : memref<128x104xi32, #tpu.memory_space<vmem>> -> memref<1x104xi32, #tpu.memory_space<vmem>>
        %dma_start3A_861 = tpu.memref_squeeze %dma_start3A_860 : memref<1x104xi32, #tpu.memory_space<vmem>> -> memref<104xi32, #tpu.memory_space<vmem>>
        %dma_start3A_862 = arith.constant 0 : i32
        %dma_start3A_863 = arith.constant 0 : i32
        %dma_start3A_864 = tpu.memref_slice %arg4[%dma_start3A_862, %dma_start3A_863] : memref<650000x128xf32, #tpu.memory_space<hbm>> -> memref<650000x128xf32, #tpu.memory_space<hbm>>
        tpu.enqueue_indirect_dma source(%dma_start3A_864 : memref<650000x128xf32, #tpu.memory_space<hbm>>) target(%dma_start3A_858 : memref<104x128xf32, #tpu.memory_space<vmem>>) offsets(%dma_start3A_861 : memref<104xi32, #tpu.memory_space<vmem>>) semaphore(%arg14 : memref<!tpu.dma_semaphore, #tpu.memory_space<semaphore_mem>>)
        %dma_start3A_865 = arith.constant 0 : i32
        %dma_start3A_866 = arith.constant 0 : i32
        %dma_start3A_867 = arith.constant 0 : i32
        %dma_start3A_868 = arith.constant 0 : i32
        %dma_start3A_869 = arith.constant 0 : i32
        %dma_start3A_870 = arith.constant 0 : i32
        %dma_start3A_871 = tpu.memref_slice %arg11[%dma_start3A_867, %dma_start3A_869, %dma_start3A_870] : memref<2x4x104xf32, #tpu.memory_space<vmem>> -> memref<1x4x104xf32, #tpu.memory_space<vmem>>
        %dma_start3A_872 = tpu.memref_squeeze %dma_start3A_871 : memref<1x4x104xf32, #tpu.memory_space<vmem>> -> memref<4x104xf32, #tpu.memory_space<vmem>>
        %dma_start3A_873 = arith.constant 0 : i32
        %dma_start3A_874 = tpu.memref_slice %dma_start3A_872[%dma_start3A_868, %dma_start3A_873] : memref<4x104xf32, #tpu.memory_space<vmem>> -> memref<1x104xf32, #tpu.memory_space<vmem>>
        %dma_start3A_875 = tpu.memref_squeeze %dma_start3A_874 : memref<1x104xf32, #tpu.memory_space<vmem>> -> memref<104xf32, #tpu.memory_space<vmem>>
        %dma_start3A_876 = arith.constant 0 : i32
        %dma_start3A_877 = arith.constant 0 : i32
        %dma_start3A_878 = tpu.memref_slice %arg9[%dma_start3A_865, %dma_start3A_876, %dma_start3A_877] : memref<2x4x104xi32, #tpu.memory_space<vmem>> -> memref<1x4x104xi32, #tpu.memory_space<vmem>>
        %dma_start3A_879 = tpu.memref_squeeze %dma_start3A_878 : memref<1x4x104xi32, #tpu.memory_space<vmem>> -> memref<4x104xi32, #tpu.memory_space<vmem>>
        %dma_start3A_880 = arith.constant 0 : i32
        %dma_start3A_881 = tpu.memref_slice %dma_start3A_879[%dma_start3A_866, %dma_start3A_880] : memref<4x104xi32, #tpu.memory_space<vmem>> -> memref<1x104xi32, #tpu.memory_space<vmem>>
        %dma_start3A_882 = tpu.memref_squeeze %dma_start3A_881 : memref<1x104xi32, #tpu.memory_space<vmem>> -> memref<104xi32, #tpu.memory_space<vmem>>
        %dma_start3A_883 = arith.constant 0 : i32
        %dma_start3A_884 = tpu.memref_slice %arg5[%dma_start3A_883] : memref<2600000xf32, #tpu.memory_space<hbm>> -> memref<2600000xf32, #tpu.memory_space<hbm>>
        tpu.enqueue_indirect_dma source(%dma_start3A_884 : memref<2600000xf32, #tpu.memory_space<hbm>>) target(%dma_start3A_875 : memref<104xf32, #tpu.memory_space<vmem>>) offsets(%dma_start3A_882 : memref<104xi32, #tpu.memory_space<vmem>>) semaphore(%arg16 : memref<!tpu.dma_semaphore, #tpu.memory_space<semaphore_mem>>)
        %mul3A_885 = arith.constant 4 : i32
        %mul3A_886 = arith.muli %add3A_840, %mul3A_885 : i32
        %add3A_887 = arith.constant 1 : i32
        %add3A_888 = arith.addi %mul3A_886, %add3A_887 : i32
        %dma_start3A_889 = arith.constant 0 : i32
        %dma_start3A_890 = arith.constant 0 : i32
        %dma_start3A_891 = arith.constant 0 : i32
        %dma_start3A_892 = tpu.memref_slice %arg10[%dma_start3A_889, %dma_start3A_890, %dma_start3A_891] : memref<2x416x128xf32, #tpu.memory_space<vmem>> -> memref<1x416x128xf32, #tpu.memory_space<vmem>>
        %dma_start3A_893 = tpu.memref_squeeze %dma_start3A_892 : memref<1x416x128xf32, #tpu.memory_space<vmem>> -> memref<416x128xf32, #tpu.memory_space<vmem>>
        %dma_start3A_894 = arith.constant 104 : i32
        %dma_start3A_895 = arith.constant 0 : i32
        %dma_start3A_896 = tpu.memref_slice %dma_start3A_893[%dma_start3A_894, %dma_start3A_895] : memref<416x128xf32, #tpu.memory_space<vmem>> -> memref<104x128xf32, #tpu.memory_space<vmem>>
        %dma_start3A_897 = arith.constant 0 : i32
        %dma_start3A_898 = tpu.memref_slice %arg8[%add3A_888, %dma_start3A_897] : memref<128x104xi32, #tpu.memory_space<vmem>> -> memref<1x104xi32, #tpu.memory_space<vmem>>
        %dma_start3A_899 = tpu.memref_squeeze %dma_start3A_898 : memref<1x104xi32, #tpu.memory_space<vmem>> -> memref<104xi32, #tpu.memory_space<vmem>>
        %dma_start3A_900 = arith.constant 0 : i32
        %dma_start3A_901 = arith.constant 0 : i32
        %dma_start3A_902 = tpu.memref_slice %arg4[%dma_start3A_900, %dma_start3A_901] : memref<650000x128xf32, #tpu.memory_space<hbm>> -> memref<650000x128xf32, #tpu.memory_space<hbm>>
        tpu.enqueue_indirect_dma source(%dma_start3A_902 : memref<650000x128xf32, #tpu.memory_space<hbm>>) target(%dma_start3A_896 : memref<104x128xf32, #tpu.memory_space<vmem>>) offsets(%dma_start3A_899 : memref<104xi32, #tpu.memory_space<vmem>>) semaphore(%arg14 : memref<!tpu.dma_semaphore, #tpu.memory_space<semaphore_mem>>)
        %dma_start3A_903 = arith.constant 0 : i32
        %dma_start3A_904 = arith.constant 1 : i32
        %dma_start3A_905 = arith.constant 0 : i32
        %dma_start3A_906 = arith.constant 1 : i32
        %dma_start3A_907 = arith.constant 0 : i32
        %dma_start3A_908 = arith.constant 0 : i32
        %dma_start3A_909 = tpu.memref_slice %arg11[%dma_start3A_905, %dma_start3A_907, %dma_start3A_908] : memref<2x4x104xf32, #tpu.memory_space<vmem>> -> memref<1x4x104xf32, #tpu.memory_space<vmem>>
        %dma_start3A_910 = tpu.memref_squeeze %dma_start3A_909 : memref<1x4x104xf32, #tpu.memory_space<vmem>> -> memref<4x104xf32, #tpu.memory_space<vmem>>
        %dma_start3A_911 = arith.constant 0 : i32
        %dma_start3A_912 = tpu.memref_slice %dma_start3A_910[%dma_start3A_906, %dma_start3A_911] : memref<4x104xf32, #tpu.memory_space<vmem>> -> memref<1x104xf32, #tpu.memory_space<vmem>>
        %dma_start3A_913 = tpu.memref_squeeze %dma_start3A_912 : memref<1x104xf32, #tpu.memory_space<vmem>> -> memref<104xf32, #tpu.memory_space<vmem>>
        %dma_start3A_914 = arith.constant 0 : i32
        %dma_start3A_915 = arith.constant 0 : i32
        %dma_start3A_916 = tpu.memref_slice %arg9[%dma_start3A_903, %dma_start3A_914, %dma_start3A_915] : memref<2x4x104xi32, #tpu.memory_space<vmem>> -> memref<1x4x104xi32, #tpu.memory_space<vmem>>
        %dma_start3A_917 = tpu.memref_squeeze %dma_start3A_916 : memref<1x4x104xi32, #tpu.memory_space<vmem>> -> memref<4x104xi32, #tpu.memory_space<vmem>>
        %dma_start3A_918 = arith.constant 0 : i32
        %dma_start3A_919 = tpu.memref_slice %dma_start3A_917[%dma_start3A_904, %dma_start3A_918] : memref<4x104xi32, #tpu.memory_space<vmem>> -> memref<1x104xi32, #tpu.memory_space<vmem>>
        %dma_start3A_920 = tpu.memref_squeeze %dma_start3A_919 : memref<1x104xi32, #tpu.memory_space<vmem>> -> memref<104xi32, #tpu.memory_space<vmem>>
        %dma_start3A_921 = arith.constant 0 : i32
        %dma_start3A_922 = tpu.memref_slice %arg5[%dma_start3A_921] : memref<2600000xf32, #tpu.memory_space<hbm>> -> memref<2600000xf32, #tpu.memory_space<hbm>>
        tpu.enqueue_indirect_dma source(%dma_start3A_922 : memref<2600000xf32, #tpu.memory_space<hbm>>) target(%dma_start3A_913 : memref<104xf32, #tpu.memory_space<vmem>>) offsets(%dma_start3A_920 : memref<104xi32, #tpu.memory_space<vmem>>) semaphore(%arg16 : memref<!tpu.dma_semaphore, #tpu.memory_space<semaphore_mem>>)
        %mul3A_923 = arith.constant 4 : i32
        %mul3A_924 = arith.muli %add3A_840, %mul3A_923 : i32
        %add3A_925 = arith.constant 2 : i32
        %add3A_926 = arith.addi %mul3A_924, %add3A_925 : i32
        %dma_start3A_927 = arith.constant 0 : i32
        %dma_start3A_928 = arith.constant 0 : i32
        %dma_start3A_929 = arith.constant 0 : i32
        %dma_start3A_930 = tpu.memref_slice %arg10[%dma_start3A_927, %dma_start3A_928, %dma_start3A_929] : memref<2x416x128xf32, #tpu.memory_space<vmem>> -> memref<1x416x128xf32, #tpu.memory_space<vmem>>
        %dma_start3A_931 = tpu.memref_squeeze %dma_start3A_930 : memref<1x416x128xf32, #tpu.memory_space<vmem>> -> memref<416x128xf32, #tpu.memory_space<vmem>>
        %dma_start3A_932 = arith.constant 208 : i32
        %dma_start3A_933 = arith.constant 0 : i32
        %dma_start3A_934 = tpu.memref_slice %dma_start3A_931[%dma_start3A_932, %dma_start3A_933] : memref<416x128xf32, #tpu.memory_space<vmem>> -> memref<104x128xf32, #tpu.memory_space<vmem>>
        %dma_start3A_935 = arith.constant 0 : i32
        %dma_start3A_936 = tpu.memref_slice %arg8[%add3A_926, %dma_start3A_935] : memref<128x104xi32, #tpu.memory_space<vmem>> -> memref<1x104xi32, #tpu.memory_space<vmem>>
        %dma_start3A_937 = tpu.memref_squeeze %dma_start3A_936 : memref<1x104xi32, #tpu.memory_space<vmem>> -> memref<104xi32, #tpu.memory_space<vmem>>
        %dma_start3A_938 = arith.constant 0 : i32
        %dma_start3A_939 = arith.constant 0 : i32
        %dma_start3A_940 = tpu.memref_slice %arg4[%dma_start3A_938, %dma_start3A_939] : memref<650000x128xf32, #tpu.memory_space<hbm>> -> memref<650000x128xf32, #tpu.memory_space<hbm>>
        tpu.enqueue_indirect_dma source(%dma_start3A_940 : memref<650000x128xf32, #tpu.memory_space<hbm>>) target(%dma_start3A_934 : memref<104x128xf32, #tpu.memory_space<vmem>>) offsets(%dma_start3A_937 : memref<104xi32, #tpu.memory_space<vmem>>) semaphore(%arg14 : memref<!tpu.dma_semaphore, #tpu.memory_space<semaphore_mem>>)
        %dma_start3A_941 = arith.constant 0 : i32
        %dma_start3A_942 = arith.constant 2 : i32
        %dma_start3A_943 = arith.constant 0 : i32
        %dma_start3A_944 = arith.constant 2 : i32
        %dma_start3A_945 = arith.constant 0 : i32
        %dma_start3A_946 = arith.constant 0 : i32
        %dma_start3A_947 = tpu.memref_slice %arg11[%dma_start3A_943, %dma_start3A_945, %dma_start3A_946] : memref<2x4x104xf32, #tpu.memory_space<vmem>> -> memref<1x4x104xf32, #tpu.memory_space<vmem>>
        %dma_start3A_948 = tpu.memref_squeeze %dma_start3A_947 : memref<1x4x104xf32, #tpu.memory_space<vmem>> -> memref<4x104xf32, #tpu.memory_space<vmem>>
        %dma_start3A_949 = arith.constant 0 : i32
        %dma_start3A_950 = tpu.memref_slice %dma_start3A_948[%dma_start3A_944, %dma_start3A_949] : memref<4x104xf32, #tpu.memory_space<vmem>> -> memref<1x104xf32, #tpu.memory_space<vmem>>
        %dma_start3A_951 = tpu.memref_squeeze %dma_start3A_950 : memref<1x104xf32, #tpu.memory_space<vmem>> -> memref<104xf32, #tpu.memory_space<vmem>>
        %dma_start3A_952 = arith.constant 0 : i32
        %dma_start3A_953 = arith.constant 0 : i32
        %dma_start3A_954 = tpu.memref_slice %arg9[%dma_start3A_941, %dma_start3A_952, %dma_start3A_953] : memref<2x4x104xi32, #tpu.memory_space<vmem>> -> memref<1x4x104xi32, #tpu.memory_space<vmem>>
        %dma_start3A_955 = tpu.memref_squeeze %dma_start3A_954 : memref<1x4x104xi32, #tpu.memory_space<vmem>> -> memref<4x104xi32, #tpu.memory_space<vmem>>
        %dma_start3A_956 = arith.constant 0 : i32
        %dma_start3A_957 = tpu.memref_slice %dma_start3A_955[%dma_start3A_942, %dma_start3A_956] : memref<4x104xi32, #tpu.memory_space<vmem>> -> memref<1x104xi32, #tpu.memory_space<vmem>>
        %dma_start3A_958 = tpu.memref_squeeze %dma_start3A_957 : memref<1x104xi32, #tpu.memory_space<vmem>> -> memref<104xi32, #tpu.memory_space<vmem>>
        %dma_start3A_959 = arith.constant 0 : i32
        %dma_start3A_960 = tpu.memref_slice %arg5[%dma_start3A_959] : memref<2600000xf32, #tpu.memory_space<hbm>> -> memref<2600000xf32, #tpu.memory_space<hbm>>
        tpu.enqueue_indirect_dma source(%dma_start3A_960 : memref<2600000xf32, #tpu.memory_space<hbm>>) target(%dma_start3A_951 : memref<104xf32, #tpu.memory_space<vmem>>) offsets(%dma_start3A_958 : memref<104xi32, #tpu.memory_space<vmem>>) semaphore(%arg16 : memref<!tpu.dma_semaphore, #tpu.memory_space<semaphore_mem>>)
        %mul3A_961 = arith.constant 4 : i32
        %mul3A_962 = arith.muli %add3A_840, %mul3A_961 : i32
        %add3A_963 = arith.constant 3 : i32
        %add3A_964 = arith.addi %mul3A_962, %add3A_963 : i32
        %dma_start3A_965 = arith.constant 0 : i32
        %dma_start3A_966 = arith.constant 0 : i32
        %dma_start3A_967 = arith.constant 0 : i32
        %dma_start3A_968 = tpu.memref_slice %arg10[%dma_start3A_965, %dma_start3A_966, %dma_start3A_967] : memref<2x416x128xf32, #tpu.memory_space<vmem>> -> memref<1x416x128xf32, #tpu.memory_space<vmem>>
        %dma_start3A_969 = tpu.memref_squeeze %dma_start3A_968 : memref<1x416x128xf32, #tpu.memory_space<vmem>> -> memref<416x128xf32, #tpu.memory_space<vmem>>
        %dma_start3A_970 = arith.constant 312 : i32
        %dma_start3A_971 = arith.constant 0 : i32
        %dma_start3A_972 = tpu.memref_slice %dma_start3A_969[%dma_start3A_970, %dma_start3A_971] : memref<416x128xf32, #tpu.memory_space<vmem>> -> memref<104x128xf32, #tpu.memory_space<vmem>>
        %dma_start3A_973 = arith.constant 0 : i32
        %dma_start3A_974 = tpu.memref_slice %arg8[%add3A_964, %dma_start3A_973] : memref<128x104xi32, #tpu.memory_space<vmem>> -> memref<1x104xi32, #tpu.memory_space<vmem>>
        %dma_start3A_975 = tpu.memref_squeeze %dma_start3A_974 : memref<1x104xi32, #tpu.memory_space<vmem>> -> memref<104xi32, #tpu.memory_space<vmem>>
        %dma_start3A_976 = arith.constant 0 : i32
        %dma_start3A_977 = arith.constant 0 : i32
        %dma_start3A_978 = tpu.memref_slice %arg4[%dma_start3A_976, %dma_start3A_977] : memref<650000x128xf32, #tpu.memory_space<hbm>> -> memref<650000x128xf32, #tpu.memory_space<hbm>>
        tpu.enqueue_indirect_dma source(%dma_start3A_978 : memref<650000x128xf32, #tpu.memory_space<hbm>>) target(%dma_start3A_972 : memref<104x128xf32, #tpu.memory_space<vmem>>) offsets(%dma_start3A_975 : memref<104xi32, #tpu.memory_space<vmem>>) semaphore(%arg14 : memref<!tpu.dma_semaphore, #tpu.memory_space<semaphore_mem>>)
        %dma_start3A_979 = arith.constant 0 : i32
        %dma_start3A_980 = arith.constant 3 : i32
        %dma_start3A_981 = arith.constant 0 : i32
        %dma_start3A_982 = arith.constant 3 : i32
        %dma_start3A_983 = arith.constant 0 : i32
        %dma_start3A_984 = arith.constant 0 : i32
        %dma_start3A_985 = tpu.memref_slice %arg11[%dma_start3A_981, %dma_start3A_983, %dma_start3A_984] : memref<2x4x104xf32, #tpu.memory_space<vmem>> -> memref<1x4x104xf32, #tpu.memory_space<vmem>>
        %dma_start3A_986 = tpu.memref_squeeze %dma_start3A_985 : memref<1x4x104xf32, #tpu.memory_space<vmem>> -> memref<4x104xf32, #tpu.memory_space<vmem>>
        %dma_start3A_987 = arith.constant 0 : i32
        %dma_start3A_988 = tpu.memref_slice %dma_start3A_986[%dma_start3A_982, %dma_start3A_987] : memref<4x104xf32, #tpu.memory_space<vmem>> -> memref<1x104xf32, #tpu.memory_space<vmem>>
        %dma_start3A_989 = tpu.memref_squeeze %dma_start3A_988 : memref<1x104xf32, #tpu.memory_space<vmem>> -> memref<104xf32, #tpu.memory_space<vmem>>
        %dma_start3A_990 = arith.constant 0 : i32
        %dma_start3A_991 = arith.constant 0 : i32
        %dma_start3A_992 = tpu.memref_slice %arg9[%dma_start3A_979, %dma_start3A_990, %dma_start3A_991] : memref<2x4x104xi32, #tpu.memory_space<vmem>> -> memref<1x4x104xi32, #tpu.memory_space<vmem>>
        %dma_start3A_993 = tpu.memref_squeeze %dma_start3A_992 : memref<1x4x104xi32, #tpu.memory_space<vmem>> -> memref<4x104xi32, #tpu.memory_space<vmem>>
        %dma_start3A_994 = arith.constant 0 : i32
        %dma_start3A_995 = tpu.memref_slice %dma_start3A_993[%dma_start3A_980, %dma_start3A_994] : memref<4x104xi32, #tpu.memory_space<vmem>> -> memref<1x104xi32, #tpu.memory_space<vmem>>
        %dma_start3A_996 = tpu.memref_squeeze %dma_start3A_995 : memref<1x104xi32, #tpu.memory_space<vmem>> -> memref<104xi32, #tpu.memory_space<vmem>>
        %dma_start3A_997 = arith.constant 0 : i32
        %dma_start3A_998 = tpu.memref_slice %arg5[%dma_start3A_997] : memref<2600000xf32, #tpu.memory_space<hbm>> -> memref<2600000xf32, #tpu.memory_space<hbm>>
        tpu.enqueue_indirect_dma source(%dma_start3A_998 : memref<2600000xf32, #tpu.memory_space<hbm>>) target(%dma_start3A_989 : memref<104xf32, #tpu.memory_space<vmem>>) offsets(%dma_start3A_996 : memref<104xi32, #tpu.memory_space<vmem>>) semaphore(%arg16 : memref<!tpu.dma_semaphore, #tpu.memory_space<semaphore_mem>>)
      } else {
      }
      %dma_wait3A_575 = arith.constant 1 : i32
      %dma_wait3A_576 = arith.constant 0 : i32
      %dma_wait3A_577 = arith.constant 0 : i32
      %dma_wait3A_578 = tpu.memref_slice %arg10[%dma_wait3A_575, %dma_wait3A_576, %dma_wait3A_577] : memref<2x416x128xf32, #tpu.memory_space<vmem>> -> memref<1x416x128xf32, #tpu.memory_space<vmem>>
      %dma_wait3A_579 = tpu.memref_squeeze %dma_wait3A_578 : memref<1x416x128xf32, #tpu.memory_space<vmem>> -> memref<416x128xf32, #tpu.memory_space<vmem>>
      %dma_wait3A_580 = arith.constant 0 : i32
      %dma_wait3A_581 = arith.constant 0 : i32
      %dma_wait3A_582 = tpu.memref_slice %dma_wait3A_579[%dma_wait3A_580, %dma_wait3A_581] : memref<416x128xf32, #tpu.memory_space<vmem>> -> memref<104x128xf32, #tpu.memory_space<vmem>>
      %dma_wait3A_583 = arith.constant 0 : i32
      %dma_wait3A_584 = arith.constant 0 : i32
      %dma_wait3A_585 = tpu.memref_slice %arg4[%dma_wait3A_583, %dma_wait3A_584] : memref<650000x128xf32, #tpu.memory_space<hbm>> -> memref<104x128xf32, #tpu.memory_space<hbm>>
      %dma_wait3A_586 = arith.constant 0 : i32
      %dma_wait3A_587 = arith.constant 0 : i32
      %dma_wait3A_588 = tpu.memref_slice %arg10[%dma_wait3A_575, %dma_wait3A_586, %dma_wait3A_587] : memref<2x416x128xf32, #tpu.memory_space<vmem>> -> memref<1x416x128xf32, #tpu.memory_space<vmem>>
      %dma_wait3A_589 = tpu.memref_squeeze %dma_wait3A_588 : memref<1x416x128xf32, #tpu.memory_space<vmem>> -> memref<416x128xf32, #tpu.memory_space<vmem>>
      %dma_wait3A_590 = arith.constant 0 : i32
      %dma_wait3A_591 = arith.constant 0 : i32
      %dma_wait3A_592 = tpu.memref_slice %dma_wait3A_589[%dma_wait3A_590, %dma_wait3A_591] : memref<416x128xf32, #tpu.memory_space<vmem>> -> memref<104x128xf32, #tpu.memory_space<vmem>>
      %dma_wait3A_593 = arith.constant 0 : i32
      %dma_wait3A_594 = arith.constant 0 : i32
      %dma_wait3A_595 = tpu.memref_slice %arg4[%dma_wait3A_593, %dma_wait3A_594] : memref<650000x128xf32, #tpu.memory_space<hbm>> -> memref<104x128xf32, #tpu.memory_space<hbm>>
      tpu.wait_dma2 semaphore(%arg15 : memref<!tpu.dma_semaphore, #tpu.memory_space<semaphore_mem>>) src(%dma_wait3A_595 : memref<104x128xf32, #tpu.memory_space<hbm>>) dst(%dma_wait3A_592 : memref<104x128xf32, #tpu.memory_space<vmem>>)
      %dma_wait3A_596 = arith.constant 1 : i32
      %dma_wait3A_597 = arith.constant 0 : i32
      %dma_wait3A_598 = arith.constant 0 : i32
      %dma_wait3A_599 = arith.constant 0 : i32
      %dma_wait3A_600 = tpu.memref_slice %arg11[%dma_wait3A_596, %dma_wait3A_598, %dma_wait3A_599] : memref<2x4x104xf32, #tpu.memory_space<vmem>> -> memref<1x4x104xf32, #tpu.memory_space<vmem>>
      %dma_wait3A_601 = tpu.memref_squeeze %dma_wait3A_600 : memref<1x4x104xf32, #tpu.memory_space<vmem>> -> memref<4x104xf32, #tpu.memory_space<vmem>>
      %dma_wait3A_602 = arith.constant 0 : i32
      %dma_wait3A_603 = tpu.memref_slice %dma_wait3A_601[%dma_wait3A_597, %dma_wait3A_602] : memref<4x104xf32, #tpu.memory_space<vmem>> -> memref<1x104xf32, #tpu.memory_space<vmem>>
      %dma_wait3A_604 = tpu.memref_squeeze %dma_wait3A_603 : memref<1x104xf32, #tpu.memory_space<vmem>> -> memref<104xf32, #tpu.memory_space<vmem>>
      %dma_wait3A_605 = arith.constant 0 : i32
      %dma_wait3A_606 = tpu.memref_slice %arg5[%dma_wait3A_605] : memref<2600000xf32, #tpu.memory_space<hbm>> -> memref<104xf32, #tpu.memory_space<hbm>>
      %dma_wait3A_607 = arith.constant 0 : i32
      %dma_wait3A_608 = arith.constant 0 : i32
      %dma_wait3A_609 = tpu.memref_slice %arg11[%dma_wait3A_596, %dma_wait3A_607, %dma_wait3A_608] : memref<2x4x104xf32, #tpu.memory_space<vmem>> -> memref<1x4x104xf32, #tpu.memory_space<vmem>>
      %dma_wait3A_610 = tpu.memref_squeeze %dma_wait3A_609 : memref<1x4x104xf32, #tpu.memory_space<vmem>> -> memref<4x104xf32, #tpu.memory_space<vmem>>
      %dma_wait3A_611 = arith.constant 0 : i32
      %dma_wait3A_612 = tpu.memref_slice %dma_wait3A_610[%dma_wait3A_597, %dma_wait3A_611] : memref<4x104xf32, #tpu.memory_space<vmem>> -> memref<1x104xf32, #tpu.memory_space<vmem>>
      %dma_wait3A_613 = tpu.memref_squeeze %dma_wait3A_612 : memref<1x104xf32, #tpu.memory_space<vmem>> -> memref<104xf32, #tpu.memory_space<vmem>>
      %dma_wait3A_614 = arith.constant 0 : i32
      %dma_wait3A_615 = tpu.memref_slice %arg5[%dma_wait3A_614] : memref<2600000xf32, #tpu.memory_space<hbm>> -> memref<104xf32, #tpu.memory_space<hbm>>
      tpu.wait_dma2 semaphore(%arg17 : memref<!tpu.dma_semaphore, #tpu.memory_space<semaphore_mem>>) src(%dma_wait3A_615 : memref<104xf32, #tpu.memory_space<hbm>>) dst(%dma_wait3A_613 : memref<104xf32, #tpu.memory_space<vmem>>)
      %dma_wait3A_616 = arith.constant 1 : i32
      %dma_wait3A_617 = arith.constant 0 : i32
      %dma_wait3A_618 = arith.constant 0 : i32
      %dma_wait3A_619 = tpu.memref_slice %arg10[%dma_wait3A_616, %dma_wait3A_617, %dma_wait3A_618] : memref<2x416x128xf32, #tpu.memory_space<vmem>> -> memref<1x416x128xf32, #tpu.memory_space<vmem>>
      %dma_wait3A_620 = tpu.memref_squeeze %dma_wait3A_619 : memref<1x416x128xf32, #tpu.memory_space<vmem>> -> memref<416x128xf32, #tpu.memory_space<vmem>>
      %dma_wait3A_621 = arith.constant 104 : i32
      %dma_wait3A_622 = arith.constant 0 : i32
      %dma_wait3A_623 = tpu.memref_slice %dma_wait3A_620[%dma_wait3A_621, %dma_wait3A_622] : memref<416x128xf32, #tpu.memory_space<vmem>> -> memref<104x128xf32, #tpu.memory_space<vmem>>
      %dma_wait3A_624 = arith.constant 0 : i32
      %dma_wait3A_625 = arith.constant 0 : i32
      %dma_wait3A_626 = tpu.memref_slice %arg4[%dma_wait3A_624, %dma_wait3A_625] : memref<650000x128xf32, #tpu.memory_space<hbm>> -> memref<104x128xf32, #tpu.memory_space<hbm>>
      %dma_wait3A_627 = arith.constant 0 : i32
      %dma_wait3A_628 = arith.constant 0 : i32
      %dma_wait3A_629 = tpu.memref_slice %arg10[%dma_wait3A_616, %dma_wait3A_627, %dma_wait3A_628] : memref<2x416x128xf32, #tpu.memory_space<vmem>> -> memref<1x416x128xf32, #tpu.memory_space<vmem>>
      %dma_wait3A_630 = tpu.memref_squeeze %dma_wait3A_629 : memref<1x416x128xf32, #tpu.memory_space<vmem>> -> memref<416x128xf32, #tpu.memory_space<vmem>>
      %dma_wait3A_631 = arith.constant 104 : i32
      %dma_wait3A_632 = arith.constant 0 : i32
      %dma_wait3A_633 = tpu.memref_slice %dma_wait3A_630[%dma_wait3A_631, %dma_wait3A_632] : memref<416x128xf32, #tpu.memory_space<vmem>> -> memref<104x128xf32, #tpu.memory_space<vmem>>
      %dma_wait3A_634 = arith.constant 0 : i32
      %dma_wait3A_635 = arith.constant 0 : i32
      %dma_wait3A_636 = tpu.memref_slice %arg4[%dma_wait3A_634, %dma_wait3A_635] : memref<650000x128xf32, #tpu.memory_space<hbm>> -> memref<104x128xf32, #tpu.memory_space<hbm>>
      tpu.wait_dma2 semaphore(%arg15 : memref<!tpu.dma_semaphore, #tpu.memory_space<semaphore_mem>>) src(%dma_wait3A_636 : memref<104x128xf32, #tpu.memory_space<hbm>>) dst(%dma_wait3A_633 : memref<104x128xf32, #tpu.memory_space<vmem>>)
      %dma_wait3A_637 = arith.constant 1 : i32
      %dma_wait3A_638 = arith.constant 1 : i32
      %dma_wait3A_639 = arith.constant 0 : i32
      %dma_wait3A_640 = arith.constant 0 : i32
      %dma_wait3A_641 = tpu.memref_slice %arg11[%dma_wait3A_637, %dma_wait3A_639, %dma_wait3A_640] : memref<2x4x104xf32, #tpu.memory_space<vmem>> -> memref<1x4x104xf32, #tpu.memory_space<vmem>>
      %dma_wait3A_642 = tpu.memref_squeeze %dma_wait3A_641 : memref<1x4x104xf32, #tpu.memory_space<vmem>> -> memref<4x104xf32, #tpu.memory_space<vmem>>
      %dma_wait3A_643 = arith.constant 0 : i32
      %dma_wait3A_644 = tpu.memref_slice %dma_wait3A_642[%dma_wait3A_638, %dma_wait3A_643] : memref<4x104xf32, #tpu.memory_space<vmem>> -> memref<1x104xf32, #tpu.memory_space<vmem>>
      %dma_wait3A_645 = tpu.memref_squeeze %dma_wait3A_644 : memref<1x104xf32, #tpu.memory_space<vmem>> -> memref<104xf32, #tpu.memory_space<vmem>>
      %dma_wait3A_646 = arith.constant 0 : i32
      %dma_wait3A_647 = tpu.memref_slice %arg5[%dma_wait3A_646] : memref<2600000xf32, #tpu.memory_space<hbm>> -> memref<104xf32, #tpu.memory_space<hbm>>
      %dma_wait3A_648 = arith.constant 0 : i32
      %dma_wait3A_649 = arith.constant 0 : i32
      %dma_wait3A_650 = tpu.memref_slice %arg11[%dma_wait3A_637, %dma_wait3A_648, %dma_wait3A_649] : memref<2x4x104xf32, #tpu.memory_space<vmem>> -> memref<1x4x104xf32, #tpu.memory_space<vmem>>
      %dma_wait3A_651 = tpu.memref_squeeze %dma_wait3A_650 : memref<1x4x104xf32, #tpu.memory_space<vmem>> -> memref<4x104xf32, #tpu.memory_space<vmem>>
      %dma_wait3A_652 = arith.constant 0 : i32
      %dma_wait3A_653 = tpu.memref_slice %dma_wait3A_651[%dma_wait3A_638, %dma_wait3A_652] : memref<4x104xf32, #tpu.memory_space<vmem>> -> memref<1x104xf32, #tpu.memory_space<vmem>>
      %dma_wait3A_654 = tpu.memref_squeeze %dma_wait3A_653 : memref<1x104xf32, #tpu.memory_space<vmem>> -> memref<104xf32, #tpu.memory_space<vmem>>
      %dma_wait3A_655 = arith.constant 0 : i32
      %dma_wait3A_656 = tpu.memref_slice %arg5[%dma_wait3A_655] : memref<2600000xf32, #tpu.memory_space<hbm>> -> memref<104xf32, #tpu.memory_space<hbm>>
      tpu.wait_dma2 semaphore(%arg17 : memref<!tpu.dma_semaphore, #tpu.memory_space<semaphore_mem>>) src(%dma_wait3A_656 : memref<104xf32, #tpu.memory_space<hbm>>) dst(%dma_wait3A_654 : memref<104xf32, #tpu.memory_space<vmem>>)
      %dma_wait3A_657 = arith.constant 1 : i32
      %dma_wait3A_658 = arith.constant 0 : i32
      %dma_wait3A_659 = arith.constant 0 : i32
      %dma_wait3A_660 = tpu.memref_slice %arg10[%dma_wait3A_657, %dma_wait3A_658, %dma_wait3A_659] : memref<2x416x128xf32, #tpu.memory_space<vmem>> -> memref<1x416x128xf32, #tpu.memory_space<vmem>>
      %dma_wait3A_661 = tpu.memref_squeeze %dma_wait3A_660 : memref<1x416x128xf32, #tpu.memory_space<vmem>> -> memref<416x128xf32, #tpu.memory_space<vmem>>
      %dma_wait3A_662 = arith.constant 208 : i32
      %dma_wait3A_663 = arith.constant 0 : i32
      %dma_wait3A_664 = tpu.memref_slice %dma_wait3A_661[%dma_wait3A_662, %dma_wait3A_663] : memref<416x128xf32, #tpu.memory_space<vmem>> -> memref<104x128xf32, #tpu.memory_space<vmem>>
      %dma_wait3A_665 = arith.constant 0 : i32
      %dma_wait3A_666 = arith.constant 0 : i32
      %dma_wait3A_667 = tpu.memref_slice %arg4[%dma_wait3A_665, %dma_wait3A_666] : memref<650000x128xf32, #tpu.memory_space<hbm>> -> memref<104x128xf32, #tpu.memory_space<hbm>>
      %dma_wait3A_668 = arith.constant 0 : i32
      %dma_wait3A_669 = arith.constant 0 : i32
      %dma_wait3A_670 = tpu.memref_slice %arg10[%dma_wait3A_657, %dma_wait3A_668, %dma_wait3A_669] : memref<2x416x128xf32, #tpu.memory_space<vmem>> -> memref<1x416x128xf32, #tpu.memory_space<vmem>>
      %dma_wait3A_671 = tpu.memref_squeeze %dma_wait3A_670 : memref<1x416x128xf32, #tpu.memory_space<vmem>> -> memref<416x128xf32, #tpu.memory_space<vmem>>
      %dma_wait3A_672 = arith.constant 208 : i32
      %dma_wait3A_673 = arith.constant 0 : i32
      %dma_wait3A_674 = tpu.memref_slice %dma_wait3A_671[%dma_wait3A_672, %dma_wait3A_673] : memref<416x128xf32, #tpu.memory_space<vmem>> -> memref<104x128xf32, #tpu.memory_space<vmem>>
      %dma_wait3A_675 = arith.constant 0 : i32
      %dma_wait3A_676 = arith.constant 0 : i32
      %dma_wait3A_677 = tpu.memref_slice %arg4[%dma_wait3A_675, %dma_wait3A_676] : memref<650000x128xf32, #tpu.memory_space<hbm>> -> memref<104x128xf32, #tpu.memory_space<hbm>>
      tpu.wait_dma2 semaphore(%arg15 : memref<!tpu.dma_semaphore, #tpu.memory_space<semaphore_mem>>) src(%dma_wait3A_677 : memref<104x128xf32, #tpu.memory_space<hbm>>) dst(%dma_wait3A_674 : memref<104x128xf32, #tpu.memory_space<vmem>>)
      %dma_wait3A_678 = arith.constant 1 : i32
      %dma_wait3A_679 = arith.constant 2 : i32
      %dma_wait3A_680 = arith.constant 0 : i32
      %dma_wait3A_681 = arith.constant 0 : i32
      %dma_wait3A_682 = tpu.memref_slice %arg11[%dma_wait3A_678, %dma_wait3A_680, %dma_wait3A_681] : memref<2x4x104xf32, #tpu.memory_space<vmem>> -> memref<1x4x104xf32, #tpu.memory_space<vmem>>
      %dma_wait3A_683 = tpu.memref_squeeze %dma_wait3A_682 : memref<1x4x104xf32, #tpu.memory_space<vmem>> -> memref<4x104xf32, #tpu.memory_space<vmem>>
      %dma_wait3A_684 = arith.constant 0 : i32
      %dma_wait3A_685 = tpu.memref_slice %dma_wait3A_683[%dma_wait3A_679, %dma_wait3A_684] : memref<4x104xf32, #tpu.memory_space<vmem>> -> memref<1x104xf32, #tpu.memory_space<vmem>>
      %dma_wait3A_686 = tpu.memref_squeeze %dma_wait3A_685 : memref<1x104xf32, #tpu.memory_space<vmem>> -> memref<104xf32, #tpu.memory_space<vmem>>
      %dma_wait3A_687 = arith.constant 0 : i32
      %dma_wait3A_688 = tpu.memref_slice %arg5[%dma_wait3A_687] : memref<2600000xf32, #tpu.memory_space<hbm>> -> memref<104xf32, #tpu.memory_space<hbm>>
      %dma_wait3A_689 = arith.constant 0 : i32
      %dma_wait3A_690 = arith.constant 0 : i32
      %dma_wait3A_691 = tpu.memref_slice %arg11[%dma_wait3A_678, %dma_wait3A_689, %dma_wait3A_690] : memref<2x4x104xf32, #tpu.memory_space<vmem>> -> memref<1x4x104xf32, #tpu.memory_space<vmem>>
      %dma_wait3A_692 = tpu.memref_squeeze %dma_wait3A_691 : memref<1x4x104xf32, #tpu.memory_space<vmem>> -> memref<4x104xf32, #tpu.memory_space<vmem>>
      %dma_wait3A_693 = arith.constant 0 : i32
      %dma_wait3A_694 = tpu.memref_slice %dma_wait3A_692[%dma_wait3A_679, %dma_wait3A_693] : memref<4x104xf32, #tpu.memory_space<vmem>> -> memref<1x104xf32, #tpu.memory_space<vmem>>
      %dma_wait3A_695 = tpu.memref_squeeze %dma_wait3A_694 : memref<1x104xf32, #tpu.memory_space<vmem>> -> memref<104xf32, #tpu.memory_space<vmem>>
      %dma_wait3A_696 = arith.constant 0 : i32
      %dma_wait3A_697 = tpu.memref_slice %arg5[%dma_wait3A_696] : memref<2600000xf32, #tpu.memory_space<hbm>> -> memref<104xf32, #tpu.memory_space<hbm>>
      tpu.wait_dma2 semaphore(%arg17 : memref<!tpu.dma_semaphore, #tpu.memory_space<semaphore_mem>>) src(%dma_wait3A_697 : memref<104xf32, #tpu.memory_space<hbm>>) dst(%dma_wait3A_695 : memref<104xf32, #tpu.memory_space<vmem>>)
      %dma_wait3A_698 = arith.constant 1 : i32
      %dma_wait3A_699 = arith.constant 0 : i32
      %dma_wait3A_700 = arith.constant 0 : i32
      %dma_wait3A_701 = tpu.memref_slice %arg10[%dma_wait3A_698, %dma_wait3A_699, %dma_wait3A_700] : memref<2x416x128xf32, #tpu.memory_space<vmem>> -> memref<1x416x128xf32, #tpu.memory_space<vmem>>
      %dma_wait3A_702 = tpu.memref_squeeze %dma_wait3A_701 : memref<1x416x128xf32, #tpu.memory_space<vmem>> -> memref<416x128xf32, #tpu.memory_space<vmem>>
      %dma_wait3A_703 = arith.constant 312 : i32
      %dma_wait3A_704 = arith.constant 0 : i32
      %dma_wait3A_705 = tpu.memref_slice %dma_wait3A_702[%dma_wait3A_703, %dma_wait3A_704] : memref<416x128xf32, #tpu.memory_space<vmem>> -> memref<104x128xf32, #tpu.memory_space<vmem>>
      %dma_wait3A_706 = arith.constant 0 : i32
      %dma_wait3A_707 = arith.constant 0 : i32
      %dma_wait3A_708 = tpu.memref_slice %arg4[%dma_wait3A_706, %dma_wait3A_707] : memref<650000x128xf32, #tpu.memory_space<hbm>> -> memref<104x128xf32, #tpu.memory_space<hbm>>
      %dma_wait3A_709 = arith.constant 0 : i32
      %dma_wait3A_710 = arith.constant 0 : i32
      %dma_wait3A_711 = tpu.memref_slice %arg10[%dma_wait3A_698, %dma_wait3A_709, %dma_wait3A_710] : memref<2x416x128xf32, #tpu.memory_space<vmem>> -> memref<1x416x128xf32, #tpu.memory_space<vmem>>
      %dma_wait3A_712 = tpu.memref_squeeze %dma_wait3A_711 : memref<1x416x128xf32, #tpu.memory_space<vmem>> -> memref<416x128xf32, #tpu.memory_space<vmem>>
      %dma_wait3A_713 = arith.constant 312 : i32
      %dma_wait3A_714 = arith.constant 0 : i32
      %dma_wait3A_715 = tpu.memref_slice %dma_wait3A_712[%dma_wait3A_713, %dma_wait3A_714] : memref<416x128xf32, #tpu.memory_space<vmem>> -> memref<104x128xf32, #tpu.memory_space<vmem>>
      %dma_wait3A_716 = arith.constant 0 : i32
      %dma_wait3A_717 = arith.constant 0 : i32
      %dma_wait3A_718 = tpu.memref_slice %arg4[%dma_wait3A_716, %dma_wait3A_717] : memref<650000x128xf32, #tpu.memory_space<hbm>> -> memref<104x128xf32, #tpu.memory_space<hbm>>
      tpu.wait_dma2 semaphore(%arg15 : memref<!tpu.dma_semaphore, #tpu.memory_space<semaphore_mem>>) src(%dma_wait3A_718 : memref<104x128xf32, #tpu.memory_space<hbm>>) dst(%dma_wait3A_715 : memref<104x128xf32, #tpu.memory_space<vmem>>)
      %dma_wait3A_719 = arith.constant 1 : i32
      %dma_wait3A_720 = arith.constant 3 : i32
      %dma_wait3A_721 = arith.constant 0 : i32
      %dma_wait3A_722 = arith.constant 0 : i32
      %dma_wait3A_723 = tpu.memref_slice %arg11[%dma_wait3A_719, %dma_wait3A_721, %dma_wait3A_722] : memref<2x4x104xf32, #tpu.memory_space<vmem>> -> memref<1x4x104xf32, #tpu.memory_space<vmem>>
      %dma_wait3A_724 = tpu.memref_squeeze %dma_wait3A_723 : memref<1x4x104xf32, #tpu.memory_space<vmem>> -> memref<4x104xf32, #tpu.memory_space<vmem>>
      %dma_wait3A_725 = arith.constant 0 : i32
      %dma_wait3A_726 = tpu.memref_slice %dma_wait3A_724[%dma_wait3A_720, %dma_wait3A_725] : memref<4x104xf32, #tpu.memory_space<vmem>> -> memref<1x104xf32, #tpu.memory_space<vmem>>
      %dma_wait3A_727 = tpu.memref_squeeze %dma_wait3A_726 : memref<1x104xf32, #tpu.memory_space<vmem>> -> memref<104xf32, #tpu.memory_space<vmem>>
      %dma_wait3A_728 = arith.constant 0 : i32
      %dma_wait3A_729 = tpu.memref_slice %arg5[%dma_wait3A_728] : memref<2600000xf32, #tpu.memory_space<hbm>> -> memref<104xf32, #tpu.memory_space<hbm>>
      %dma_wait3A_730 = arith.constant 0 : i32
      %dma_wait3A_731 = arith.constant 0 : i32
      %dma_wait3A_732 = tpu.memref_slice %arg11[%dma_wait3A_719, %dma_wait3A_730, %dma_wait3A_731] : memref<2x4x104xf32, #tpu.memory_space<vmem>> -> memref<1x4x104xf32, #tpu.memory_space<vmem>>
      %dma_wait3A_733 = tpu.memref_squeeze %dma_wait3A_732 : memref<1x4x104xf32, #tpu.memory_space<vmem>> -> memref<4x104xf32, #tpu.memory_space<vmem>>
      %dma_wait3A_734 = arith.constant 0 : i32
      %dma_wait3A_735 = tpu.memref_slice %dma_wait3A_733[%dma_wait3A_720, %dma_wait3A_734] : memref<4x104xf32, #tpu.memory_space<vmem>> -> memref<1x104xf32, #tpu.memory_space<vmem>>
      %dma_wait3A_736 = tpu.memref_squeeze %dma_wait3A_735 : memref<1x104xf32, #tpu.memory_space<vmem>> -> memref<104xf32, #tpu.memory_space<vmem>>
      %dma_wait3A_737 = arith.constant 0 : i32
      %dma_wait3A_738 = tpu.memref_slice %arg5[%dma_wait3A_737] : memref<2600000xf32, #tpu.memory_space<hbm>> -> memref<104xf32, #tpu.memory_space<hbm>>
      tpu.wait_dma2 semaphore(%arg17 : memref<!tpu.dma_semaphore, #tpu.memory_space<semaphore_mem>>) src(%dma_wait3A_738 : memref<104xf32, #tpu.memory_space<hbm>>) dst(%dma_wait3A_736 : memref<104xf32, #tpu.memory_space<vmem>>)
      %mul3A_739 = arith.constant 2 : i32
      %mul3A_740 = arith.muli %mul3A_739, %scan3A_157 : i32
      %add3A_741 = arith.constant 1 : i32
      %add3A_742 = arith.addi %mul3A_740, %add3A_741 : i32
      %scan3A_743 = arith.constant 1 : i32
      %scan3A_744 = arith.constant 1 : i32
      %scan3A_745 = arith.constant 1 : i32
      %scan3A_746 = arith.constant 0 : i32
      %scan3A_747 = arith.constant 26 : i32
      %scan3A_748 = arith.addi %scan3A_746, %scan3A_747 : i32
      %scan3A_749 = arith.constant 1 : i32
      %scan3A_750:34 = scf.for %scan3A_837 = %scan3A_746 to %scan3A_748 step %scan3A_749 iter_args(%scan3A_838 = %broadcast_in_dim3A_6, %scan3A_839 = %broadcast_in_dim3A_6, %scan3A_840 = %broadcast_in_dim3A_6, %scan3A_841 = %broadcast_in_dim3A_6, %scan3A_842 = %broadcast_in_dim3A_6, %scan3A_843 = %broadcast_in_dim3A_6, %scan3A_844 = %broadcast_in_dim3A_6, %scan3A_845 = %broadcast_in_dim3A_6, %scan3A_846 = %broadcast_in_dim3A_6, %scan3A_847 = %broadcast_in_dim3A_6, %scan3A_848 = %broadcast_in_dim3A_6, %scan3A_849 = %broadcast_in_dim3A_6, %scan3A_850 = %broadcast_in_dim3A_6, %scan3A_851 = %broadcast_in_dim3A_6, %scan3A_852 = %broadcast_in_dim3A_6, %scan3A_853 = %broadcast_in_dim3A_6, %scan3A_854 = %broadcast_in_dim3A_6, %scan3A_855 = %broadcast_in_dim3A_6, %scan3A_856 = %broadcast_in_dim3A_6, %scan3A_857 = %broadcast_in_dim3A_6, %scan3A_858 = %broadcast_in_dim3A_6, %scan3A_859 = %broadcast_in_dim3A_6, %scan3A_860 = %broadcast_in_dim3A_6, %scan3A_861 = %broadcast_in_dim3A_6, %scan3A_862 = %broadcast_in_dim3A_6, %scan3A_863 = %broadcast_in_dim3A_6, %scan3A_864 = %broadcast_in_dim3A_6, %scan3A_865 = %broadcast_in_dim3A_6, %scan3A_866 = %broadcast_in_dim3A_6, %scan3A_867 = %broadcast_in_dim3A_6, %scan3A_868 = %broadcast_in_dim3A_6, %scan3A_869 = %broadcast_in_dim3A_6, %scan3A_870 = %broadcast_in_dim3A_6, %scan3A_871 = %broadcast_in_dim3A_6) -> (vector<16xf32>, vector<16xf32>, vector<16xf32>, vector<16xf32>, vector<16xf32>, vector<16xf32>, vector<16xf32>, vector<16xf32>, vector<16xf32>, vector<16xf32>, vector<16xf32>, vector<16xf32>, vector<16xf32>, vector<16xf32>, vector<16xf32>, vector<16xf32>, vector<16xf32>, vector<16xf32>, vector<16xf32>, vector<16xf32>, vector<16xf32>, vector<16xf32>, vector<16xf32>, vector<16xf32>, vector<16xf32>, vector<16xf32>, vector<16xf32>, vector<16xf32>, vector<16xf32>, vector<16xf32>, vector<16xf32>, vector<16xf32>, vector<16xf32>, vector<16xf32>)  : i32 {
        %add3A_872 = vector.broadcast %scan3A_837 : i32 to vector<16xi32>
        %add3A_873 = arith.addi %mul3A_5, %add3A_872 : vector<16xi32>
        %jit3A = arith.constant 104 : i32
        %div3A_874 = vector.broadcast %jit3A : i32 to vector<16xi32>
        %div3A_875 = arith.divsi %add3A_873, %div3A_874 : vector<16xi32>
        %sign3A = arith.constant 0 : i32
        %sign3A_876 = vector.broadcast %sign3A : i32 to vector<16xi32>
        %sign3A_877 = arith.cmpi sgt, %add3A_873, %sign3A_876 : vector<16xi32>
        %sign3A_878 = arith.extui %sign3A_877 : vector<16xi1> to vector<16xi32>
        %sign3A_879 = arith.constant 0 : i32
        %sign3A_880 = vector.broadcast %sign3A_879 : i32 to vector<16xi32>
        %sign3A_881 = arith.cmpi slt, %add3A_873, %sign3A_880 : vector<16xi32>
        %sign3A_882 = arith.extui %sign3A_881 : vector<16xi1> to vector<16xi32>
        %sign3A_883 = arith.subi %sign3A_878, %sign3A_882 : vector<16xi32>
        %sign3A_884 = arith.constant 0 : i32
        %sign3A_885 = arith.cmpi sgt, %jit3A, %sign3A_884 : i32
        %sign3A_886 = arith.extui %sign3A_885 : i1 to i32
        %sign3A_887 = arith.constant 0 : i32
        %sign3A_888 = arith.cmpi slt, %jit3A, %sign3A_887 : i32
        %sign3A_889 = arith.extui %sign3A_888 : i1 to i32
        %sign3A_890 = arith.subi %sign3A_886, %sign3A_889 : i32
        %ne3A = vector.broadcast %sign3A_890 : i32 to vector<16xi32>
        %ne3A_891 = arith.cmpi ne, %sign3A_883, %ne3A : vector<16xi32>
        %rem3A = vector.broadcast %jit3A : i32 to vector<16xi32>
        %rem3A_892 = arith.remsi %add3A_873, %rem3A : vector<16xi32>
        %ne3A_893 = arith.constant 0 : i32
        %ne3A_894 = vector.broadcast %ne3A_893 : i32 to vector<16xi32>
        %ne3A_895 = arith.cmpi ne, %rem3A_892, %ne3A_894 : vector<16xi32>
        %and3A = arith.andi %ne3A_891, %ne3A_895 : vector<16xi1>
        %sub3A_896 = arith.constant 1 : i32
        %sub3A_897 = vector.broadcast %sub3A_896 : i32 to vector<16xi32>
        %sub3A_898 = arith.subi %div3A_875, %sub3A_897 : vector<16xi32>
        %select_n3A = arith.select %and3A, %sub3A_898, %div3A_875 : vector<16xi1>, vector<16xi32>
        %jit3A_899 = arith.constant 104 : i32
        %eq3A = arith.constant 0 : i32
        %eq3A_900 = arith.cmpi eq, %jit3A_899, %eq3A : i32
        %jit3A_901 = arith.constant 1 : i32
        %select_n3A_902 = arith.select %eq3A_900, %jit3A_901, %jit3A_899 : i32
        %rem3A_903 = vector.broadcast %select_n3A_902 : i32 to vector<16xi32>
        %rem3A_904 = arith.remsi %add3A_873, %rem3A_903 : vector<16xi32>
        %ne3A_905 = arith.constant 0 : i32
        %ne3A_906 = vector.broadcast %ne3A_905 : i32 to vector<16xi32>
        %ne3A_907 = arith.cmpi ne, %rem3A_904, %ne3A_906 : vector<16xi32>
        %lt3A_908 = arith.constant 0 : i32
        %lt3A_909 = vector.broadcast %lt3A_908 : i32 to vector<16xi32>
        %lt3A_910 = arith.cmpi slt, %rem3A_904, %lt3A_909 : vector<16xi32>
        %lt3A_911 = arith.constant 0 : i32
        %lt3A_912 = arith.cmpi slt, %select_n3A_902, %lt3A_911 : i32
        %ne3A_913 = vector.broadcast %lt3A_912 : i1 to vector<16xi1>
        %ne3A_914 = vector.broadcast %ne3A_913 : vector<16xi1> to vector<16xi1>
        %ne3A_915 = arith.xori %lt3A_910, %ne3A_914 : vector<16xi1>
        %and3A_916 = arith.andi %ne3A_915, %ne3A_907 : vector<16xi1>
        %add3A_917 = vector.broadcast %select_n3A_902 : i32 to vector<16xi32>
        %add3A_918 = arith.addi %rem3A_904, %add3A_917 : vector<16xi32>
        %select_n3A_919 = arith.select %and3A_916, %add3A_918, %rem3A_904 : vector<16xi1>, vector<16xi32>
        %gather3A = arith.constant 0 : i32
        %gather3A_920 = arith.constant 0 : i32
        %gather3A_921 = tpu.memref_slice %arg9[%scan3A_743, %gather3A, %gather3A_920] : memref<2x4x104xi32, #tpu.memory_space<vmem>> -> memref<1x4x104xi32, #tpu.memory_space<vmem>>
        %gather3A_922 = tpu.memref_squeeze %gather3A_921 : memref<1x4x104xi32, #tpu.memory_space<vmem>> -> memref<4x104xi32, #tpu.memory_space<vmem>>
        %gather3A_923 = tpu.vector_load_idx %gather3A_922[%select_n3A, %select_n3A_919] : memref<4x104xi32, #tpu.memory_space<vmem>>[vector<16xi32>, vector<16xi32>], vector<16xi32>,
        %and3A_924 = arith.constant 3 : i32
        %and3A_925 = vector.broadcast %and3A_924 : i32 to vector<16xi32>
        %and3A_926 = arith.andi %gather3A_923, %and3A_925 : vector<16xi32>
        %mul3A_927 = arith.constant 32 : i32
        %mul3A_928 = vector.broadcast %mul3A_927 : i32 to vector<16xi32>
        %mul3A_929 = arith.muli %and3A_926, %mul3A_928 : vector<16xi32>
        %gather3A_930 = arith.constant 0 : i32
        %gather3A_931 = arith.constant 0 : i32
        %gather3A_932 = tpu.memref_slice %arg11[%scan3A_744, %gather3A_930, %gather3A_931] : memref<2x4x104xf32, #tpu.memory_space<vmem>> -> memref<1x4x104xf32, #tpu.memory_space<vmem>>
        %gather3A_933 = tpu.memref_squeeze %gather3A_932 : memref<1x4x104xf32, #tpu.memory_space<vmem>> -> memref<4x104xf32, #tpu.memory_space<vmem>>
        %gather3A_934 = tpu.vector_load_idx %gather3A_933[%select_n3A, %select_n3A_919] : memref<4x104xf32, #tpu.memory_space<vmem>>[vector<16xi32>, vector<16xi32>], vector<16xf32>,
        %add3A_935 = arith.addf %scan3A_871, %gather3A_934 : vector<16xf32>
        %add3A_936 = arith.constant 0 : i32
        %add3A_937 = vector.broadcast %add3A_936 : i32 to vector<16xi32>
        %add3A_938 = arith.addi %mul3A_929, %add3A_937 : vector<16xi32>
        %gather3A_939 = arith.constant 0 : i32
        %gather3A_940 = arith.constant 0 : i32
        %gather3A_941 = tpu.memref_slice %arg10[%scan3A_745, %gather3A_939, %gather3A_940] : memref<2x416x128xf32, #tpu.memory_space<vmem>> -> memref<1x416x128xf32, #tpu.memory_space<vmem>>
        %gather3A_942 = tpu.memref_squeeze %gather3A_941 : memref<1x416x128xf32, #tpu.memory_space<vmem>> -> memref<416x128xf32, #tpu.memory_space<vmem>>
        %gather3A_943 = tpu.vector_load_idx %gather3A_942[%add3A_873, %add3A_938] : memref<416x128xf32, #tpu.memory_space<vmem>>[vector<16xi32>, vector<16xi32>], vector<16xf32>,
        %add3A_944 = arith.addf %scan3A_838, %gather3A_943 : vector<16xf32>
        %mul3A_945 = arith.mulf %gather3A_943, %gather3A_943 : vector<16xf32>
        %add3A_946 = arith.addf %scan3A_870, %mul3A_945 : vector<16xf32>
        %add3A_947 = arith.constant 1 : i32
        %add3A_948 = vector.broadcast %add3A_947 : i32 to vector<16xi32>
        %add3A_949 = arith.addi %mul3A_929, %add3A_948 : vector<16xi32>
        %gather3A_950 = arith.constant 0 : i32
        %gather3A_951 = arith.constant 0 : i32
        %gather3A_952 = tpu.memref_slice %arg10[%scan3A_745, %gather3A_950, %gather3A_951] : memref<2x416x128xf32, #tpu.memory_space<vmem>> -> memref<1x416x128xf32, #tpu.memory_space<vmem>>
        %gather3A_953 = tpu.memref_squeeze %gather3A_952 : memref<1x416x128xf32, #tpu.memory_space<vmem>> -> memref<416x128xf32, #tpu.memory_space<vmem>>
        %gather3A_954 = tpu.vector_load_idx %gather3A_953[%add3A_873, %add3A_949] : memref<416x128xf32, #tpu.memory_space<vmem>>[vector<16xi32>, vector<16xi32>], vector<16xf32>,
        %add3A_955 = arith.addf %scan3A_839, %gather3A_954 : vector<16xf32>
        %mul3A_956 = arith.mulf %gather3A_954, %gather3A_954 : vector<16xf32>
        %add3A_957 = arith.addf %add3A_946, %mul3A_956 : vector<16xf32>
        %add3A_958 = arith.constant 2 : i32
        %add3A_959 = vector.broadcast %add3A_958 : i32 to vector<16xi32>
        %add3A_960 = arith.addi %mul3A_929, %add3A_959 : vector<16xi32>
        %gather3A_961 = arith.constant 0 : i32
        %gather3A_962 = arith.constant 0 : i32
        %gather3A_963 = tpu.memref_slice %arg10[%scan3A_745, %gather3A_961, %gather3A_962] : memref<2x416x128xf32, #tpu.memory_space<vmem>> -> memref<1x416x128xf32, #tpu.memory_space<vmem>>
        %gather3A_964 = tpu.memref_squeeze %gather3A_963 : memref<1x416x128xf32, #tpu.memory_space<vmem>> -> memref<416x128xf32, #tpu.memory_space<vmem>>
        %gather3A_965 = tpu.vector_load_idx %gather3A_964[%add3A_873, %add3A_960] : memref<416x128xf32, #tpu.memory_space<vmem>>[vector<16xi32>, vector<16xi32>], vector<16xf32>,
        %add3A_966 = arith.addf %scan3A_840, %gather3A_965 : vector<16xf32>
        %mul3A_967 = arith.mulf %gather3A_965, %gather3A_965 : vector<16xf32>
        %add3A_968 = arith.addf %add3A_957, %mul3A_967 : vector<16xf32>
        %add3A_969 = arith.constant 3 : i32
        %add3A_970 = vector.broadcast %add3A_969 : i32 to vector<16xi32>
        %add3A_971 = arith.addi %mul3A_929, %add3A_970 : vector<16xi32>
        %gather3A_972 = arith.constant 0 : i32
        %gather3A_973 = arith.constant 0 : i32
        %gather3A_974 = tpu.memref_slice %arg10[%scan3A_745, %gather3A_972, %gather3A_973] : memref<2x416x128xf32, #tpu.memory_space<vmem>> -> memref<1x416x128xf32, #tpu.memory_space<vmem>>
        %gather3A_975 = tpu.memref_squeeze %gather3A_974 : memref<1x416x128xf32, #tpu.memory_space<vmem>> -> memref<416x128xf32, #tpu.memory_space<vmem>>
        %gather3A_976 = tpu.vector_load_idx %gather3A_975[%add3A_873, %add3A_971] : memref<416x128xf32, #tpu.memory_space<vmem>>[vector<16xi32>, vector<16xi32>], vector<16xf32>,
        %add3A_977 = arith.addf %scan3A_841, %gather3A_976 : vector<16xf32>
        %mul3A_978 = arith.mulf %gather3A_976, %gather3A_976 : vector<16xf32>
        %add3A_979 = arith.addf %add3A_968, %mul3A_978 : vector<16xf32>
        %add3A_980 = arith.constant 4 : i32
        %add3A_981 = vector.broadcast %add3A_980 : i32 to vector<16xi32>
        %add3A_982 = arith.addi %mul3A_929, %add3A_981 : vector<16xi32>
        %gather3A_983 = arith.constant 0 : i32
        %gather3A_984 = arith.constant 0 : i32
        %gather3A_985 = tpu.memref_slice %arg10[%scan3A_745, %gather3A_983, %gather3A_984] : memref<2x416x128xf32, #tpu.memory_space<vmem>> -> memref<1x416x128xf32, #tpu.memory_space<vmem>>
        %gather3A_986 = tpu.memref_squeeze %gather3A_985 : memref<1x416x128xf32, #tpu.memory_space<vmem>> -> memref<416x128xf32, #tpu.memory_space<vmem>>
        %gather3A_987 = tpu.vector_load_idx %gather3A_986[%add3A_873, %add3A_982] : memref<416x128xf32, #tpu.memory_space<vmem>>[vector<16xi32>, vector<16xi32>], vector<16xf32>,
        %add3A_988 = arith.addf %scan3A_842, %gather3A_987 : vector<16xf32>
        %mul3A_989 = arith.mulf %gather3A_987, %gather3A_987 : vector<16xf32>
        %add3A_990 = arith.addf %add3A_979, %mul3A_989 : vector<16xf32>
        %add3A_991 = arith.constant 5 : i32
        %add3A_992 = vector.broadcast %add3A_991 : i32 to vector<16xi32>
        %add3A_993 = arith.addi %mul3A_929, %add3A_992 : vector<16xi32>
        %gather3A_994 = arith.constant 0 : i32
        %gather3A_995 = arith.constant 0 : i32
        %gather3A_996 = tpu.memref_slice %arg10[%scan3A_745, %gather3A_994, %gather3A_995] : memref<2x416x128xf32, #tpu.memory_space<vmem>> -> memref<1x416x128xf32, #tpu.memory_space<vmem>>
        %gather3A_997 = tpu.memref_squeeze %gather3A_996 : memref<1x416x128xf32, #tpu.memory_space<vmem>> -> memref<416x128xf32, #tpu.memory_space<vmem>>
        %gather3A_998 = tpu.vector_load_idx %gather3A_997[%add3A_873, %add3A_993] : memref<416x128xf32, #tpu.memory_space<vmem>>[vector<16xi32>, vector<16xi32>], vector<16xf32>,
        %add3A_999 = arith.addf %scan3A_843, %gather3A_998 : vector<16xf32>
        %mul3A_1000 = arith.mulf %gather3A_998, %gather3A_998 : vector<16xf32>
        %add3A_1001 = arith.addf %add3A_990, %mul3A_1000 : vector<16xf32>
        %add3A_1002 = arith.constant 6 : i32
        %add3A_1003 = vector.broadcast %add3A_1002 : i32 to vector<16xi32>
        %add3A_1004 = arith.addi %mul3A_929, %add3A_1003 : vector<16xi32>
        %gather3A_1005 = arith.constant 0 : i32
        %gather3A_1006 = arith.constant 0 : i32
        %gather3A_1007 = tpu.memref_slice %arg10[%scan3A_745, %gather3A_1005, %gather3A_1006] : memref<2x416x128xf32, #tpu.memory_space<vmem>> -> memref<1x416x128xf32, #tpu.memory_space<vmem>>
        %gather3A_1008 = tpu.memref_squeeze %gather3A_1007 : memref<1x416x128xf32, #tpu.memory_space<vmem>> -> memref<416x128xf32, #tpu.memory_space<vmem>>
        %gather3A_1009 = tpu.vector_load_idx %gather3A_1008[%add3A_873, %add3A_1004] : memref<416x128xf32, #tpu.memory_space<vmem>>[vector<16xi32>, vector<16xi32>], vector<16xf32>,
        %add3A_1010 = arith.addf %scan3A_844, %gather3A_1009 : vector<16xf32>
        %mul3A_1011 = arith.mulf %gather3A_1009, %gather3A_1009 : vector<16xf32>
        %add3A_1012 = arith.addf %add3A_1001, %mul3A_1011 : vector<16xf32>
        %add3A_1013 = arith.constant 7 : i32
        %add3A_1014 = vector.broadcast %add3A_1013 : i32 to vector<16xi32>
        %add3A_1015 = arith.addi %mul3A_929, %add3A_1014 : vector<16xi32>
        %gather3A_1016 = arith.constant 0 : i32
        %gather3A_1017 = arith.constant 0 : i32
        %gather3A_1018 = tpu.memref_slice %arg10[%scan3A_745, %gather3A_1016, %gather3A_1017] : memref<2x416x128xf32, #tpu.memory_space<vmem>> -> memref<1x416x128xf32, #tpu.memory_space<vmem>>
        %gather3A_1019 = tpu.memref_squeeze %gather3A_1018 : memref<1x416x128xf32, #tpu.memory_space<vmem>> -> memref<416x128xf32, #tpu.memory_space<vmem>>
        %gather3A_1020 = tpu.vector_load_idx %gather3A_1019[%add3A_873, %add3A_1015] : memref<416x128xf32, #tpu.memory_space<vmem>>[vector<16xi32>, vector<16xi32>], vector<16xf32>,
        %add3A_1021 = arith.addf %scan3A_845, %gather3A_1020 : vector<16xf32>
        %mul3A_1022 = arith.mulf %gather3A_1020, %gather3A_1020 : vector<16xf32>
        %add3A_1023 = arith.addf %add3A_1012, %mul3A_1022 : vector<16xf32>
        %add3A_1024 = arith.constant 8 : i32
        %add3A_1025 = vector.broadcast %add3A_1024 : i32 to vector<16xi32>
        %add3A_1026 = arith.addi %mul3A_929, %add3A_1025 : vector<16xi32>
        %gather3A_1027 = arith.constant 0 : i32
        %gather3A_1028 = arith.constant 0 : i32
        %gather3A_1029 = tpu.memref_slice %arg10[%scan3A_745, %gather3A_1027, %gather3A_1028] : memref<2x416x128xf32, #tpu.memory_space<vmem>> -> memref<1x416x128xf32, #tpu.memory_space<vmem>>
        %gather3A_1030 = tpu.memref_squeeze %gather3A_1029 : memref<1x416x128xf32, #tpu.memory_space<vmem>> -> memref<416x128xf32, #tpu.memory_space<vmem>>
        %gather3A_1031 = tpu.vector_load_idx %gather3A_1030[%add3A_873, %add3A_1026] : memref<416x128xf32, #tpu.memory_space<vmem>>[vector<16xi32>, vector<16xi32>], vector<16xf32>,
        %add3A_1032 = arith.addf %scan3A_846, %gather3A_1031 : vector<16xf32>
        %mul3A_1033 = arith.mulf %gather3A_1031, %gather3A_1031 : vector<16xf32>
        %add3A_1034 = arith.addf %add3A_1023, %mul3A_1033 : vector<16xf32>
        %add3A_1035 = arith.constant 9 : i32
        %add3A_1036 = vector.broadcast %add3A_1035 : i32 to vector<16xi32>
        %add3A_1037 = arith.addi %mul3A_929, %add3A_1036 : vector<16xi32>
        %gather3A_1038 = arith.constant 0 : i32
        %gather3A_1039 = arith.constant 0 : i32
        %gather3A_1040 = tpu.memref_slice %arg10[%scan3A_745, %gather3A_1038, %gather3A_1039] : memref<2x416x128xf32, #tpu.memory_space<vmem>> -> memref<1x416x128xf32, #tpu.memory_space<vmem>>
        %gather3A_1041 = tpu.memref_squeeze %gather3A_1040 : memref<1x416x128xf32, #tpu.memory_space<vmem>> -> memref<416x128xf32, #tpu.memory_space<vmem>>
        %gather3A_1042 = tpu.vector_load_idx %gather3A_1041[%add3A_873, %add3A_1037] : memref<416x128xf32, #tpu.memory_space<vmem>>[vector<16xi32>, vector<16xi32>], vector<16xf32>,
        %add3A_1043 = arith.addf %scan3A_847, %gather3A_1042 : vector<16xf32>
        %mul3A_1044 = arith.mulf %gather3A_1042, %gather3A_1042 : vector<16xf32>
        %add3A_1045 = arith.addf %add3A_1034, %mul3A_1044 : vector<16xf32>
        %add3A_1046 = arith.constant 10 : i32
        %add3A_1047 = vector.broadcast %add3A_1046 : i32 to vector<16xi32>
        %add3A_1048 = arith.addi %mul3A_929, %add3A_1047 : vector<16xi32>
        %gather3A_1049 = arith.constant 0 : i32
        %gather3A_1050 = arith.constant 0 : i32
        %gather3A_1051 = tpu.memref_slice %arg10[%scan3A_745, %gather3A_1049, %gather3A_1050] : memref<2x416x128xf32, #tpu.memory_space<vmem>> -> memref<1x416x128xf32, #tpu.memory_space<vmem>>
        %gather3A_1052 = tpu.memref_squeeze %gather3A_1051 : memref<1x416x128xf32, #tpu.memory_space<vmem>> -> memref<416x128xf32, #tpu.memory_space<vmem>>
        %gather3A_1053 = tpu.vector_load_idx %gather3A_1052[%add3A_873, %add3A_1048] : memref<416x128xf32, #tpu.memory_space<vmem>>[vector<16xi32>, vector<16xi32>], vector<16xf32>,
        %add3A_1054 = arith.addf %scan3A_848, %gather3A_1053 : vector<16xf32>
        %mul3A_1055 = arith.mulf %gather3A_1053, %gather3A_1053 : vector<16xf32>
        %add3A_1056 = arith.addf %add3A_1045, %mul3A_1055 : vector<16xf32>
        %add3A_1057 = arith.constant 11 : i32
        %add3A_1058 = vector.broadcast %add3A_1057 : i32 to vector<16xi32>
        %add3A_1059 = arith.addi %mul3A_929, %add3A_1058 : vector<16xi32>
        %gather3A_1060 = arith.constant 0 : i32
        %gather3A_1061 = arith.constant 0 : i32
        %gather3A_1062 = tpu.memref_slice %arg10[%scan3A_745, %gather3A_1060, %gather3A_1061] : memref<2x416x128xf32, #tpu.memory_space<vmem>> -> memref<1x416x128xf32, #tpu.memory_space<vmem>>
        %gather3A_1063 = tpu.memref_squeeze %gather3A_1062 : memref<1x416x128xf32, #tpu.memory_space<vmem>> -> memref<416x128xf32, #tpu.memory_space<vmem>>
        %gather3A_1064 = tpu.vector_load_idx %gather3A_1063[%add3A_873, %add3A_1059] : memref<416x128xf32, #tpu.memory_space<vmem>>[vector<16xi32>, vector<16xi32>], vector<16xf32>,
        %add3A_1065 = arith.addf %scan3A_849, %gather3A_1064 : vector<16xf32>
        %mul3A_1066 = arith.mulf %gather3A_1064, %gather3A_1064 : vector<16xf32>
        %add3A_1067 = arith.addf %add3A_1056, %mul3A_1066 : vector<16xf32>
        %add3A_1068 = arith.constant 12 : i32
        %add3A_1069 = vector.broadcast %add3A_1068 : i32 to vector<16xi32>
        %add3A_1070 = arith.addi %mul3A_929, %add3A_1069 : vector<16xi32>
        %gather3A_1071 = arith.constant 0 : i32
        %gather3A_1072 = arith.constant 0 : i32
        %gather3A_1073 = tpu.memref_slice %arg10[%scan3A_745, %gather3A_1071, %gather3A_1072] : memref<2x416x128xf32, #tpu.memory_space<vmem>> -> memref<1x416x128xf32, #tpu.memory_space<vmem>>
        %gather3A_1074 = tpu.memref_squeeze %gather3A_1073 : memref<1x416x128xf32, #tpu.memory_space<vmem>> -> memref<416x128xf32, #tpu.memory_space<vmem>>
        %gather3A_1075 = tpu.vector_load_idx %gather3A_1074[%add3A_873, %add3A_1070] : memref<416x128xf32, #tpu.memory_space<vmem>>[vector<16xi32>, vector<16xi32>], vector<16xf32>,
        %add3A_1076 = arith.addf %scan3A_850, %gather3A_1075 : vector<16xf32>
        %mul3A_1077 = arith.mulf %gather3A_1075, %gather3A_1075 : vector<16xf32>
        %add3A_1078 = arith.addf %add3A_1067, %mul3A_1077 : vector<16xf32>
        %add3A_1079 = arith.constant 13 : i32
        %add3A_1080 = vector.broadcast %add3A_1079 : i32 to vector<16xi32>
        %add3A_1081 = arith.addi %mul3A_929, %add3A_1080 : vector<16xi32>
        %gather3A_1082 = arith.constant 0 : i32
        %gather3A_1083 = arith.constant 0 : i32
        %gather3A_1084 = tpu.memref_slice %arg10[%scan3A_745, %gather3A_1082, %gather3A_1083] : memref<2x416x128xf32, #tpu.memory_space<vmem>> -> memref<1x416x128xf32, #tpu.memory_space<vmem>>
        %gather3A_1085 = tpu.memref_squeeze %gather3A_1084 : memref<1x416x128xf32, #tpu.memory_space<vmem>> -> memref<416x128xf32, #tpu.memory_space<vmem>>
        %gather3A_1086 = tpu.vector_load_idx %gather3A_1085[%add3A_873, %add3A_1081] : memref<416x128xf32, #tpu.memory_space<vmem>>[vector<16xi32>, vector<16xi32>], vector<16xf32>,
        %add3A_1087 = arith.addf %scan3A_851, %gather3A_1086 : vector<16xf32>
        %mul3A_1088 = arith.mulf %gather3A_1086, %gather3A_1086 : vector<16xf32>
        %add3A_1089 = arith.addf %add3A_1078, %mul3A_1088 : vector<16xf32>
        %add3A_1090 = arith.constant 14 : i32
        %add3A_1091 = vector.broadcast %add3A_1090 : i32 to vector<16xi32>
        %add3A_1092 = arith.addi %mul3A_929, %add3A_1091 : vector<16xi32>
        %gather3A_1093 = arith.constant 0 : i32
        %gather3A_1094 = arith.constant 0 : i32
        %gather3A_1095 = tpu.memref_slice %arg10[%scan3A_745, %gather3A_1093, %gather3A_1094] : memref<2x416x128xf32, #tpu.memory_space<vmem>> -> memref<1x416x128xf32, #tpu.memory_space<vmem>>
        %gather3A_1096 = tpu.memref_squeeze %gather3A_1095 : memref<1x416x128xf32, #tpu.memory_space<vmem>> -> memref<416x128xf32, #tpu.memory_space<vmem>>
        %gather3A_1097 = tpu.vector_load_idx %gather3A_1096[%add3A_873, %add3A_1092] : memref<416x128xf32, #tpu.memory_space<vmem>>[vector<16xi32>, vector<16xi32>], vector<16xf32>,
        %add3A_1098 = arith.addf %scan3A_852, %gather3A_1097 : vector<16xf32>
        %mul3A_1099 = arith.mulf %gather3A_1097, %gather3A_1097 : vector<16xf32>
        %add3A_1100 = arith.addf %add3A_1089, %mul3A_1099 : vector<16xf32>
        %add3A_1101 = arith.constant 15 : i32
        %add3A_1102 = vector.broadcast %add3A_1101 : i32 to vector<16xi32>
        %add3A_1103 = arith.addi %mul3A_929, %add3A_1102 : vector<16xi32>
        %gather3A_1104 = arith.constant 0 : i32
        %gather3A_1105 = arith.constant 0 : i32
        %gather3A_1106 = tpu.memref_slice %arg10[%scan3A_745, %gather3A_1104, %gather3A_1105] : memref<2x416x128xf32, #tpu.memory_space<vmem>> -> memref<1x416x128xf32, #tpu.memory_space<vmem>>
        %gather3A_1107 = tpu.memref_squeeze %gather3A_1106 : memref<1x416x128xf32, #tpu.memory_space<vmem>> -> memref<416x128xf32, #tpu.memory_space<vmem>>
        %gather3A_1108 = tpu.vector_load_idx %gather3A_1107[%add3A_873, %add3A_1103] : memref<416x128xf32, #tpu.memory_space<vmem>>[vector<16xi32>, vector<16xi32>], vector<16xf32>,
        %add3A_1109 = arith.addf %scan3A_853, %gather3A_1108 : vector<16xf32>
        %mul3A_1110 = arith.mulf %gather3A_1108, %gather3A_1108 : vector<16xf32>
        %add3A_1111 = arith.addf %add3A_1100, %mul3A_1110 : vector<16xf32>
        %add3A_1112 = arith.constant 16 : i32
        %add3A_1113 = vector.broadcast %add3A_1112 : i32 to vector<16xi32>
        %add3A_1114 = arith.addi %mul3A_929, %add3A_1113 : vector<16xi32>
        %gather3A_1115 = arith.constant 0 : i32
        %gather3A_1116 = arith.constant 0 : i32
        %gather3A_1117 = tpu.memref_slice %arg10[%scan3A_745, %gather3A_1115, %gather3A_1116] : memref<2x416x128xf32, #tpu.memory_space<vmem>> -> memref<1x416x128xf32, #tpu.memory_space<vmem>>
        %gather3A_1118 = tpu.memref_squeeze %gather3A_1117 : memref<1x416x128xf32, #tpu.memory_space<vmem>> -> memref<416x128xf32, #tpu.memory_space<vmem>>
        %gather3A_1119 = tpu.vector_load_idx %gather3A_1118[%add3A_873, %add3A_1114] : memref<416x128xf32, #tpu.memory_space<vmem>>[vector<16xi32>, vector<16xi32>], vector<16xf32>,
        %add3A_1120 = arith.addf %scan3A_854, %gather3A_1119 : vector<16xf32>
        %mul3A_1121 = arith.mulf %gather3A_1119, %gather3A_1119 : vector<16xf32>
        %add3A_1122 = arith.addf %add3A_1111, %mul3A_1121 : vector<16xf32>
        %add3A_1123 = arith.constant 17 : i32
        %add3A_1124 = vector.broadcast %add3A_1123 : i32 to vector<16xi32>
        %add3A_1125 = arith.addi %mul3A_929, %add3A_1124 : vector<16xi32>
        %gather3A_1126 = arith.constant 0 : i32
        %gather3A_1127 = arith.constant 0 : i32
        %gather3A_1128 = tpu.memref_slice %arg10[%scan3A_745, %gather3A_1126, %gather3A_1127] : memref<2x416x128xf32, #tpu.memory_space<vmem>> -> memref<1x416x128xf32, #tpu.memory_space<vmem>>
        %gather3A_1129 = tpu.memref_squeeze %gather3A_1128 : memref<1x416x128xf32, #tpu.memory_space<vmem>> -> memref<416x128xf32, #tpu.memory_space<vmem>>
        %gather3A_1130 = tpu.vector_load_idx %gather3A_1129[%add3A_873, %add3A_1125] : memref<416x128xf32, #tpu.memory_space<vmem>>[vector<16xi32>, vector<16xi32>], vector<16xf32>,
        %add3A_1131 = arith.addf %scan3A_855, %gather3A_1130 : vector<16xf32>
        %mul3A_1132 = arith.mulf %gather3A_1130, %gather3A_1130 : vector<16xf32>
        %add3A_1133 = arith.addf %add3A_1122, %mul3A_1132 : vector<16xf32>
        %add3A_1134 = arith.constant 18 : i32
        %add3A_1135 = vector.broadcast %add3A_1134 : i32 to vector<16xi32>
        %add3A_1136 = arith.addi %mul3A_929, %add3A_1135 : vector<16xi32>
        %gather3A_1137 = arith.constant 0 : i32
        %gather3A_1138 = arith.constant 0 : i32
        %gather3A_1139 = tpu.memref_slice %arg10[%scan3A_745, %gather3A_1137, %gather3A_1138] : memref<2x416x128xf32, #tpu.memory_space<vmem>> -> memref<1x416x128xf32, #tpu.memory_space<vmem>>
        %gather3A_1140 = tpu.memref_squeeze %gather3A_1139 : memref<1x416x128xf32, #tpu.memory_space<vmem>> -> memref<416x128xf32, #tpu.memory_space<vmem>>
        %gather3A_1141 = tpu.vector_load_idx %gather3A_1140[%add3A_873, %add3A_1136] : memref<416x128xf32, #tpu.memory_space<vmem>>[vector<16xi32>, vector<16xi32>], vector<16xf32>,
        %add3A_1142 = arith.addf %scan3A_856, %gather3A_1141 : vector<16xf32>
        %mul3A_1143 = arith.mulf %gather3A_1141, %gather3A_1141 : vector<16xf32>
        %add3A_1144 = arith.addf %add3A_1133, %mul3A_1143 : vector<16xf32>
        %add3A_1145 = arith.constant 19 : i32
        %add3A_1146 = vector.broadcast %add3A_1145 : i32 to vector<16xi32>
        %add3A_1147 = arith.addi %mul3A_929, %add3A_1146 : vector<16xi32>
        %gather3A_1148 = arith.constant 0 : i32
        %gather3A_1149 = arith.constant 0 : i32
        %gather3A_1150 = tpu.memref_slice %arg10[%scan3A_745, %gather3A_1148, %gather3A_1149] : memref<2x416x128xf32, #tpu.memory_space<vmem>> -> memref<1x416x128xf32, #tpu.memory_space<vmem>>
        %gather3A_1151 = tpu.memref_squeeze %gather3A_1150 : memref<1x416x128xf32, #tpu.memory_space<vmem>> -> memref<416x128xf32, #tpu.memory_space<vmem>>
        %gather3A_1152 = tpu.vector_load_idx %gather3A_1151[%add3A_873, %add3A_1147] : memref<416x128xf32, #tpu.memory_space<vmem>>[vector<16xi32>, vector<16xi32>], vector<16xf32>,
        %add3A_1153 = arith.addf %scan3A_857, %gather3A_1152 : vector<16xf32>
        %mul3A_1154 = arith.mulf %gather3A_1152, %gather3A_1152 : vector<16xf32>
        %add3A_1155 = arith.addf %add3A_1144, %mul3A_1154 : vector<16xf32>
        %add3A_1156 = arith.constant 20 : i32
        %add3A_1157 = vector.broadcast %add3A_1156 : i32 to vector<16xi32>
        %add3A_1158 = arith.addi %mul3A_929, %add3A_1157 : vector<16xi32>
        %gather3A_1159 = arith.constant 0 : i32
        %gather3A_1160 = arith.constant 0 : i32
        %gather3A_1161 = tpu.memref_slice %arg10[%scan3A_745, %gather3A_1159, %gather3A_1160] : memref<2x416x128xf32, #tpu.memory_space<vmem>> -> memref<1x416x128xf32, #tpu.memory_space<vmem>>
        %gather3A_1162 = tpu.memref_squeeze %gather3A_1161 : memref<1x416x128xf32, #tpu.memory_space<vmem>> -> memref<416x128xf32, #tpu.memory_space<vmem>>
        %gather3A_1163 = tpu.vector_load_idx %gather3A_1162[%add3A_873, %add3A_1158] : memref<416x128xf32, #tpu.memory_space<vmem>>[vector<16xi32>, vector<16xi32>], vector<16xf32>,
        %add3A_1164 = arith.addf %scan3A_858, %gather3A_1163 : vector<16xf32>
        %mul3A_1165 = arith.mulf %gather3A_1163, %gather3A_1163 : vector<16xf32>
        %add3A_1166 = arith.addf %add3A_1155, %mul3A_1165 : vector<16xf32>
        %add3A_1167 = arith.constant 21 : i32
        %add3A_1168 = vector.broadcast %add3A_1167 : i32 to vector<16xi32>
        %add3A_1169 = arith.addi %mul3A_929, %add3A_1168 : vector<16xi32>
        %gather3A_1170 = arith.constant 0 : i32
        %gather3A_1171 = arith.constant 0 : i32
        %gather3A_1172 = tpu.memref_slice %arg10[%scan3A_745, %gather3A_1170, %gather3A_1171] : memref<2x416x128xf32, #tpu.memory_space<vmem>> -> memref<1x416x128xf32, #tpu.memory_space<vmem>>
        %gather3A_1173 = tpu.memref_squeeze %gather3A_1172 : memref<1x416x128xf32, #tpu.memory_space<vmem>> -> memref<416x128xf32, #tpu.memory_space<vmem>>
        %gather3A_1174 = tpu.vector_load_idx %gather3A_1173[%add3A_873, %add3A_1169] : memref<416x128xf32, #tpu.memory_space<vmem>>[vector<16xi32>, vector<16xi32>], vector<16xf32>,
        %add3A_1175 = arith.addf %scan3A_859, %gather3A_1174 : vector<16xf32>
        %mul3A_1176 = arith.mulf %gather3A_1174, %gather3A_1174 : vector<16xf32>
        %add3A_1177 = arith.addf %add3A_1166, %mul3A_1176 : vector<16xf32>
        %add3A_1178 = arith.constant 22 : i32
        %add3A_1179 = vector.broadcast %add3A_1178 : i32 to vector<16xi32>
        %add3A_1180 = arith.addi %mul3A_929, %add3A_1179 : vector<16xi32>
        %gather3A_1181 = arith.constant 0 : i32
        %gather3A_1182 = arith.constant 0 : i32
        %gather3A_1183 = tpu.memref_slice %arg10[%scan3A_745, %gather3A_1181, %gather3A_1182] : memref<2x416x128xf32, #tpu.memory_space<vmem>> -> memref<1x416x128xf32, #tpu.memory_space<vmem>>
        %gather3A_1184 = tpu.memref_squeeze %gather3A_1183 : memref<1x416x128xf32, #tpu.memory_space<vmem>> -> memref<416x128xf32, #tpu.memory_space<vmem>>
        %gather3A_1185 = tpu.vector_load_idx %gather3A_1184[%add3A_873, %add3A_1180] : memref<416x128xf32, #tpu.memory_space<vmem>>[vector<16xi32>, vector<16xi32>], vector<16xf32>,
        %add3A_1186 = arith.addf %scan3A_860, %gather3A_1185 : vector<16xf32>
        %mul3A_1187 = arith.mulf %gather3A_1185, %gather3A_1185 : vector<16xf32>
        %add3A_1188 = arith.addf %add3A_1177, %mul3A_1187 : vector<16xf32>
        %add3A_1189 = arith.constant 23 : i32
        %add3A_1190 = vector.broadcast %add3A_1189 : i32 to vector<16xi32>
        %add3A_1191 = arith.addi %mul3A_929, %add3A_1190 : vector<16xi32>
        %gather3A_1192 = arith.constant 0 : i32
        %gather3A_1193 = arith.constant 0 : i32
        %gather3A_1194 = tpu.memref_slice %arg10[%scan3A_745, %gather3A_1192, %gather3A_1193] : memref<2x416x128xf32, #tpu.memory_space<vmem>> -> memref<1x416x128xf32, #tpu.memory_space<vmem>>
        %gather3A_1195 = tpu.memref_squeeze %gather3A_1194 : memref<1x416x128xf32, #tpu.memory_space<vmem>> -> memref<416x128xf32, #tpu.memory_space<vmem>>
        %gather3A_1196 = tpu.vector_load_idx %gather3A_1195[%add3A_873, %add3A_1191] : memref<416x128xf32, #tpu.memory_space<vmem>>[vector<16xi32>, vector<16xi32>], vector<16xf32>,
        %add3A_1197 = arith.addf %scan3A_861, %gather3A_1196 : vector<16xf32>
        %mul3A_1198 = arith.mulf %gather3A_1196, %gather3A_1196 : vector<16xf32>
        %add3A_1199 = arith.addf %add3A_1188, %mul3A_1198 : vector<16xf32>
        %add3A_1200 = arith.constant 24 : i32
        %add3A_1201 = vector.broadcast %add3A_1200 : i32 to vector<16xi32>
        %add3A_1202 = arith.addi %mul3A_929, %add3A_1201 : vector<16xi32>
        %gather3A_1203 = arith.constant 0 : i32
        %gather3A_1204 = arith.constant 0 : i32
        %gather3A_1205 = tpu.memref_slice %arg10[%scan3A_745, %gather3A_1203, %gather3A_1204] : memref<2x416x128xf32, #tpu.memory_space<vmem>> -> memref<1x416x128xf32, #tpu.memory_space<vmem>>
        %gather3A_1206 = tpu.memref_squeeze %gather3A_1205 : memref<1x416x128xf32, #tpu.memory_space<vmem>> -> memref<416x128xf32, #tpu.memory_space<vmem>>
        %gather3A_1207 = tpu.vector_load_idx %gather3A_1206[%add3A_873, %add3A_1202] : memref<416x128xf32, #tpu.memory_space<vmem>>[vector<16xi32>, vector<16xi32>], vector<16xf32>,
        %add3A_1208 = arith.addf %scan3A_862, %gather3A_1207 : vector<16xf32>
        %mul3A_1209 = arith.mulf %gather3A_1207, %gather3A_1207 : vector<16xf32>
        %add3A_1210 = arith.addf %add3A_1199, %mul3A_1209 : vector<16xf32>
        %add3A_1211 = arith.constant 25 : i32
        %add3A_1212 = vector.broadcast %add3A_1211 : i32 to vector<16xi32>
        %add3A_1213 = arith.addi %mul3A_929, %add3A_1212 : vector<16xi32>
        %gather3A_1214 = arith.constant 0 : i32
        %gather3A_1215 = arith.constant 0 : i32
        %gather3A_1216 = tpu.memref_slice %arg10[%scan3A_745, %gather3A_1214, %gather3A_1215] : memref<2x416x128xf32, #tpu.memory_space<vmem>> -> memref<1x416x128xf32, #tpu.memory_space<vmem>>
        %gather3A_1217 = tpu.memref_squeeze %gather3A_1216 : memref<1x416x128xf32, #tpu.memory_space<vmem>> -> memref<416x128xf32, #tpu.memory_space<vmem>>
        %gather3A_1218 = tpu.vector_load_idx %gather3A_1217[%add3A_873, %add3A_1213] : memref<416x128xf32, #tpu.memory_space<vmem>>[vector<16xi32>, vector<16xi32>], vector<16xf32>,
        %add3A_1219 = arith.addf %scan3A_863, %gather3A_1218 : vector<16xf32>
        %mul3A_1220 = arith.mulf %gather3A_1218, %gather3A_1218 : vector<16xf32>
        %add3A_1221 = arith.addf %add3A_1210, %mul3A_1220 : vector<16xf32>
        %add3A_1222 = arith.constant 26 : i32
        %add3A_1223 = vector.broadcast %add3A_1222 : i32 to vector<16xi32>
        %add3A_1224 = arith.addi %mul3A_929, %add3A_1223 : vector<16xi32>
        %gather3A_1225 = arith.constant 0 : i32
        %gather3A_1226 = arith.constant 0 : i32
        %gather3A_1227 = tpu.memref_slice %arg10[%scan3A_745, %gather3A_1225, %gather3A_1226] : memref<2x416x128xf32, #tpu.memory_space<vmem>> -> memref<1x416x128xf32, #tpu.memory_space<vmem>>
        %gather3A_1228 = tpu.memref_squeeze %gather3A_1227 : memref<1x416x128xf32, #tpu.memory_space<vmem>> -> memref<416x128xf32, #tpu.memory_space<vmem>>
        %gather3A_1229 = tpu.vector_load_idx %gather3A_1228[%add3A_873, %add3A_1224] : memref<416x128xf32, #tpu.memory_space<vmem>>[vector<16xi32>, vector<16xi32>], vector<16xf32>,
        %add3A_1230 = arith.addf %scan3A_864, %gather3A_1229 : vector<16xf32>
        %mul3A_1231 = arith.mulf %gather3A_1229, %gather3A_1229 : vector<16xf32>
        %add3A_1232 = arith.addf %add3A_1221, %mul3A_1231 : vector<16xf32>
        %add3A_1233 = arith.constant 27 : i32
        %add3A_1234 = vector.broadcast %add3A_1233 : i32 to vector<16xi32>
        %add3A_1235 = arith.addi %mul3A_929, %add3A_1234 : vector<16xi32>
        %gather3A_1236 = arith.constant 0 : i32
        %gather3A_1237 = arith.constant 0 : i32
        %gather3A_1238 = tpu.memref_slice %arg10[%scan3A_745, %gather3A_1236, %gather3A_1237] : memref<2x416x128xf32, #tpu.memory_space<vmem>> -> memref<1x416x128xf32, #tpu.memory_space<vmem>>
        %gather3A_1239 = tpu.memref_squeeze %gather3A_1238 : memref<1x416x128xf32, #tpu.memory_space<vmem>> -> memref<416x128xf32, #tpu.memory_space<vmem>>
        %gather3A_1240 = tpu.vector_load_idx %gather3A_1239[%add3A_873, %add3A_1235] : memref<416x128xf32, #tpu.memory_space<vmem>>[vector<16xi32>, vector<16xi32>], vector<16xf32>,
        %add3A_1241 = arith.addf %scan3A_865, %gather3A_1240 : vector<16xf32>
        %mul3A_1242 = arith.mulf %gather3A_1240, %gather3A_1240 : vector<16xf32>
        %add3A_1243 = arith.addf %add3A_1232, %mul3A_1242 : vector<16xf32>
        %add3A_1244 = arith.constant 28 : i32
        %add3A_1245 = vector.broadcast %add3A_1244 : i32 to vector<16xi32>
        %add3A_1246 = arith.addi %mul3A_929, %add3A_1245 : vector<16xi32>
        %gather3A_1247 = arith.constant 0 : i32
        %gather3A_1248 = arith.constant 0 : i32
        %gather3A_1249 = tpu.memref_slice %arg10[%scan3A_745, %gather3A_1247, %gather3A_1248] : memref<2x416x128xf32, #tpu.memory_space<vmem>> -> memref<1x416x128xf32, #tpu.memory_space<vmem>>
        %gather3A_1250 = tpu.memref_squeeze %gather3A_1249 : memref<1x416x128xf32, #tpu.memory_space<vmem>> -> memref<416x128xf32, #tpu.memory_space<vmem>>
        %gather3A_1251 = tpu.vector_load_idx %gather3A_1250[%add3A_873, %add3A_1246] : memref<416x128xf32, #tpu.memory_space<vmem>>[vector<16xi32>, vector<16xi32>], vector<16xf32>,
        %add3A_1252 = arith.addf %scan3A_866, %gather3A_1251 : vector<16xf32>
        %mul3A_1253 = arith.mulf %gather3A_1251, %gather3A_1251 : vector<16xf32>
        %add3A_1254 = arith.addf %add3A_1243, %mul3A_1253 : vector<16xf32>
        %add3A_1255 = arith.constant 29 : i32
        %add3A_1256 = vector.broadcast %add3A_1255 : i32 to vector<16xi32>
        %add3A_1257 = arith.addi %mul3A_929, %add3A_1256 : vector<16xi32>
        %gather3A_1258 = arith.constant 0 : i32
        %gather3A_1259 = arith.constant 0 : i32
        %gather3A_1260 = tpu.memref_slice %arg10[%scan3A_745, %gather3A_1258, %gather3A_1259] : memref<2x416x128xf32, #tpu.memory_space<vmem>> -> memref<1x416x128xf32, #tpu.memory_space<vmem>>
        %gather3A_1261 = tpu.memref_squeeze %gather3A_1260 : memref<1x416x128xf32, #tpu.memory_space<vmem>> -> memref<416x128xf32, #tpu.memory_space<vmem>>
        %gather3A_1262 = tpu.vector_load_idx %gather3A_1261[%add3A_873, %add3A_1257] : memref<416x128xf32, #tpu.memory_space<vmem>>[vector<16xi32>, vector<16xi32>], vector<16xf32>,
        %add3A_1263 = arith.addf %scan3A_867, %gather3A_1262 : vector<16xf32>
        %mul3A_1264 = arith.mulf %gather3A_1262, %gather3A_1262 : vector<16xf32>
        %add3A_1265 = arith.addf %add3A_1254, %mul3A_1264 : vector<16xf32>
        %add3A_1266 = arith.constant 30 : i32
        %add3A_1267 = vector.broadcast %add3A_1266 : i32 to vector<16xi32>
        %add3A_1268 = arith.addi %mul3A_929, %add3A_1267 : vector<16xi32>
        %gather3A_1269 = arith.constant 0 : i32
        %gather3A_1270 = arith.constant 0 : i32
        %gather3A_1271 = tpu.memref_slice %arg10[%scan3A_745, %gather3A_1269, %gather3A_1270] : memref<2x416x128xf32, #tpu.memory_space<vmem>> -> memref<1x416x128xf32, #tpu.memory_space<vmem>>
        %gather3A_1272 = tpu.memref_squeeze %gather3A_1271 : memref<1x416x128xf32, #tpu.memory_space<vmem>> -> memref<416x128xf32, #tpu.memory_space<vmem>>
        %gather3A_1273 = tpu.vector_load_idx %gather3A_1272[%add3A_873, %add3A_1268] : memref<416x128xf32, #tpu.memory_space<vmem>>[vector<16xi32>, vector<16xi32>], vector<16xf32>,
        %add3A_1274 = arith.addf %scan3A_868, %gather3A_1273 : vector<16xf32>
        %mul3A_1275 = arith.mulf %gather3A_1273, %gather3A_1273 : vector<16xf32>
        %add3A_1276 = arith.addf %add3A_1265, %mul3A_1275 : vector<16xf32>
        %add3A_1277 = arith.constant 31 : i32
        %add3A_1278 = vector.broadcast %add3A_1277 : i32 to vector<16xi32>
        %add3A_1279 = arith.addi %mul3A_929, %add3A_1278 : vector<16xi32>
        %gather3A_1280 = arith.constant 0 : i32
        %gather3A_1281 = arith.constant 0 : i32
        %gather3A_1282 = tpu.memref_slice %arg10[%scan3A_745, %gather3A_1280, %gather3A_1281] : memref<2x416x128xf32, #tpu.memory_space<vmem>> -> memref<1x416x128xf32, #tpu.memory_space<vmem>>
        %gather3A_1283 = tpu.memref_squeeze %gather3A_1282 : memref<1x416x128xf32, #tpu.memory_space<vmem>> -> memref<416x128xf32, #tpu.memory_space<vmem>>
        %gather3A_1284 = tpu.vector_load_idx %gather3A_1283[%add3A_873, %add3A_1279] : memref<416x128xf32, #tpu.memory_space<vmem>>[vector<16xi32>, vector<16xi32>], vector<16xf32>,
        %add3A_1285 = arith.addf %scan3A_869, %gather3A_1284 : vector<16xf32>
        %mul3A_1286 = arith.mulf %gather3A_1284, %gather3A_1284 : vector<16xf32>
        %add3A_1287 = arith.addf %add3A_1276, %mul3A_1286 : vector<16xf32>
        scf.yield %add3A_944, %add3A_955, %add3A_966, %add3A_977, %add3A_988, %add3A_999, %add3A_1010, %add3A_1021, %add3A_1032, %add3A_1043, %add3A_1054, %add3A_1065, %add3A_1076, %add3A_1087, %add3A_1098, %add3A_1109, %add3A_1120, %add3A_1131, %add3A_1142, %add3A_1153, %add3A_1164, %add3A_1175, %add3A_1186, %add3A_1197, %add3A_1208, %add3A_1219, %add3A_1230, %add3A_1241, %add3A_1252, %add3A_1263, %add3A_1274, %add3A_1285, %add3A_1287, %add3A_935 : vector<16xf32>, vector<16xf32>, vector<16xf32>, vector<16xf32>, vector<16xf32>, vector<16xf32>, vector<16xf32>, vector<16xf32>, vector<16xf32>, vector<16xf32>, vector<16xf32>, vector<16xf32>, vector<16xf32>, vector<16xf32>, vector<16xf32>, vector<16xf32>, vector<16xf32>, vector<16xf32>, vector<16xf32>, vector<16xf32>, vector<16xf32>, vector<16xf32>, vector<16xf32>, vector<16xf32>, vector<16xf32>, vector<16xf32>, vector<16xf32>, vector<16xf32>, vector<16xf32>, vector<16xf32>, vector<16xf32>, vector<16xf32>, vector<16xf32>, vector<16xf32>
      }
      %scan3A_751 = arith.constant 26 : i32
      %mul3A_752 = arith.mulf %scan3A_750#0, %scan3A_750#0 : vector<16xf32>
      %mul3A_753 = arith.mulf %scan3A_750#1, %scan3A_750#1 : vector<16xf32>
      %add3A_754 = arith.addf %mul3A_752, %mul3A_753 : vector<16xf32>
      %mul3A_755 = arith.mulf %scan3A_750#2, %scan3A_750#2 : vector<16xf32>
      %add3A_756 = arith.addf %add3A_754, %mul3A_755 : vector<16xf32>
      %mul3A_757 = arith.mulf %scan3A_750#3, %scan3A_750#3 : vector<16xf32>
      %add3A_758 = arith.addf %add3A_756, %mul3A_757 : vector<16xf32>
      %mul3A_759 = arith.mulf %scan3A_750#4, %scan3A_750#4 : vector<16xf32>
      %add3A_760 = arith.addf %add3A_758, %mul3A_759 : vector<16xf32>
      %mul3A_761 = arith.mulf %scan3A_750#5, %scan3A_750#5 : vector<16xf32>
      %add3A_762 = arith.addf %add3A_760, %mul3A_761 : vector<16xf32>
      %mul3A_763 = arith.mulf %scan3A_750#6, %scan3A_750#6 : vector<16xf32>
      %add3A_764 = arith.addf %add3A_762, %mul3A_763 : vector<16xf32>
      %mul3A_765 = arith.mulf %scan3A_750#7, %scan3A_750#7 : vector<16xf32>
      %add3A_766 = arith.addf %add3A_764, %mul3A_765 : vector<16xf32>
      %mul3A_767 = arith.mulf %scan3A_750#8, %scan3A_750#8 : vector<16xf32>
      %add3A_768 = arith.addf %add3A_766, %mul3A_767 : vector<16xf32>
      %mul3A_769 = arith.mulf %scan3A_750#9, %scan3A_750#9 : vector<16xf32>
      %add3A_770 = arith.addf %add3A_768, %mul3A_769 : vector<16xf32>
      %mul3A_771 = arith.mulf %scan3A_750#10, %scan3A_750#10 : vector<16xf32>
      %add3A_772 = arith.addf %add3A_770, %mul3A_771 : vector<16xf32>
      %mul3A_773 = arith.mulf %scan3A_750#11, %scan3A_750#11 : vector<16xf32>
      %add3A_774 = arith.addf %add3A_772, %mul3A_773 : vector<16xf32>
      %mul3A_775 = arith.mulf %scan3A_750#12, %scan3A_750#12 : vector<16xf32>
      %add3A_776 = arith.addf %add3A_774, %mul3A_775 : vector<16xf32>
      %mul3A_777 = arith.mulf %scan3A_750#13, %scan3A_750#13 : vector<16xf32>
      %add3A_778 = arith.addf %add3A_776, %mul3A_777 : vector<16xf32>
      %mul3A_779 = arith.mulf %scan3A_750#14, %scan3A_750#14 : vector<16xf32>
      %add3A_780 = arith.addf %add3A_778, %mul3A_779 : vector<16xf32>
      %mul3A_781 = arith.mulf %scan3A_750#15, %scan3A_750#15 : vector<16xf32>
      %add3A_782 = arith.addf %add3A_780, %mul3A_781 : vector<16xf32>
      %mul3A_783 = arith.mulf %scan3A_750#16, %scan3A_750#16 : vector<16xf32>
      %add3A_784 = arith.addf %add3A_782, %mul3A_783 : vector<16xf32>
      %mul3A_785 = arith.mulf %scan3A_750#17, %scan3A_750#17 : vector<16xf32>
      %add3A_786 = arith.addf %add3A_784, %mul3A_785 : vector<16xf32>
      %mul3A_787 = arith.mulf %scan3A_750#18, %scan3A_750#18 : vector<16xf32>
      %add3A_788 = arith.addf %add3A_786, %mul3A_787 : vector<16xf32>
      %mul3A_789 = arith.mulf %scan3A_750#19, %scan3A_750#19 : vector<16xf32>
      %add3A_790 = arith.addf %add3A_788, %mul3A_789 : vector<16xf32>
      %mul3A_791 = arith.mulf %scan3A_750#20, %scan3A_750#20 : vector<16xf32>
      %add3A_792 = arith.addf %add3A_790, %mul3A_791 : vector<16xf32>
      %mul3A_793 = arith.mulf %scan3A_750#21, %scan3A_750#21 : vector<16xf32>
      %add3A_794 = arith.addf %add3A_792, %mul3A_793 : vector<16xf32>
      %mul3A_795 = arith.mulf %scan3A_750#22, %scan3A_750#22 : vector<16xf32>
      %add3A_796 = arith.addf %add3A_794, %mul3A_795 : vector<16xf32>
      %mul3A_797 = arith.mulf %scan3A_750#23, %scan3A_750#23 : vector<16xf32>
      %add3A_798 = arith.addf %add3A_796, %mul3A_797 : vector<16xf32>
      %mul3A_799 = arith.mulf %scan3A_750#24, %scan3A_750#24 : vector<16xf32>
      %add3A_800 = arith.addf %add3A_798, %mul3A_799 : vector<16xf32>
      %mul3A_801 = arith.mulf %scan3A_750#25, %scan3A_750#25 : vector<16xf32>
      %add3A_802 = arith.addf %add3A_800, %mul3A_801 : vector<16xf32>
      %mul3A_803 = arith.mulf %scan3A_750#26, %scan3A_750#26 : vector<16xf32>
      %add3A_804 = arith.addf %add3A_802, %mul3A_803 : vector<16xf32>
      %mul3A_805 = arith.mulf %scan3A_750#27, %scan3A_750#27 : vector<16xf32>
      %add3A_806 = arith.addf %add3A_804, %mul3A_805 : vector<16xf32>
      %mul3A_807 = arith.mulf %scan3A_750#28, %scan3A_750#28 : vector<16xf32>
      %add3A_808 = arith.addf %add3A_806, %mul3A_807 : vector<16xf32>
      %mul3A_809 = arith.mulf %scan3A_750#29, %scan3A_750#29 : vector<16xf32>
      %add3A_810 = arith.addf %add3A_808, %mul3A_809 : vector<16xf32>
      %mul3A_811 = arith.mulf %scan3A_750#30, %scan3A_750#30 : vector<16xf32>
      %add3A_812 = arith.addf %add3A_810, %mul3A_811 : vector<16xf32>
      %mul3A_813 = arith.mulf %scan3A_750#31, %scan3A_750#31 : vector<16xf32>
      %add3A_814 = arith.addf %add3A_812, %mul3A_813 : vector<16xf32>
      %get3A_815 = arith.constant 0 : index
      %get3A_816 = tpu.vector_load %arg13[%get3A_815] {strides = array<i32>} : memref<16xf32, #tpu.memory_space<vmem>>, vector<16xf32>,
      %add3A_817 = arith.addf %get3A_816, %scan3A_750#33 : vector<16xf32>
      %sub3A_818 = arith.subf %add3A_814, %scan3A_750#32 : vector<16xf32>
      %mul3A_819 = arith.constant 5.000000e-01 : f32
      %mul3A_820 = vector.broadcast %mul3A_819 : f32 to vector<16xf32>
      %mul3A_821 = arith.mulf %mul3A_820, %sub3A_818 : vector<16xf32>
      %add3A_822 = arith.addf %add3A_817, %mul3A_821 : vector<16xf32>
      %neg3A_823 = arith.constant 0.000000e+00 : f32
      %neg3A_824 = vector.broadcast %neg3A_823 : f32 to vector<16xf32>
      %neg3A_825 = arith.subf %neg3A_824, %add3A_822 : vector<16xf32>
      %exp3A_826 = math.exp %neg3A_825 : vector<16xf32>
      %add3A_827 = arith.constant 1.000000e+00 : f32
      %add3A_828 = vector.broadcast %add3A_827 : f32 to vector<16xf32>
      %add3A_829 = arith.addf %add3A_828, %exp3A_826 : vector<16xf32>
      %div3A_830 = arith.constant 1.000000e+00 : f32
      %div3A_831 = vector.broadcast %div3A_830 : f32 to vector<16xf32>
      %div3A_832 = arith.divf %div3A_831, %add3A_829 : vector<16xf32>
      %mul3A_833 = arith.constant 16 : i32
      %mul3A_834 = arith.muli %add3A_742, %mul3A_833 : i32
      %swap3A_835 = arith.index_cast %mul3A_834 : i32 to index
      %swap3A_836 = tpu.vector_load %arg12[%swap3A_835] {strides = array<i32>} : memref<512xf32, #tpu.memory_space<vmem>>, vector<16xf32>,
      tpu.vector_store %arg12[%swap3A_835], %div3A_832 {strides = array<i32>} : memref<512xf32, #tpu.memory_space<vmem>>, vector<16xf32>,
    }
    %scan3A_154 = arith.constant 16 : i32
    %mul3A_155 = arith.constant 512 : i32
    %mul3A_156 = arith.muli %add3A, %mul3A_155 : i32
    "tpu.region"() ({
      %run_scoped3A_157 = tpu.sem_alloc : memref<!tpu.dma_semaphore, #tpu.memory_space<semaphore_mem>>
      %dma_start3A_158 = tpu.memref_slice %arg7[%mul3A_156] : memref<16384xf32, #tpu.memory_space<hbm>> -> memref<512xf32, #tpu.memory_space<hbm>>
      %dma_start3A_159 = tpu.memref_slice %arg7[%mul3A_156] : memref<16384xf32, #tpu.memory_space<hbm>> -> memref<512xf32, #tpu.memory_space<hbm>>
      tpu.enqueue_dma source(%arg12 : memref<512xf32, #tpu.memory_space<vmem>>) target(%dma_start3A_159 : memref<512xf32, #tpu.memory_space<hbm>>) target_semaphore(%run_scoped3A_157 : memref<!tpu.dma_semaphore, #tpu.memory_space<semaphore_mem>>)
      %dma_wait3A = tpu.memref_slice %arg7[%mul3A_156] : memref<16384xf32, #tpu.memory_space<hbm>> -> memref<512xf32, #tpu.memory_space<hbm>>
      %dma_wait3A_160 = tpu.memref_slice %arg7[%mul3A_156] : memref<16384xf32, #tpu.memory_space<hbm>> -> memref<512xf32, #tpu.memory_space<hbm>>
      tpu.wait_dma2 semaphore(%run_scoped3A_157 : memref<!tpu.dma_semaphore, #tpu.memory_space<semaphore_mem>>) src(%arg12 : memref<512xf32, #tpu.memory_space<vmem>>) dst(%dma_wait3A_160 : memref<512xf32, #tpu.memory_space<hbm>>)
      tpu.yield
    }) : () -> ()
    return
  }
}

</mosaic_0001>

<sc_bundles>
// kernel: kernel.3.cloned.1.call-start
scs
__scs_entry_jumppad:
0x0: {  	(pc) =	sbr.rel $0x88, $3  }
0x1: {  	(tag) =	ssettag $0x0;
	lr =	simm.s32 $0x1  }
0x2: {  	[smem:$0x3F9D] =	sst lr;
	_ =	strace $0xD0000000  }
0x3: {  	_ = 	snop  }
0x4: {  	_ = 	snop  }
0x5: {  	_ = 	snop  }
0x6: {  	_ = 	snop  }
0x7: {  	_ = 	snop  }
__scs_overlays_trampoline_lowered:
0x8: {  	[smem:$0x3FAC] =	sst s0  }
0x9: {  	[smem:$0x3FAD] =	sst s1  }
0xa: {  	[smem:$0x3FAE] =	sst s2  }
0xb: {  	[smem:$0x3FAF] =	sst s3  }
0xc: {  	[smem:$0x3FB0] =	sst s4  }
0xd: {  	[smem:$0x3FB1] =	sst s5  }
0xe: {  	[smem:$0x3FB2] =	sst s6  }
0xf: {  	[smem:$0x3FB3] =	sst s7  }
0x10: {  	[smem:$0x3FB4] =	sst s8  }
0x11: {  	[smem:$0x3FB5] =	sst s9;
	s0 =	simm.s32 @!p0 $0x0  }
0x12: {  	s1 =	sld [smem:$0x3F9B];
	s0 =	simm.s32 @p0 $0x1  }
0x13: {  	[smem:$0x3FB6] =	sst s0;
	s0 =	simm.s32 @!p1 $0x0  }
0x14: {  	s2 =	sld [smem:$0x3F9A];
	s0 =	simm.s32 @p1 $0x1  }
0x15: {  	[smem:$0x3FB7] =	sst s0;
	s0 =	simm.s32 @!p2 $0x0  }
0x16: {  	s3 =	sld [smem:$0x3FDB];
	s0 =	simm.s32 @p2 $0x1  }
0x17: {  	s4 =	simm.s32 $0x1BF5;
	[smem:$0x3FB9] =	sst s0  }
0x18: {  	s0 =	sld [smem:$0x3F9C];
	_ =	swait.ge [sflag:s4], $0x0  }
0x19: {  	s7 =	sld [smem:$0x3F9D]  }
0x1a: {  	s8 =	sadd.s32 $0xFFFFE003, lr  }
0x1b: {  	s9 =	sadd.s32 $0xFFFFFEF7, lr;
	s5 =	simm.s32 $0xFFFFFFFF;
	p2 =	slt.u32 s8, $0xFFFFF086  }
0x1c: {  	p1 =	slt.u32 s9, $0xF7A;
	s5 =	simm.s32 @!p2 $0x0  }
0x1d: {  	s5 =	simm.s32 @p1 $0x1;
	p0 =	seq.s32 s7, s2  }
0x1e: {  	s7 =	smul.u32 @!p0 $0xF7A, s2;
	p2 =	seq.s32 @!p0 s5, $0x0  }
0x1f: {  	s9 =	smul.u32 $0xF7A, s1;
	s8 =	simm.s32 @!p0 $0x1BF5;
	p2 =	por !p2, p0  }
0x20: {  	[sflag:s8] =	ssyncset.s32 @!p0 $0xFFFFF086;
	s6 =	sadd.s32 @!p0 s3, s7;
	s7 =	simm.s32 @!p0 $0x108  }
0x21: {  	s3 =	sadd.s32 s3, s9;
	s6 =	sadd.s32 @!p0 $0x88, s6;
	s7 =	simm.s32 @p2 $0x1082  }
0x22: {  	[simem:s7], [sflag:s8] =	dma.local @!p0 [hbm:s6], $0xF7A  }
0x23: {  	s9 =	sor.u32 $0xD0000000, s2;
	s6 =	simm.s32 $0x108;
	_ =	swait.ge @!p0 [sflag:s8], $0x0  }
0x24: {  	s3 =	sadd.s32 $0x88, s3;
	s6 =	simm.s32 @!p1 $0x1082;
	[sflag:s4] =	ssyncset.s32 $0xFFFFF086  }
0x25: {  	[simem:s6], [sflag:s4] =	dma.local [hbm:s3], $0xF7A  }
0x26: {  	[smem:$0x3F9D] =	sst s1;
	(tag) =	ssettag s2;
	_ =	strace s9  }
0x27: {  	s1 =	sld [smem:$0x3FAD]  }
0x28: {  	s2 =	sld [smem:$0x3FAE]  }
0x29: {  	s4 =	sld [smem:$0x3FB0]  }
0x2a: {  	p0 =	seq.s32 s5, $0x0;
	s5 =	sld [smem:$0x3FB1]  }
0x2b: {  	s6 =	sld [smem:$0x3FB2]  }
0x2c: {  	s7 =	sld [smem:$0x3FB3]  }
0x2d: {  	s3 =	simm.s32 $0x108;
	s8 =	sld [smem:$0x3FB4]  }
0x2e: {  	s3 =	simm.s32 @!p0 $0x1082;
	s9 =	sld [smem:$0x3FB5]  }
0x2f: {  	lr =	sadd.s32 s0, s3;
	s0 =	sld [smem:$0x3FAC]  }
0x30: {  	s3 =	sld [smem:$0x3FAF]  }
0x31: {  	[smem:$0x3FB8] =	sst s10  }
0x32: {  	s10 =	sld [smem:$0x3FB6];
	_ =	sdelay $0x3  }
0x33: {  	p0 =	seq.s32 s10, $0x1;
	s10 =	sld [smem:$0x3FB8];
	_ =	sdelay $0x3  }
0x34: {  	[smem:$0x3FB8] =	sst s10  }
0x35: {  	s10 =	sld [smem:$0x3FB7];
	_ =	sdelay $0x3  }
0x36: {  	p1 =	seq.s32 s10, $0x1;
	s10 =	sld [smem:$0x3FB8];
	_ =	sdelay $0x3  }
0x37: {  	[smem:$0x3FB8] =	sst s10  }
0x38: {  	s10 =	sld [smem:$0x3FB9]  }
0x39: {  	_ = 	snop;
	(pc) =	sbr.ind lr, $3  }
0x3a: {  	_ = 	snop  }
0x3b: {  	_ = 	snop  }
0x3c: {  	p2 =	seq.s32 s10, $0x1;
	s10 =	sld [smem:$0x3FB8]  }
0x3d: {  	_ =	shalt  }
0x3e: {  	_ =	shalt  }
0x3f: {  	_ =	shalt  }
0x40: {  	_ =	shalt  }
0x41: {  	_ =	shalt  }
0x42: {  	_ =	shalt  }
0x43: {  	_ =	shalt  }
0x44: {  	_ =	shalt  }
0x45: {  	_ =	shalt  }
0x46: {  	_ =	shalt  }
0x47: {  	_ =	shalt  }
0x48: {  	_ =	shalt  }
0x49: {  	_ =	shalt  }
0x4a: {  	_ =	shalt  }
0x4b: {  	_ =	shalt  }
0x4c: {  	_ =	shalt  }
0x4d: {  	_ =	shalt  }
0x4e: {  	_ =	shalt  }
0x4f: {  	_ =	shalt  }
0x50: {  	_ =	shalt  }
0x51: {  	_ =	shalt  }
0x52: {  	_ =	shalt  }
0x53: {  	_ =	shalt  }
0x54: {  	_ =	shalt  }
0x55: {  	_ =	shalt  }
0x56: {  	_ =	shalt  }
0x57: {  	_ =	shalt  }
0x58: {  	_ =	shalt  }
0x59: {  	_ =	shalt  }
0x5a: {  	_ =	shalt  }
0x5b: {  	_ =	shalt  }
0x5c: {  	_ =	shalt  }
0x5d: {  	_ =	shalt  }
0x5e: {  	_ =	shalt  }
0x5f: {  	_ =	shalt  }
0x60: {  	_ =	shalt  }
0x61: {  	_ =	shalt  }
0x62: {  	_ =	shalt  }
0x63: {  	_ =	shalt  }
0x64: {  	_ =	shalt  }
0x65: {  	_ =	shalt  }
0x66: {  	_ =	shalt  }
0x67: {  	_ =	shalt  }
0x68: {  	_ =	shalt  }
0x69: {  	_ =	shalt  }
0x6a: {  	_ =	shalt  }
0x6b: {  	_ =	shalt  }
0x6c: {  	_ =	shalt  }
0x6d: {  	_ =	shalt  }
0x6e: {  	_ =	shalt  }
0x6f: {  	_ =	shalt  }
0x70: {  	_ =	shalt  }
0x71: {  	_ =	shalt  }
0x72: {  	_ =	shalt  }
0x73: {  	_ =	shalt  }
0x74: {  	_ =	shalt  }
0x75: {  	_ =	shalt  }
0x76: {  	_ =	shalt  }
0x77: {  	_ =	shalt  }
0x78: {  	_ =	shalt  }
0x79: {  	_ =	shalt  }
0x7a: {  	_ =	shalt  }
0x7b: {  	_ =	shalt  }
0x7c: {  	_ =	shalt  }
0x7d: {  	_ =	shalt  }
0x7e: {  	_ =	shalt  }
0x7f: {  	_ =	shalt  }
0x80: {  	_ =	shalt  }
0x81: {  	_ =	shalt  }
0x82: {  	_ =	shalt  }
0x83: {  	_ =	shalt  }
0x84: {  	_ =	shalt  }
0x85: {  	_ =	shalt  }
0x86: {  	_ =	shalt  }
0x87: {  	_ =	shalt  }
.Lfunc_end0:
.L_simem_size_0:
called_computation_lowered:
.L_overlay_start_0:
0x88: {  	s2 =	sld [smem:$0x3FD9]  }
0x89: {  	s3 =	sld [smem:$0x3FFE];
	_ =	sdelay $0x1  }
0x8a: {  	s1 =	srdreg.scid  }
0x8b: {  	s0 =	sand.u32 $0x1, s1  }
0x8c: {  	s17 =	sshll.u32 s0, $0xA;
	s2 =	sadd.s32 s3, s2  }
0x8d: {  	s2 =	sadd.s32 s2, s17  }
0x8e: {  	[smem:$0x3FC4] =	sst s2  }
0x8f: {  	_ = 	snop  }
0x90: {  	s2 =	sld [smem:$0x3FD0];
	(tm) =	ssettm $0x1  }
0x91: {  	s18 =	sld [smem:$0x3FFB];
	_ =	sdelay $0x3  }
0x92: {  	_ =	strace s18  }
0x93: {  	s3 =	sld [smem:$0x3FFC];
	_ =	sdelay $0x3  }
0x94: {  	_ =	strace s3  }
0x95: {  	s3 =	sld [smem:$0x3FFD];
	_ =	sdelay $0x3  }
0x96: {  	_ =	strace s3  }
0x97: {  	_ =	strace $0x8FFFFFFF  }
0x98: {  	s19 =	sld [smem:$0x3FDB];
	_ =	sdelay $0x1  }
0x99: {  	s4 =	simm.s32 $_scs_section_size  }
0x9a: {  	s5 =	simm.s32 $_size__tile_overlayer_lowered;
	s6 =	simm.s32 $_tile_overlayer_lowered  }
0x9b: {  	s22 =	simm.s32 $0x1BFF;
	s21 =	sshll.u32 s6, $0x1;
	s3 =	sadd.s32 s4, s19  }
0x9c: {  	s7 =	simm.s32 $0x0;
	s20 =	sshll.u32 s5, $0x1;
	s5 =	sadd.s32 s21, s3  }
0x9d: {  	[timem:s7], [sflag:s22] =	dma.local [hbm:s5], s20  }
0x9e: {  	_ =	swait.ge [sflag:s22], s20  }
0x9f: {  	s4 =	ssub.s32 $0x0, s20;
	[sflag:s22] =	ssyncset.done $0x0  }
0xa0: {  	[sflag:s22] =	ssyncadd.s32 s4;
	_ =	sdelay $0x1  }
0xa1: {  	s23 =	simm.s32 $0x1B8B  }
0xa2: {  	_ =	swait.ge [sflag:s23], $0x1  }
0xa3: {  	[sflag:s23] =	ssyncset.done $0x0  }
0xa4: {  	s25 =	simm.s32 $0x1B8E;
	s24 =	sld [smem:$0x3FFE];
	[sflag:s23] =	ssyncadd.s32 $0xFFFFFFFF  }
0xa5: {  	s26 =	simm.s32 $execute0_lowered;
	[smem:$0x3FD2] =	sst s25  }
0xa6: {  	s5 =	sshll.u32 s26, $0x1;
	_ =	strace $0x80000046;
	[dreg:$0x1] =	wrdreg $0xFFFFFFFF  }
0xa7: {  	s28 =	simm.s32 $_size_execute0_lowered;
	s3 =	sadd.s32 s3, s5;
	[dreg:$0x0] =	wrdreg $0x0  }
0xa8: {  	s5 =	sshll.u32 s28, $0x1;
	[dreg:$0x2] =	wrdreg s3  }
0xa9: {  	[dreg:$0x3] =	wrdreg s5  }
0xaa: {  	[dreg:$0x4] =	wrdreg $0xC0  }
0xab: {  	_ =	task [dreg:s7], $0x5FFFF  }
0xac: {  	[dreg:$0x1] =	wrdreg $0xFFFFFFFF  }
0xad: {  	[dreg:$0x0] =	wrdreg $0x60  }
0xae: {  	[dreg:$0x2] =	wrdreg s24  }
0xaf: {  	[dreg:$0x3] =	wrdreg s2  }
0xb0: {  	[dreg:$0x4] =	wrdreg $0x9  }
0xb1: {  	_ =	task.clear_ibuf [dreg:s7], $0x5FFFF;
	_ =	strace $0x90000046  }
0xb2: {  	s29 =	simm.s32 $0x9;
	_ =	strace $0x80000048  }
0xb3: {  	_ =	swait.ge [sflag:s29], $0x1  }
0xb4: {  	[sflag:s29] =	ssyncadd.s32 $0xFFFFFFFF  }
0xb5: {  	_ =	strace $0x90000048  }
0xb6: {  	_ =	sfence  }
0xb7: {  	s30 =	sld [smem:$0x0];
	_ =	sdelay $0x2  }
0xb8: {  	s31 =	sshll.u32 s1, $0xD;
	s1 =	sshrl.u32 s1, $0x2  }
0xb9: {  	s3 =	sand.u32 $0x4000, s31;
	s1 =	sadd.s32 s1, s30  }
0xba: {  	s0 =	sor.u32 s3, s0;
	s1 =	sshll.u32 s1, $0x11  }
0xbb: {  	s0 =	sor.u32 s1, s0  }
0xbc: {  	s0 =	sadd.s32 $0x8F2B, s0  }
0xbd: {  	[sflag:s0] =	ssyncadd.remote.s32 $0x1  }
0xbe: {  	_ =	sfence.sel $0xFFFF  }
0xbf: {  	[dreg:$0x0] =	wrdreg $0xFFFFFFFF;
	(pc) =	sbr.abs _section_cstart, $3  }
0xc0: {  	[dreg:$0x1] =	wrdreg $0xFFFFFFFF  }
0xc1: {  	_ =	task.clear_ibuf [dreg:s7], $0x2FFFF;
	_ =	strace $0x9FFFFFFF  }
0xc2: {  	(tm) =	ssettm $0x7FFFFFFF  }
0xc3: {  	_ =	shalt  }
tec
execute0_lowered:
.L_overlay_start_1:
0x0: {  	(tag) =	ssettag $0x1  }
0x1: {  	s0 =	rddreg [dreg:$0x0]  }
0x2: {  	s1 =	rddreg [dreg:$0x1]  }
0x3: {  	s3 =	srdreg.scid;
	s2 =	stileid.u32  }
0x4: {  	s8 =	simm.s32 $0x0;
	s10 =	simm.s32 $0x5;
	s12 =	simm.s32 $0x4000  }
0x5: {  	s13 =	simm.s32 $0x68;
	s14 =	simm.s32 $0x4400;
	s15 =	simm.s32 $0x1E400  }
0x6: {  	s29 =	simm.s32 $0x4200;
	s30 =	simm.s32 $0x11400;
	s31 =	simm.s32 $0x1E600  }
0x7: {  	s11 =	simm.s32 $0x1E680;
	s16 =	simm.s32 $0x17C00;
	s17 =	simm.s32 $0x4300  }
0x8: {  	s18 =	simm.s32 $0x1E700;
	s19 =	simm.s32 $0x1B000;
	s20 =	simm.s32 $0x4380  }
0x9: {  	s21 =	simm.s32 $0x1E780;
	s22 =	simm.s32 $0x1;
	s23 =	simm.s32 $0x3  }
0xa: {  	s4 =	sand.u32 $0x1, s3;
	s24 =	sshll.u32 s2, $0x1;
	[smem:$0x7FF] =	sst s8  }
0xb: {  	s28 =	simm.s32 $0x0;
	s5 =	sor.u32 s4, s24;
	_ =	strace $0x80000047  }
0xc: {  	s7 =	ssub.s32 $0x2, s4;
	s4 =	sadd.s32 $0x20200, s0;
	s24 =	simm.s32 $0x2  }
0xd: {  	s3 =	sshll.u32 s5, $0xB;
	s25 =	sshrl.u32 s7, $0x1;
	s5 =	sshll.u32 s5, $0x6  }
0xe: {  	s6 =	sadd.s32 s3, s0;
	s3 =	sadd.s32 $0x27CC600, s0;
	s0 =	sadd.s32 $0x6F800, s0  }
0xf: {  	s1 =	sadd.s32 s1, s5;
	[dreg:$0x3] =	wrdreg s0;
	s0 =	ssub.s32 s7, s25  }
0x10: {  	s26 =	sadd.s32 $0x10200, s6;
	s7 =	sadd.s32 $0x200, s6;
	[dreg:$0x5] =	wrdreg s1  }
0x11: {  	v0 =	vlaneseq.u32;
	s1 =	simm.s32 $0x4280;
	[dreg:$0x4] =	wrdreg s26;
	s0 =	smax.u32 s0, $0x1  }
0x12: {  	v0 =	vmul.u32 $0x1A, v0;
	s25 =	simm.s32 $0x4;
	[dreg:$0x6] =	wrdreg s0;
	s0 =	simm.s32 $0x14800  }
.LBB2_1:
0x13: {  	s2 =	rddreg [dreg:$0x4]  }
0x14: {  	[tilespmem:s8], [sflag:$0x5] =	stream.linear.gather [hbm4b:s2+s8], $0x4000, $0x38;
	[tilespmem:$0x1EA80] =	vst v63  }
0x15: {  	_ =	swait.ge [sflag:s10], $0x4000  }
0x16: {  	[sflag:s10] =	ssyncset.done $0x0  }
0x17: {  	s5 =	simm.s32 $0x1EA00;
	s26 =	rddreg [dreg:$0x3];
	[sflag:s10] =	ssyncadd.s32 $0xFFFFC000  }
0x18: {  	[tilespmem:s5], [sflag:$0x5] =	stream.linear.gather [hbm4b:s26+s8], $0x80, $0x38;
	[tilespmem:$0x1EA80] =	vst v63  }
0x19: {  	_ =	swait.ge [sflag:s10], $0x80  }
0x1a: {  	[sflag:s10] =	ssyncset.done $0x0  }
0x1b: {  	[sflag:s10] =	ssyncadd.s32 $0xFFFFFF80  }
0x1c: {  	[tilespmem:s12], [sflag:$0x5] =	stream.linear.gather [hbm4b:s7+s8], $0x200, $0x38;
	[tilespmem:$0x1EA80] =	vst v63  }
0x1d: {  	_ =	swait.ge [sflag:s10], $0x200  }
0x1e: {  	[sflag:s10] =	ssyncset.done $0x0  }
0x1f: {  	[sflag:s10] =	ssyncadd.s32 $0xFFFFFE00  }
0x20: {  	[tilespmem:s14], [sflag:$0x1] =	stream.indirect.gather [hbm4b:s3+s13], $0x80, s8, s13, $0xb8;
	[tilespmem:$0x1EA80] =	vst v63  }
0x21: {  	_ = 	snop  }
0x22: {  	[tilespmem:s15], [sflag:$0x3] =	stream.indirect.gather [hbm4b:s4+s13], $0x1, s12, s13, $0xb8;
	[tilespmem:$0x1EA80] =	vst v63  }
0x23: {  	s6 =	simm.s32 $0x80;
	s8 =	simm.s32 $0x7800  }
0x24: {  	[tilespmem:s8], [sflag:$0x1] =	stream.indirect.gather [hbm4b:s3+s13], $0x80, s6, s13, $0xb8;
	[tilespmem:$0x1EA80] =	vst v63  }
0x25: {  	s9 =	simm.s32 $0x4080;
	s26 =	simm.s32 $0x1E480  }
0x26: {  	[tilespmem:s26], [sflag:$0x3] =	stream.indirect.gather [hbm4b:s4+s13], $0x1, s9, s13, $0xb8;
	[tilespmem:$0x1EA80] =	vst v63  }
0x27: {  	s6 =	simm.s32 $0x100;
	s8 =	simm.s32 $0xAC00  }
0x28: {  	[tilespmem:s8], [sflag:$0x1] =	stream.indirect.gather [hbm4b:s3+s13], $0x80, s6, s13, $0xb8;
	[tilespmem:$0x1EA80] =	vst v63  }
0x29: {  	s9 =	simm.s32 $0x4100;
	s26 =	simm.s32 $0x1E500  }
0x2a: {  	[tilespmem:s26], [sflag:$0x3] =	stream.indirect.gather [hbm4b:s4+s13], $0x1, s9, s13, $0xb8;
	[tilespmem:$0x1EA80] =	vst v63  }
0x2b: {  	s6 =	simm.s32 $0x180;
	s8 =	simm.s32 $0xE000  }
0x2c: {  	[tilespmem:s8], [sflag:$0x1] =	stream.indirect.gather [hbm4b:s3+s13], $0x80, s6, s13, $0xb8;
	[tilespmem:$0x1EA80] =	vst v63  }
0x2d: {  	s9 =	simm.s32 $0x4180;
	s26 =	simm.s32 $0x1E580  }
0x2e: {  	[tilespmem:s26], [sflag:$0x3] =	stream.indirect.gather [hbm4b:s4+s13], $0x1, s9, s13, $0xb8;
	[tilespmem:$0x1EA80] =	vst v63  }
0x2f: {  	s26 =	simm.s32 $0x0  }
.LBB2_2:
0x30: {  	s6 =	sshllo.u32 s26, $0x1  }
0x31: {  	s5 =	sshll.u32 s6, $0x6  }
0x32: {  	s9 =	simm.s32 $0x0;
	s8 =	sadd.s32 s5, s7  }
0x33: {  	[tilespmem:s29], [sflag:$0x5] =	stream.linear.gather [hbm4b:s8+s9], $0x200, $0x38;
	[tilespmem:$0x1EA80] =	vst v63  }
0x34: {  	_ =	swait.ge [sflag:s10], $0x200  }
0x35: {  	s6 =	sshll.u32 s6, $0x9;
	[sflag:s10] =	ssyncset.done $0x0  }
0x36: {  	s6 =	sand.u32 $0x3FFFFE00, s6;
	[sflag:s10] =	ssyncadd.s32 $0xFFFFFE00  }
0x37: {  	[tilespmem:s30], [sflag:$0x2] =	stream.indirect.gather [hbm4b:s3+s13], $0x80, s6, s13, $0xb8;
	[tilespmem:$0x1EA80] =	vst v63  }
0x38: {  	_ = 	snop  }
0x39: {  	[tilespmem:s31], [sflag:$0x4] =	stream.indirect.gather [hbm4b:s4+s13], $0x1, s29, s13, $0xb8;
	[tilespmem:$0x1EA80] =	vst v63  }
0x3a: {  	s2 =	sor.u32 $0x80, s6  }
0x3b: {  	[tilespmem:s0], [sflag:$0x2] =	stream.indirect.gather [hbm4b:s3+s13], $0x80, s2, s13, $0xb8;
	[tilespmem:$0x1EA80] =	vst v63  }
0x3c: {  	_ = 	snop  }
0x3d: {  	[tilespmem:s11], [sflag:$0x4] =	stream.indirect.gather [hbm4b:s4+s13], $0x1, s1, s13, $0xb8;
	[tilespmem:$0x1EA80] =	vst v63  }
0x3e: {  	s2 =	sor.u32 $0x100, s6  }
0x3f: {  	[tilespmem:s16], [sflag:$0x2] =	stream.indirect.gather [hbm4b:s3+s13], $0x80, s2, s13, $0xb8;
	[tilespmem:$0x1EA80] =	vst v63  }
0x40: {  	_ = 	snop  }
0x41: {  	[tilespmem:s18], [sflag:$0x4] =	stream.indirect.gather [hbm4b:s4+s13], $0x1, s17, s13, $0xb8;
	[tilespmem:$0x1EA80] =	vst v63  }
0x42: {  	s6 =	sor.u32 $0x180, s6  }
0x43: {  	[tilespmem:s19], [sflag:$0x2] =	stream.indirect.gather [hbm4b:s3+s13], $0x80, s6, s13, $0xb8;
	[tilespmem:$0x1EA80] =	vst v63  }
0x44: {  	_ = 	snop  }
0x45: {  	[tilespmem:s21], [sflag:$0x4] =	stream.indirect.gather [hbm4b:s4+s13], $0x1, s20, s13, $0xb8;
	[tilespmem:$0x1EA80] =	vst v63  }
0x46: {  	_ =	swait.ge [sflag:s22], $0x3400  }
0x47: {  	[sflag:s22] =	ssyncset.done $0x0  }
0x48: {  	[sflag:s22] =	ssyncadd.s32 $0xFFFFCC00  }
0x49: {  	_ =	swait.ge [sflag:s23], $0x68  }
0x4a: {  	[sflag:s23] =	ssyncset.done $0x0  }
0x4b: {  	[sflag:s23] =	ssyncadd.s32 $0xFFFFFF98  }
0x4c: {  	_ =	swait.ge [sflag:s22], $0x3400  }
0x4d: {  	[sflag:s22] =	ssyncset.done $0x0  }
0x4e: {  	[sflag:s22] =	ssyncadd.s32 $0xFFFFCC00  }
0x4f: {  	_ =	swait.ge [sflag:s23], $0x68  }
0x50: {  	[sflag:s23] =	ssyncset.done $0x0  }
0x51: {  	[sflag:s23] =	ssyncadd.s32 $0xFFFFFF98  }
0x52: {  	v1 =	vadd.s32 s9, v0;
	_ =	swait.ge [sflag:s22], $0x3400  }
0x53: {  	v2 =	vmulhi.u32 $0x4EC4EC4F, v1;
	[sflag:s22] =	ssyncset.done $0x0  }
0x54: {  	[sflag:s22] =	ssyncadd.s32 $0xFFFFCC00  }
0x55: {  	v2 =	vshrl.u32 v2, $0x5;
	_ =	swait.ge [sflag:s23], $0x68  }
0x56: {  	v3 =	vmul.u32 $0xFFFFFF98, v2;
	[sflag:s23] =	ssyncset.done $0x0  }
0x57: {  	[sflag:s23] =	ssyncadd.s32 $0xFFFFFF98  }
0x58: {  	v2 =	vshll.u32 v2, $0x7;
	v3 =	vadd.s32 v1, v3;
	_ =	swait.ge [sflag:s22], $0x3400  }
0x59: {  	v2 =	vor.u32 v3, v2;
	[sflag:s22] =	ssyncset.done $0x0  }
0x5a: {  	[sflag:s22] =	ssyncadd.s32 $0xFFFFCC00  }
0x5b: {  	_ =	swait.ge [sflag:s23], $0x68  }
0x5c: {  	[sflag:s23] =	ssyncset.done $0x0  }
0x5d: {  	[sflag:s23] =	ssyncadd.s32 $0xFFFFFF98  }
0x5e: {  	v3 =	vld.idx.msk [tilespmem:v2+s12+$0x0], $0xffff;
	_ =	sdelay $0x4  }
0x5f: {  	v3 =	vshll.u32 v3, $0x5  }
0x60: {  	v1 =	vshll.u32 v1, $0x7;
	v3 =	vand.u32 $0x60, v3  }
0x61: {  	v21 =	vor.u32 v1, v3;
	_ =	sdelay $0x1  }
0x62: {  	v1 =	vor.u32 $0x1, v21;
	_ =	sdelay $0x1  }
0x63: {  	v3 =	vor.u32 $0x2, v21  }
0x64: {  	v4 =	vld.idx.msk [tilespmem:v21+s14+$0x0], $0xffff  }
0x65: {  	v5 =	vor.u32 $0x3, v21  }
0x66: {  	v6 =	vld.idx.msk [tilespmem:v1+s14+$0x0], $0xffff  }
0x67: {  	v1 =	vor.u32 $0x4, v21  }
0x68: {  	v3 =	vld.idx.msk [tilespmem:v3+s14+$0x0], $0xffff  }
0x69: {  	v7 =	vor.u32 $0x5, v21;
	v8 =	vmul.f32 v4, v4  }
0x6a: {  	v18 =	vimm.f32 $0.0e+00;
	v5 =	vld.idx.msk [tilespmem:v5+s14+$0x0], $0xffff  }
0x6b: {  	v9 =	vor.u32 $0x6, v21;
	v10 =	vmul.f32 v6, v6;
	v8 =	vadd.f32 v8, v18  }
0x6c: {  	v11 =	vld.idx.msk [tilespmem:v1+s14+$0x0], $0xffff  }
0x6d: {  	v1 =	vor.u32 $0x7, v21;
	v8 =	vadd.f32 v10, v8;
	v10 =	vmul.f32 v3, v3  }
0x6e: {  	v7 =	vld.idx.msk [tilespmem:v7+s14+$0x0], $0xffff  }
0x6f: {  	v12 =	vor.u32 $0x8, v21;
	v8 =	vadd.f32 v10, v8;
	v10 =	vmul.f32 v5, v5  }
0x70: {  	v9 =	vld.idx.msk [tilespmem:v9+s14+$0x0], $0xffff  }
0x71: {  	v13 =	vor.u32 $0x9, v21;
	v8 =	vadd.f32 v10, v8;
	v10 =	vmul.f32 v11, v11  }
0x72: {  	v14 =	vld.idx.msk [tilespmem:v1+s14+$0x0], $0xffff  }
0x73: {  	v1 =	vor.u32 $0xA, v21;
	v8 =	vadd.f32 v10, v8;
	v10 =	vmul.f32 v7, v7  }
0x74: {  	v34 =	vimm.f32 $0.0e+00;
	v12 =	vld.idx.msk [tilespmem:v12+s14+$0x0], $0xffff  }
0x75: {  	v15 =	vor.u32 $0xB, v21;
	v8 =	vadd.f32 v10, v8;
	v10 =	vmul.f32 v9, v9  }
0x76: {  	v33 =	vimm.f32 $0.0e+00;
	v31 =	vimm.f32 $0.0e+00;
	v32 =	vimm.f32 $0.0e+00;
	v13 =	vld.idx.msk [tilespmem:v13+s14+$0x0], $0xffff  }
0x77: {  	v2 =	vld.idx.msk [tilespmem:v2+s15+$0x0], $0xffff;
	v16 =	vor.u32 $0xC, v21;
	v8 =	vadd.f32 v10, v8;
	v10 =	vmul.f32 v14, v14  }
0x78: {  	v29 =	vimm.f32 $0.0e+00;
	v30 =	vimm.f32 $0.0e+00;
	v27 =	vimm.f32 $0.0e+00;
	v25 =	vld.idx.msk [tilespmem:v1+s14+$0x0], $0xffff  }
0x79: {  	v17 =	vor.u32 $0xD, v21;
	v1 =	vadd.f32 v10, v8;
	v8 =	vmul.f32 v12, v12  }
0x7a: {  	v26 =	vor.u32 $0xF, v21;
	v24 =	vadd.f32 v4, v18;
	v10 =	vld.idx.msk [tilespmem:v15+s14+$0x0], $0xffff;
	v15 =	vor.u32 $0xE, v21  }
0x7b: {  	v19 =	vmul.f32 v13, v13;
	v23 =	vadd.f32 v6, v18;
	v8 =	vadd.f32 v8, v1  }
0x7c: {  	v20 =	vadd.f32 v5, v18;
	v5 =	vor.u32 $0x10, v21;
	v1 =	vadd.f32 v2, v18;
	v2 =	vld.idx.msk [tilespmem:v16+s14+$0x0], $0xffff  }
0x7d: {  	v22 =	vadd.f32 v3, v18;
	v16 =	vmul.f32 v25, v25;
	v8 =	vadd.f32 v19, v8  }
0x7e: {  	v28 =	vimm.f32 $0.0e+00;
	v4 =	vld.idx.msk [tilespmem:v17+s14+$0x0], $0xffff;
	v17 =	vadd.f32 v7, v18;
	v19 =	vadd.f32 v11, v18  }
0x7f: {  	s9 =	simm.s32 $0x1;
	v6 =	vmul.f32 v10, v10;
	v3 =	vadd.f32 v16, v8;
	v8 =	vld.idx.msk [tilespmem:v15+s14+$0x0], $0xffff;
	v15 =	vadd.f32 v14, v18  }
0x80: {  	v37 =	vadd.s32 s9, v0;
	v14 =	vadd.f32 v12, v18;
	v12 =	vadd.f32 v25, v18  }
0x81: {  	v5 =	vld.idx.msk [tilespmem:v5+s14+$0x0], $0xffff;
	v25 =	vor.u32 $0x11, v21;
	v3 =	vadd.f32 v6, v3;
	v6 =	vmul.f32 v2, v2  }
0x82: {  	v42 =	vor.u32 $0x13, v21;
	v7 =	vld.idx.msk [tilespmem:v26+s14+$0x0], $0xffff;
	v11 =	vadd.f32 v10, v18;
	v10 =	vadd.f32 v2, v18  }
0x83: {  	v2 =	vor.u32 $0x12, v21;
	v3 =	vadd.f32 v6, v3;
	v6 =	vmul.f32 v4, v4  }
0x84: {  	v38 =	vor.u32 $0x14, v21;
	v35 =	vor.u32 $0x15, v21;
	v36 =	vor.u32 $0x16, v21  }
0x85: {  	v13 =	vadd.f32 v13, v18;
	v3 =	vadd.f32 v6, v3;
	v6 =	vmul.f32 v8, v8  }
0x86: {  	v26 =	vimm.f32 $0.0e+00;
	v43 =	vmul.f32 v5, v5;
	v16 =	vadd.f32 v9, v18;
	v39 =	vld.idx.msk [tilespmem:v25+s14+$0x0], $0xffff  }
0x87: {  	v9 =	vadd.f32 v4, v18;
	v4 =	vmul.f32 v7, v7;
	v3 =	vadd.f32 v6, v3  }
0x88: {  	v7 =	vadd.f32 v7, v18;
	v25 =	vimm.f32 $0.0e+00;
	v8 =	vadd.f32 v8, v18;
	v41 =	vld.idx.msk [tilespmem:v2+s14+$0x0], $0xffff  }
0x89: {  	v2 =	vimm.f32 $0.0e+00;
	v6 =	vadd.f32 v5, v18;
	v40 =	vadd.f32 v4, v3  }
0x8a: {  	s6 =	simm.s32 $0x2;
	v42 =	vld.idx.msk [tilespmem:v42+s14+$0x0], $0xffff;
	v5 =	vimm.f32 $0.0e+00;
	v4 =	vimm.f32 $0.0e+00;
	v3 =	vimm.f32 $0.0e+00  }
.LBB2_3:
0x8b: {  	p0 =	sne.s32 s6, $0x19;
	v44 =	vmulhi.u32 $0x4EC4EC4F, v37;
	v40 =	vadd.f32 v43, v40;
	v43 =	vmul.f32 v39, v39;
	v38 =	vld.idx.msk [tilespmem:v38+s14+$0x0], $0xffff  }
0x8c: {  	v18 =	vadd.f32 v39, v18;
	v39 =	vor.u32 $0x17, v21  }
0x8d: {  	v44 =	vshrl.u32 v44, $0x5;
	v40 =	vadd.f32 v43, v40;
	v43 =	vmul.f32 v41, v41;
	v35 =	vld.idx.msk [tilespmem:v35+s14+$0x0], $0xffff  }
0x8e: {  	v34 =	vadd.f32 v41, v34;
	v41 =	vor.u32 $0x18, v21;
	v45 =	vmul.u32 $0xFFFFFF98, v44  }
0x8f: {  	v33 =	vadd.f32 v42, v33;
	v42 =	vmul.f32 v42, v42;
	v40 =	vadd.f32 v43, v40;
	v36 =	vld.idx.msk [tilespmem:v36+s14+$0x0], $0xffff  }
0x90: {  	v44 =	vshll.u32 v44, $0x7;
	v43 =	vadd.s32 v37, v45;
	v45 =	vor.u32 $0x19, v21  }
0x91: {  	v43 =	vor.u32 v43, v44;
	v40 =	vadd.f32 v42, v40;
	v42 =	vmul.f32 v38, v38;
	v39 =	vld.idx.msk [tilespmem:v39+s14+$0x0], $0xffff  }
0x92: {  	v31 =	vadd.f32 v38, v31;
	v38 =	vor.u32 $0x1A, v21  }
0x93: {  	v32 =	vadd.f32 v35, v32;
	v35 =	vmul.f32 v35, v35;
	v40 =	vadd.f32 v42, v40;
	v41 =	vld.idx.msk [tilespmem:v41+s14+$0x0], $0xffff  }
0x94: {  	v42 =	vor.u32 $0x1B, v21  }
0x95: {  	v29 =	vadd.f32 v36, v29;
	v36 =	vmul.f32 v36, v36;
	v35 =	vadd.f32 v35, v40;
	v40 =	vld.idx.msk [tilespmem:v45+s14+$0x0], $0xffff  }
0x96: {  	v45 =	vor.u32 $0x1C, v21;
	v44 =	vld.idx.msk [tilespmem:v43+s12+$0x0], $0xffff  }
0x97: {  	v30 =	vadd.f32 v39, v30;
	v35 =	vadd.f32 v36, v35;
	v36 =	vmul.f32 v39, v39;
	v38 =	vld.idx.msk [tilespmem:v38+s14+$0x0], $0xffff  }
0x98: {  	v39 =	vld.idx.msk [tilespmem:v43+s15+$0x0], $0xffff;
	v43 =	vor.u32 $0x1D, v21  }
0x99: {  	v27 =	vadd.f32 v41, v27;
	v35 =	vadd.f32 v36, v35;
	v36 =	vmul.f32 v41, v41;
	v41 =	vld.idx.msk [tilespmem:v42+s14+$0x0], $0xffff  }
0x9a: {  	v42 =	vor.u32 $0x1E, v21  }
0x9b: {  	v28 =	vadd.f32 v40, v28;
	v35 =	vadd.f32 v36, v35;
	v36 =	vmul.f32 v40, v40;
	v40 =	vld.idx.msk [tilespmem:v45+s14+$0x0], $0xffff  }
0x9c: {  	v37 =	vshll.u32 v37, $0x7;
	v44 =	vshll.u32 v44, $0x5;
	v45 =	vor.u32 $0x1F, v21  }
0x9d: {  	v21 =	vand.u32 $0x60, v44;
	v35 =	vadd.f32 v36, v35;
	v36 =	vmul.f32 v38, v38;
	v43 =	vld.idx.msk [tilespmem:v43+s14+$0x0], $0xffff  }
0x9e: {  	v26 =	vadd.f32 v38, v26;
	v1 =	vadd.f32 v39, v1;
	v21 =	vor.u32 v37, v21  }
0x9f: {  	v25 =	vadd.f32 v41, v25;
	v35 =	vadd.f32 v36, v35;
	v36 =	vmul.f32 v41, v41;
	v37 =	vld.idx.msk [tilespmem:v42+s14+$0x0], $0xffff  }
0xa0: {  	v38 =	vor.u32 $0x1, v21  }
0xa1: {  	v5 =	vadd.f32 v40, v5;
	v35 =	vadd.f32 v36, v35;
	v36 =	vmul.f32 v40, v40;
	v39 =	vld.idx.msk [tilespmem:v45+s14+$0x0], $0xffff  }
0xa2: {  	v40 =	vor.u32 $0x2, v21  }
0xa3: {  	v4 =	vadd.f32 v43, v4;
	v41 =	vld.idx.msk [tilespmem:v21+s14+$0x0], $0xffff;
	v35 =	vadd.f32 v36, v35;
	v36 =	vmul.f32 v43, v43  }
0xa4: {  	v42 =	vor.u32 $0x3, v21  }
0xa5: {  	v3 =	vadd.f32 v37, v3;
	v38 =	vld.idx.msk [tilespmem:v38+s14+$0x0], $0xffff;
	v35 =	vadd.f32 v36, v35;
	v36 =	vmul.f32 v37, v37  }
0xa6: {  	v37 =	vor.u32 $0x4, v21  }
0xa7: {  	v2 =	vadd.f32 v39, v2;
	v40 =	vld.idx.msk [tilespmem:v40+s14+$0x0], $0xffff;
	v35 =	vadd.f32 v36, v35;
	v36 =	vmul.f32 v39, v39  }
0xa8: {  	v39 =	vor.u32 $0x5, v21  }
0xa9: {  	v24 =	vadd.f32 v41, v24;
	v41 =	vmul.f32 v41, v41;
	v42 =	vld.idx.msk [tilespmem:v42+s14+$0x0], $0xffff;
	v35 =	vadd.f32 v36, v35  }
0xaa: {  	v36 =	vor.u32 $0x6, v21  }
0xab: {  	v23 =	vadd.f32 v38, v23;
	v38 =	vmul.f32 v38, v38;
	v35 =	vadd.f32 v41, v35;
	v37 =	vld.idx.msk [tilespmem:v37+s14+$0x0], $0xffff  }
0xac: {  	v41 =	vor.u32 $0x7, v21  }
0xad: {  	v22 =	vadd.f32 v40, v22;
	v35 =	vadd.f32 v38, v35;
	v38 =	vmul.f32 v40, v40;
	v39 =	vld.idx.msk [tilespmem:v39+s14+$0x0], $0xffff  }
0xae: {  	v40 =	vor.u32 $0x8, v21  }
0xaf: {  	v20 =	vadd.f32 v42, v20;
	v35 =	vadd.f32 v38, v35;
	v38 =	vmul.f32 v42, v42;
	v36 =	vld.idx.msk [tilespmem:v36+s14+$0x0], $0xffff  }
0xb0: {  	v42 =	vor.u32 $0x9, v21  }
0xb1: {  	v19 =	vadd.f32 v37, v19;
	v37 =	vmul.f32 v37, v37;
	v35 =	vadd.f32 v38, v35;
	v38 =	vld.idx.msk [tilespmem:v41+s14+$0x0], $0xffff  }
0xb2: {  	v41 =	vor.u32 $0xA, v21  }
0xb3: {  	v17 =	vadd.f32 v39, v17;
	v35 =	vadd.f32 v37, v35;
	v37 =	vmul.f32 v39, v39;
	v39 =	vld.idx.msk [tilespmem:v40+s14+$0x0], $0xffff  }
0xb4: {  	v40 =	vor.u32 $0xB, v21  }
0xb5: {  	v16 =	vadd.f32 v36, v16;
	v36 =	vmul.f32 v36, v36;
	v35 =	vadd.f32 v37, v35;
	v37 =	vld.idx.msk [tilespmem:v42+s14+$0x0], $0xffff  }
0xb6: {  	v42 =	vor.u32 $0xC, v21  }
0xb7: {  	v15 =	vadd.f32 v38, v15;
	v35 =	vadd.f32 v36, v35;
	v36 =	vmul.f32 v38, v38;
	v38 =	vld.idx.msk [tilespmem:v41+s14+$0x0], $0xffff  }
0xb8: {  	v41 =	vor.u32 $0xD, v21  }
0xb9: {  	v14 =	vadd.f32 v39, v14;
	v35 =	vadd.f32 v36, v35;
	v36 =	vmul.f32 v39, v39;
	v39 =	vld.idx.msk [tilespmem:v40+s14+$0x0], $0xffff  }
0xba: {  	v40 =	vor.u32 $0xE, v21  }
0xbb: {  	v13 =	vadd.f32 v37, v13;
	v35 =	vadd.f32 v36, v35;
	v36 =	vmul.f32 v37, v37;
	v37 =	vld.idx.msk [tilespmem:v42+s14+$0x0], $0xffff  }
0xbc: {  	v42 =	vor.u32 $0xF, v21  }
0xbd: {  	v12 =	vadd.f32 v38, v12;
	v35 =	vadd.f32 v36, v35;
	v36 =	vmul.f32 v38, v38;
	v38 =	vld.idx.msk [tilespmem:v41+s14+$0x0], $0xffff  }
0xbe: {  	v41 =	vor.u32 $0x10, v21  }
0xbf: {  	v11 =	vadd.f32 v39, v11;
	v35 =	vadd.f32 v36, v35;
	v36 =	vmul.f32 v39, v39;
	v39 =	vld.idx.msk [tilespmem:v40+s14+$0x0], $0xffff  }
0xc0: {  	v40 =	vor.u32 $0x11, v21  }
0xc1: {  	v10 =	vadd.f32 v37, v10;
	v35 =	vadd.f32 v36, v35;
	v36 =	vmul.f32 v37, v37;
	v37 =	vld.idx.msk [tilespmem:v42+s14+$0x0], $0xffff  }
0xc2: {  	v42 =	vor.u32 $0x12, v21  }
0xc3: {  	v9 =	vadd.f32 v38, v9;
	v35 =	vadd.f32 v36, v35;
	v36 =	vmul.f32 v38, v38;
	v43 =	vld.idx.msk [tilespmem:v41+s14+$0x0], $0xffff  }
0xc4: {  	v44 =	vor.u32 $0x13, v21  }
0xc5: {  	v8 =	vadd.f32 v39, v8;
	v35 =	vadd.f32 v36, v35;
	v36 =	vmul.f32 v39, v39;
	v39 =	vld.idx.msk [tilespmem:v40+s14+$0x0], $0xffff  }
.Ltmp0:
0xc6: {  	v38 =	vor.u32 $0x14, v21;
	(pc) =	sbr.rel @p0 .LBB2_3-.Ltmp0, $4  }
0xc7: {  	v7 =	vadd.f32 v37, v7;
	v37 =	vmul.f32 v37, v37;
	v36 =	vadd.f32 v36, v35;
	v41 =	vld.idx.msk [tilespmem:v42+s14+$0x0], $0xffff  }
0xc8: {  	v35 =	vor.u32 $0x15, v21  }
0xc9: {  	v6 =	vadd.f32 v43, v6;
	v43 =	vmul.f32 v43, v43;
	v40 =	vadd.f32 v37, v36;
	v42 =	vld.idx.msk [tilespmem:v44+s14+$0x0], $0xffff  }
0xca: {  	v37 =	vadd.s32 s6, v0;
	s6 =	sadd.s32 $0x1, s6;
	v36 =	vor.u32 $0x16, v21  }
0xcb: {  	_ =	sdelay $0x2  }
0xcc: {  	v44 =	vmulhi.u32 $0x4EC4EC4F, v37;
	v40 =	vadd.f32 v43, v40;
	v52 =	vmul.f32 v39, v39  }
0xcd: {  	v45 =	vld.idx.msk [tilespmem:v38+s14+$0x0], $0xffff;
	v53 =	vor.u32 $0x17, v21  }
0xce: {  	v54 =	vmul.f32 v41, v41;
	v44 =	vshrl.u32 v44, $0x5;
	v40 =	vadd.f32 v52, v40  }
0xcf: {  	v46 =	vld.idx.msk [tilespmem:v35+s14+$0x0], $0xffff;
	v55 =	vmul.u32 $0xFFFFFF98, v44  }
0xd0: {  	v47 =	vor.u32 $0x18, v21;
	v56 =	vmul.f32 v42, v42;
	v40 =	vadd.f32 v54, v40  }
0xd1: {  	v48 =	vld.idx.msk [tilespmem:v36+s14+$0x0], $0xffff;
	v58 =	vor.u32 $0x19, v21;
	v57 =	vshll.u32 v44, $0x7;
	v35 =	vadd.s32 v37, v55  }
0xd2: {  	v59 =	vmul.f32 v45, v45;
	v40 =	vadd.f32 v56, v40;
	v35 =	vor.u32 v35, v57  }
0xd3: {  	v49 =	vld.idx.msk [tilespmem:v53+s14+$0x0], $0xffff  }
0xd4: {  	v60 =	vor.u32 $0x1A, v21;
	v62 =	vmul.f32 v46, v46;
	v61 =	vadd.f32 v59, v40  }
0xd5: {  	v43 =	vld.idx.msk [tilespmem:v47+s14+$0x0], $0xffff  }
0xd6: {  	v63 =	vor.u32 $0x1B, v21;
	v55 =	vmul.f32 v48, v48;
	v44 =	vld.idx.msk [tilespmem:v58+s14+$0x0], $0xffff;
	v38 =	vadd.f32 v62, v61  }
0xd7: {  	v50 =	vld.idx.msk [tilespmem:v35+s12+$0x0], $0xffff  }
0xd8: {  	v51 =	vor.u32 $0x1C, v21;
	v56 =	vmul.f32 v49, v49;
	v38 =	vadd.f32 v55, v38  }
0xd9: {  	v52 =	vld.idx.msk [tilespmem:v60+s14+$0x0], $0xffff  }
0xda: {  	v53 =	vor.u32 $0x1D, v21;
	v58 =	vmul.f32 v43, v43;
	v57 =	vadd.f32 v56, v38  }
0xdb: {  	v47 =	vld.idx.msk [tilespmem:v63+s14+$0x0], $0xffff;
	v60 =	vor.u32 $0x1F, v21;
	v59 =	vor.u32 $0x1E, v21  }
0xdc: {  	v54 =	vmul.f32 v44, v44;
	v38 =	vadd.f32 v58, v57;
	v50 =	vshll.u32 v50, $0x5  }
0xdd: {  	v36 =	vld.idx.msk [tilespmem:v51+s14+$0x0], $0xffff;
	v62 =	vshll.u32 v37, $0x7;
	v50 =	vand.u32 $0x60, v50  }
0xde: {  	v61 =	vmul.f32 v52, v52;
	v21 =	vadd.f32 v54, v38;
	v38 =	vor.u32 v62, v50  }
0xdf: {  	v37 =	vld.idx.msk [tilespmem:v53+s14+$0x0], $0xffff;
	v58 =	vor.u32 $0x1, v38  }
0xe0: {  	v40 =	vadd.f32 v39, v18;
	v18 =	vld.idx.msk [tilespmem:v60+s14+$0x0], $0xffff;
	v57 =	vmul.f32 v47, v47;
	v63 =	vadd.f32 v61, v21  }
0xe1: {  	v60 =	vor.u32 $0x2, v38;
	v21 =	vld.idx.msk [tilespmem:v59+s14+$0x0], $0xffff  }
0xe2: {  	v59 =	vmul.f32 v36, v36;
	v50 =	vadd.f32 v57, v63  }
0xe3: {  	v55 =	vor.u32 $0x3, v38;
	v63 =	vld.idx.msk [tilespmem:v38+s14+$0x0], $0xffff  }
0xe4: {  	v39 =	vadd.f32 v41, v34;
	v62 =	vmul.f32 v37, v37;
	v61 =	vadd.f32 v59, v50;
	v56 =	vld.idx.msk [tilespmem:v58+s14+$0x0], $0xffff  }
0xe5: {  	v34 =	vadd.f32 v42, v33;
	v33 =	vadd.f32 v45, v31;
	v58 =	vor.u32 $0x4, v38  }
0xe6: {  	v31 =	vadd.f32 v48, v29;
	v41 =	vld.idx.msk [tilespmem:v60+s14+$0x0], $0xffff;
	v57 =	vmul.f32 v21, v21;
	v42 =	vadd.f32 v62, v61  }
0xe7: {  	v29 =	vadd.f32 v43, v27;
	v27 =	vadd.f32 v44, v28;
	v28 =	vor.u32 $0x5, v38  }
0xe8: {  	v59 =	vmul.f32 v18, v18;
	v61 =	vld.idx.msk [tilespmem:v55+s14+$0x0], $0xffff;
	v62 =	vor.u32 $0x6, v38;
	v42 =	vadd.f32 v57, v42  }
0xe9: {  	v55 =	vor.u32 $0x7, v38;
	v24 =	vadd.f32 v63, v24;
	v23 =	vadd.f32 v56, v23  }
0xea: {  	v60 =	vmul.f32 v63, v63;
	v63 =	vmul.f32 v56, v56;
	v53 =	vld.idx.msk [tilespmem:v58+s14+$0x0], $0xffff;
	v42 =	vadd.f32 v59, v42  }
0xeb: {  	v54 =	vadd.f32 v41, v22;
	v24 =	vmul.f32 v24, v24;
	v23 =	vmul.f32 v23, v23  }
0xec: {  	v28 =	vld.idx.msk [tilespmem:v28+s14+$0x0], $0xffff;
	v22 =	vadd.f32 v52, v26;
	v41 =	vmul.f32 v41, v41;
	v42 =	vadd.f32 v60, v42  }
0xed: {  	v56 =	vmul.f32 v54, v54;
	v20 =	vadd.f32 v61, v20;
	v43 =	vld.idx.msk [tilespmem:v62+s14+$0x0], $0xffff;
	v24 =	vadd.f32 v23, v24  }
0xee: {  	v23 =	vadd.f32 v47, v25;
	v25 =	vor.u32 $0x8, v38;
	v26 =	vadd.f32 v63, v42  }
0xef: {  	v20 =	vmul.f32 v20, v20;
	v19 =	vadd.f32 v53, v19;
	v24 =	vadd.f32 v56, v24  }
0xf0: {  	v58 =	vor.u32 $0x9, v38;
	v57 =	vmul.f32 v61, v61;
	v42 =	vld.idx.msk [tilespmem:v55+s14+$0x0], $0xffff;
	v26 =	vadd.f32 v41, v26  }
0xf1: {  	v17 =	vadd.f32 v28, v17;
	v19 =	vmul.f32 v19, v19;
	v20 =	vadd.f32 v20, v24  }
0xf2: {  	v59 =	vmul.f32 v53, v53;
	v16 =	vadd.f32 v43, v16;
	v26 =	vadd.f32 v57, v26  }
0xf3: {  	v17 =	vmul.f32 v17, v17;
	v60 =	vor.u32 $0xA, v38;
	v25 =	vld.idx.msk [tilespmem:v25+s14+$0x0], $0xffff;
	v19 =	vadd.f32 v19, v20  }
0xf4: {  	v16 =	vmul.f32 v16, v16;
	v24 =	vadd.f32 v59, v26;
	v26 =	vmul.f32 v28, v28  }
0xf5: {  	v15 =	vadd.f32 v42, v15;
	v28 =	vor.u32 $0xB, v38;
	v17 =	vadd.f32 v17, v19  }
0xf6: {  	v20 =	vadd.f32 v26, v24;
	v24 =	vmul.f32 v43, v43;
	v26 =	vld.idx.msk [tilespmem:v58+s14+$0x0], $0xffff  }
0xf7: {  	v61 =	vor.u32 $0xC, v38;
	v15 =	vmul.f32 v15, v15;
	v16 =	vadd.f32 v16, v17  }
0xf8: {  	v14 =	vadd.f32 v25, v14;
	v19 =	vadd.f32 v24, v20;
	v20 =	vmul.f32 v42, v42;
	v24 =	vld.idx.msk [tilespmem:v60+s14+$0x0], $0xffff  }
0xf9: {  	v32 =	vadd.f32 v46, v32;
	v62 =	vor.u32 $0xD, v38;
	v15 =	vadd.f32 v15, v16  }
0xfa: {  	v14 =	vmul.f32 v14, v14;
	v17 =	vadd.f32 v20, v19;
	v19 =	vmul.f32 v25, v25;
	v20 =	vld.idx.msk [tilespmem:v28+s14+$0x0], $0xffff  }
0xfb: {  	v30 =	vadd.f32 v49, v30;
	v25 =	vor.u32 $0xE, v38;
	v13 =	vadd.f32 v26, v13  }
0xfc: {  	v14 =	vadd.f32 v14, v15;
	v16 =	vadd.f32 v19, v17;
	v17 =	vmul.f32 v26, v26;
	v19 =	vld.idx.msk [tilespmem:v61+s14+$0x0], $0xffff  }
0xfd: {  	v26 =	vor.u32 $0xF, v38;
	v12 =	vadd.f32 v24, v12;
	v13 =	vmul.f32 v13, v13  }
0xfe: {  	v15 =	vadd.f32 v17, v16;
	v16 =	vmul.f32 v24, v24;
	v17 =	vld.idx.msk [tilespmem:v62+s14+$0x0], $0xffff;
	v24 =	vor.u32 $0x10, v38  }
0xff: {  	v11 =	vadd.f32 v20, v11;
	v13 =	vadd.f32 v13, v14;
	v12 =	vmul.f32 v12, v12  }
0x100: {  	v14 =	vadd.f32 v16, v15;
	v15 =	vmul.f32 v20, v20;
	v16 =	vld.idx.msk [tilespmem:v25+s14+$0x0], $0xffff;
	v20 =	vor.u32 $0x11, v38  }
0x101: {  	v10 =	vadd.f32 v19, v10;
	v12 =	vadd.f32 v12, v13;
	v11 =	vmul.f32 v11, v11  }
0x102: {  	v13 =	vadd.f32 v15, v14;
	v14 =	vmul.f32 v19, v19;
	v15 =	vld.idx.msk [tilespmem:v26+s14+$0x0], $0xffff;
	v19 =	vor.u32 $0x12, v38  }
0x103: {  	v9 =	vadd.f32 v17, v9;
	v11 =	vadd.f32 v11, v12;
	v10 =	vmul.f32 v10, v10  }
0x104: {  	v12 =	vadd.f32 v14, v13;
	v13 =	vmul.f32 v17, v17;
	v14 =	vld.idx.msk [tilespmem:v24+s14+$0x0], $0xffff;
	v17 =	vor.u32 $0x13, v38  }
0x105: {  	v8 =	vadd.f32 v16, v8;
	v10 =	vadd.f32 v10, v11;
	v9 =	vmul.f32 v9, v9  }
0x106: {  	v11 =	vadd.f32 v13, v12;
	v12 =	vmul.f32 v16, v16;
	v13 =	vld.idx.msk [tilespmem:v20+s14+$0x0], $0xffff;
	v16 =	vor.u32 $0x14, v38  }
0x107: {  	v7 =	vadd.f32 v15, v7;
	v9 =	vadd.f32 v9, v10;
	v8 =	vmul.f32 v8, v8  }
0x108: {  	v10 =	vadd.f32 v12, v11;
	v11 =	vmul.f32 v15, v15;
	v12 =	vld.idx.msk [tilespmem:v19+s14+$0x0], $0xffff;
	v15 =	vor.u32 $0x15, v38  }
0x109: {  	v6 =	vadd.f32 v14, v6;
	v8 =	vadd.f32 v8, v9;
	v7 =	vmul.f32 v7, v7  }
0x10a: {  	v9 =	vadd.f32 v11, v10;
	v10 =	vmul.f32 v14, v14;
	v11 =	vld.idx.msk [tilespmem:v17+s14+$0x0], $0xffff;
	v14 =	vor.u32 $0x16, v38  }
0x10b: {  	v17 =	vadd.f32 v13, v40;
	v7 =	vadd.f32 v7, v8;
	v6 =	vmul.f32 v6, v6  }
0x10c: {  	v8 =	vadd.f32 v10, v9;
	v9 =	vmul.f32 v13, v13;
	v10 =	vld.idx.msk [tilespmem:v16+s14+$0x0], $0xffff;
	v13 =	vor.u32 $0x17, v38  }
0x10d: {  	v16 =	vadd.f32 v12, v39;
	v6 =	vadd.f32 v6, v7;
	v7 =	vmul.f32 v17, v17  }
0x10e: {  	v8 =	vadd.f32 v9, v8;
	v9 =	vmul.f32 v12, v12;
	v12 =	vld.idx.msk [tilespmem:v15+s14+$0x0], $0xffff;
	v15 =	vor.u32 $0x18, v38  }
0x10f: {  	v17 =	vadd.f32 v11, v34;
	v6 =	vadd.f32 v7, v6;
	v7 =	vmul.f32 v16, v16  }
0x110: {  	v8 =	vadd.f32 v9, v8;
	v9 =	vmul.f32 v11, v11;
	v11 =	vld.idx.msk [tilespmem:v14+s14+$0x0], $0xffff;
	v14 =	vor.u32 $0x19, v38  }
0x111: {  	v16 =	vadd.f32 v10, v33;
	v6 =	vadd.f32 v7, v6;
	v7 =	vmul.f32 v17, v17  }
0x112: {  	v8 =	vadd.f32 v9, v8;
	v9 =	vmul.f32 v10, v10;
	v10 =	vld.idx.msk [tilespmem:v13+s14+$0x0], $0xffff;
	v13 =	vor.u32 $0x1A, v38  }
0x113: {  	v17 =	vadd.f32 v12, v32;
	v6 =	vadd.f32 v7, v6;
	v7 =	vmul.f32 v16, v16  }
0x114: {  	v8 =	vadd.f32 v9, v8;
	v9 =	vmul.f32 v12, v12;
	v12 =	vld.idx.msk [tilespmem:v15+s14+$0x0], $0xffff;
	v15 =	vor.u32 $0x1B, v38  }
0x115: {  	v16 =	vadd.f32 v11, v31;
	v6 =	vadd.f32 v7, v6;
	v7 =	vmul.f32 v17, v17  }
0x116: {  	v8 =	vadd.f32 v9, v8;
	v9 =	vmul.f32 v11, v11;
	v11 =	vld.idx.msk [tilespmem:v14+s14+$0x0], $0xffff;
	v14 =	vor.u32 $0x1C, v38  }
0x117: {  	v17 =	vadd.f32 v10, v30;
	v6 =	vadd.f32 v7, v6;
	v7 =	vmul.f32 v16, v16  }
0x118: {  	v8 =	vadd.f32 v9, v8;
	v9 =	vmul.f32 v10, v10;
	v10 =	vld.idx.msk [tilespmem:v13+s14+$0x0], $0xffff;
	v13 =	vor.u32 $0x1D, v38  }
0x119: {  	v16 =	vadd.f32 v12, v29;
	v6 =	vadd.f32 v7, v6;
	v7 =	vmul.f32 v17, v17  }
0x11a: {  	v8 =	vadd.f32 v9, v8;
	v9 =	vmul.f32 v12, v12;
	v12 =	vld.idx.msk [tilespmem:v15+s14+$0x0], $0xffff;
	v15 =	vor.u32 $0x1E, v38  }
0x11b: {  	v17 =	vadd.f32 v11, v27;
	v6 =	vadd.f32 v7, v6;
	v7 =	vmul.f32 v16, v16  }
0x11c: {  	v8 =	vadd.f32 v9, v8;
	v9 =	vmul.f32 v11, v11;
	v11 =	vld.idx.msk [tilespmem:v14+s14+$0x0], $0xffff;
	v14 =	vor.u32 $0x1F, v38  }
0x11d: {  	v16 =	vadd.f32 v10, v22;
	v6 =	vadd.f32 v7, v6;
	v7 =	vmul.f32 v17, v17  }
0x11e: {  	v5 =	vadd.f32 v36, v5;
	v8 =	vadd.f32 v9, v8;
	v9 =	vmul.f32 v10, v10;
	v10 =	vld.idx.msk [tilespmem:v13+s14+$0x0], $0xffff  }
0x11f: {  	v13 =	vadd.f32 v12, v23;
	v6 =	vadd.f32 v7, v6;
	v7 =	vmul.f32 v16, v16  }
0x120: {  	v4 =	vadd.f32 v37, v4;
	v8 =	vadd.f32 v9, v8;
	v9 =	vmul.f32 v12, v12;
	v12 =	vld.idx.msk [tilespmem:v15+s14+$0x0], $0xffff  }
0x121: {  	v5 =	vadd.f32 v11, v5;
	v6 =	vadd.f32 v7, v6;
	v7 =	vmul.f32 v13, v13  }
0x122: {  	v3 =	vadd.f32 v21, v3;
	v8 =	vadd.f32 v9, v8;
	v9 =	vmul.f32 v11, v11;
	v11 =	vld.idx.msk [tilespmem:v14+s14+$0x0], $0xffff  }
0x123: {  	v4 =	vadd.f32 v10, v4;
	v6 =	vadd.f32 v7, v6;
	v5 =	vmul.f32 v5, v5  }
0x124: {  	v2 =	vadd.f32 v18, v2;
	v7 =	vadd.f32 v9, v8;
	v8 =	vmul.f32 v10, v10  }
0x125: {  	v3 =	vadd.f32 v12, v3;
	v5 =	vadd.f32 v5, v6;
	v4 =	vmul.f32 v4, v4  }
0x126: {  	v6 =	vadd.f32 v8, v7;
	v7 =	vmul.f32 v12, v12  }
0x127: {  	v2 =	vadd.f32 v11, v2;
	v4 =	vadd.f32 v4, v5;
	v3 =	vmul.f32 v3, v3  }
0x128: {  	v5 =	vld.idx.msk [tilespmem:v35+s15+$0x0], $0xffff;
	v6 =	vadd.f32 v7, v6  }
0x129: {  	v7 =	vmul.f32 v11, v11;
	v3 =	vadd.f32 v3, v4;
	v2 =	vmul.f32 v2, v2  }
0x12a: {  	v4 =	vld [tilespmem:$0x1EA00]  }
0x12b: {  	v6 =	vadd.f32 v7, v6;
	v2 =	vadd.f32 v2, v3;
	_ =	sdelay $0x1  }
0x12c: {  	v1 =	vadd.f32 v5, v1;
	v2 =	vsub.f32 v2, v6;
	_ =	sdelay $0x1  }
0x12d: {  	v1 =	vadd.f32 v4, v1;
	v2 =	vmul.f32 $5.000000000e-01, v2;
	_ =	sdelay $0x1  }
0x12e: {  	v1 =	vadd.f32 v1, v2;
	_ =	sdelay $0x1  }
0x12f: {  	v1 =	vsub.f32 $0.0e+00, v1;
	_ =	sdelay $0x1  }
0x130: {  	v1 =	vmul.f32 $1.442695020e+00, v1;
	_ =	sdelay $0x1  }
0x131: {  	(erf) = vpow2.f32 v1;
	_ =	sdelay $0x8  }
0x132: {  	v1 =	vpop (erf)  }
0x133: {  	v1 =	vadd.f32 $1.000000000e+00, v1;
	_ =	sdelay $0x1  }
0x134: {  	(erf) = vrcp.f32 v1;
	_ =	sdelay $0x5  }
0x135: {  	p0 =	seq.s32 s26, $0xF  }
0x136: {  	s6 =	sshll.u32 @!p0 s26, $0x3  }
0x137: {  	s8 =	sshll.u32 s26, $0x5;
	s6 =	sadd.s32 @!p0 $0x8, s6  }
0x138: {  	s8 =	sand.u32 $0x3FFFFFE0, s8;
	s9 =	sshll.u32 @!p0 s6, $0x4;
	v1 =	vpop (erf)  }
0x139: {  	s2 =	simm.s32 @!p0 $0x4000;
	[tilespmem:s8+$0x1E800] =	vst v1;
	s8 =	sadd.s32 @!p0 s9, s7;
	s9 =	simm.s32 @!p0 $0x0  }
0x13a: {  	[tilespmem:s2], [sflag:$0x5] =	stream.linear.gather @!p0 [hbm4b:s8+s9], $0x200, $0x38;
	[tilespmem:$0x1EA80] =	vst v63  }
0x13b: {  	s8 =	simm.s32 @!p0 $0x5  }
0x13c: {  	s6 =	sshll.u32 @!p0 s6, $0x7;
	_ =	swait.ge @!p0 [sflag:s8], $0x200  }
0x13d: {  	s6 =	sand.u32 @!p0 $0x3FFFFC00, s6;
	[sflag:s8] =	ssyncset.done @!p0 $0x0  }
0x13e: {  	s9 =	simm.s32 @!p0 $0x4400;
	[sflag:s8] =	ssyncadd.s32 @!p0 $0xFFFFFE00;
	s8 =	simm.s32 @!p0 $0x68  }
0x13f: {  	[tilespmem:s9], [sflag:$0x1] =	stream.indirect.gather @!p0 [hbm4b:s3+s8], $0x80, s6, s8, $0xb8;
	[tilespmem:$0x1EA80] =	vst v63  }
0x140: {  	s6 =	simm.s32 @!p0 $0x1E400  }
0x141: {  	[tilespmem:s6], [sflag:$0x3] =	stream.indirect.gather @!p0 [hbm4b:s4+s8], $0x1, s2, s8, $0xb8;
	[tilespmem:$0x1EA80] =	vst v63  }
0x142: {  	s2 =	sshll.u32 @!p0 s26, $0xA  }
0x143: {  	s2 =	sand.u32 @!p0 $0x3FFFFC00, s2  }
0x144: {  	s9 =	simm.s32 @!p0 $0x7800;
	s6 =	sadd.s32 @!p0 $0x480, s2  }
0x145: {  	[tilespmem:s9], [sflag:$0x1] =	stream.indirect.gather @!p0 [hbm4b:s3+s8], $0x80, s6, s8, $0xb8;
	[tilespmem:$0x1EA80] =	vst v63  }
0x146: {  	s6 =	simm.s32 @!p0 $0x4080;
	s9 =	simm.s32 @!p0 $0x1E480  }
0x147: {  	[tilespmem:s9], [sflag:$0x3] =	stream.indirect.gather @!p0 [hbm4b:s4+s8], $0x1, s6, s8, $0xb8;
	[tilespmem:$0x1EA80] =	vst v63  }
0x148: {  	s6 =	sadd.s32 @!p0 $0x500, s2;
	s9 =	simm.s32 @!p0 $0xAC00  }
0x149: {  	[tilespmem:s9], [sflag:$0x1] =	stream.indirect.gather @!p0 [hbm4b:s3+s8], $0x80, s6, s8, $0xb8;
	[tilespmem:$0x1EA80] =	vst v63  }
0x14a: {  	s6 =	simm.s32 @!p0 $0x4100;
	s9 =	simm.s32 @!p0 $0x1E500  }
0x14b: {  	[tilespmem:s9], [sflag:$0x3] =	stream.indirect.gather @!p0 [hbm4b:s4+s8], $0x1, s6, s8, $0xb8;
	[tilespmem:$0x1EA80] =	vst v63  }
0x14c: {  	s2 =	sadd.s32 @!p0 $0x580, s2;
	s6 =	simm.s32 @!p0 $0xE000  }
0x14d: {  	[tilespmem:s6], [sflag:$0x1] =	stream.indirect.gather @!p0 [hbm4b:s3+s8], $0x80, s2, s8, $0xb8;
	[tilespmem:$0x1EA80] =	vst v63  }
0x14e: {  	s2 =	simm.s32 @!p0 $0x4180;
	s6 =	simm.s32 @!p0 $0x1E580  }
0x14f: {  	[tilespmem:s6], [sflag:$0x3] =	stream.indirect.gather @!p0 [hbm4b:s4+s8], $0x1, s2, s8, $0xb8;
	[tilespmem:$0x1EA80] =	vst v63  }
0x150: {  	_ =	swait.ge [sflag:s24], $0x3400  }
0x151: {  	[sflag:s24] =	ssyncset.done $0x0  }
0x152: {  	[sflag:s24] =	ssyncadd.s32 $0xFFFFCC00  }
0x153: {  	_ =	swait.ge [sflag:s25], $0x68  }
0x154: {  	[sflag:s25] =	ssyncset.done $0x0  }
0x155: {  	[sflag:s25] =	ssyncadd.s32 $0xFFFFFF98  }
0x156: {  	_ =	swait.ge [sflag:s24], $0x3400  }
0x157: {  	[sflag:s24] =	ssyncset.done $0x0  }
0x158: {  	[sflag:s24] =	ssyncadd.s32 $0xFFFFCC00  }
0x159: {  	_ =	swait.ge [sflag:s25], $0x68  }
0x15a: {  	[sflag:s25] =	ssyncset.done $0x0  }
0x15b: {  	s8 =	simm.s32 $0x0;
	[sflag:s25] =	ssyncadd.s32 $0xFFFFFF98  }
0x15c: {  	v1 =	vadd.s32 s8, v0;
	_ =	swait.ge [sflag:s24], $0x3400  }
0x15d: {  	v2 =	vmulhi.u32 $0x4EC4EC4F, v1;
	[sflag:s24] =	ssyncset.done $0x0  }
0x15e: {  	[sflag:s24] =	ssyncadd.s32 $0xFFFFCC00  }
0x15f: {  	v2 =	vshrl.u32 v2, $0x5;
	_ =	swait.ge [sflag:s25], $0x68  }
0x160: {  	v3 =	vmul.u32 $0xFFFFFF98, v2;
	[sflag:s25] =	ssyncset.done $0x0  }
0x161: {  	[sflag:s25] =	ssyncadd.s32 $0xFFFFFF98  }
0x162: {  	v2 =	vshll.u32 v2, $0x7;
	v3 =	vadd.s32 v1, v3;
	_ =	swait.ge [sflag:s24], $0x3400  }
0x163: {  	v2 =	vor.u32 v3, v2;
	[sflag:s24] =	ssyncset.done $0x0  }
0x164: {  	[sflag:s24] =	ssyncadd.s32 $0xFFFFCC00  }
0x165: {  	_ =	swait.ge [sflag:s25], $0x68  }
0x166: {  	[sflag:s25] =	ssyncset.done $0x0  }
0x167: {  	[sflag:s25] =	ssyncadd.s32 $0xFFFFFF98  }
0x168: {  	v3 =	vld.idx.msk [tilespmem:v2+s29+$0x0], $0xffff;
	_ =	sdelay $0x4  }
0x169: {  	v3 =	vshll.u32 v3, $0x5  }
0x16a: {  	v1 =	vshll.u32 v1, $0x7;
	v3 =	vand.u32 $0x60, v3  }
0x16b: {  	v21 =	vor.u32 v1, v3;
	_ =	sdelay $0x1  }
0x16c: {  	v1 =	vor.u32 $0x1, v21;
	_ =	sdelay $0x1  }
0x16d: {  	v3 =	vor.u32 $0x2, v21  }
0x16e: {  	v4 =	vld.idx.msk [tilespmem:v21+s30+$0x0], $0xffff  }
0x16f: {  	v5 =	vor.u32 $0x3, v21  }
0x170: {  	v6 =	vld.idx.msk [tilespmem:v1+s30+$0x0], $0xffff  }
0x171: {  	v1 =	vor.u32 $0x4, v21  }
0x172: {  	v3 =	vld.idx.msk [tilespmem:v3+s30+$0x0], $0xffff  }
0x173: {  	v7 =	vor.u32 $0x5, v21;
	v8 =	vmul.f32 v4, v4  }
0x174: {  	v18 =	vimm.f32 $0.0e+00;
	v5 =	vld.idx.msk [tilespmem:v5+s30+$0x0], $0xffff  }
0x175: {  	v9 =	vor.u32 $0x6, v21;
	v10 =	vmul.f32 v6, v6;
	v8 =	vadd.f32 v8, v18  }
0x176: {  	v11 =	vld.idx.msk [tilespmem:v1+s30+$0x0], $0xffff  }
0x177: {  	v1 =	vor.u32 $0x7, v21;
	v8 =	vadd.f32 v10, v8;
	v10 =	vmul.f32 v3, v3  }
0x178: {  	v7 =	vld.idx.msk [tilespmem:v7+s30+$0x0], $0xffff  }
0x179: {  	v12 =	vor.u32 $0x8, v21;
	v8 =	vadd.f32 v10, v8;
	v10 =	vmul.f32 v5, v5  }
0x17a: {  	v9 =	vld.idx.msk [tilespmem:v9+s30+$0x0], $0xffff  }
0x17b: {  	v13 =	vor.u32 $0x9, v21;
	v8 =	vadd.f32 v10, v8;
	v10 =	vmul.f32 v11, v11  }
0x17c: {  	v14 =	vld.idx.msk [tilespmem:v1+s30+$0x0], $0xffff  }
0x17d: {  	v1 =	vor.u32 $0xA, v21;
	v8 =	vadd.f32 v10, v8;
	v10 =	vmul.f32 v7, v7  }
0x17e: {  	v28 =	vimm.f32 $0.0e+00;
	v12 =	vld.idx.msk [tilespmem:v12+s30+$0x0], $0xffff  }
0x17f: {  	v15 =	vor.u32 $0xB, v21;
	v8 =	vadd.f32 v10, v8;
	v10 =	vmul.f32 v9, v9  }
0x180: {  	v34 =	vimm.f32 $0.0e+00;
	v33 =	vimm.f32 $0.0e+00;
	v32 =	vimm.f32 $0.0e+00;
	v13 =	vld.idx.msk [tilespmem:v13+s30+$0x0], $0xffff  }
0x181: {  	v2 =	vld.idx.msk [tilespmem:v2+s31+$0x0], $0xffff;
	v16 =	vor.u32 $0xC, v21;
	v8 =	vadd.f32 v10, v8;
	v10 =	vmul.f32 v14, v14  }
0x182: {  	v31 =	vimm.f32 $0.0e+00;
	v30 =	vimm.f32 $0.0e+00;
	v29 =	vimm.f32 $0.0e+00;
	v25 =	vld.idx.msk [tilespmem:v1+s30+$0x0], $0xffff  }
0x183: {  	v17 =	vor.u32 $0xD, v21;
	v1 =	vadd.f32 v10, v8;
	v8 =	vmul.f32 v12, v12  }
0x184: {  	v26 =	vor.u32 $0xF, v21;
	v24 =	vadd.f32 v4, v18;
	v10 =	vld.idx.msk [tilespmem:v15+s30+$0x0], $0xffff;
	v15 =	vor.u32 $0xE, v21  }
0x185: {  	v19 =	vmul.f32 v13, v13;
	v23 =	vadd.f32 v6, v18;
	v8 =	vadd.f32 v8, v1  }
0x186: {  	v20 =	vadd.f32 v5, v18;
	v5 =	vor.u32 $0x10, v21;
	v1 =	vadd.f32 v2, v18;
	v2 =	vld.idx.msk [tilespmem:v16+s30+$0x0], $0xffff  }
0x187: {  	v22 =	vadd.f32 v3, v18;
	v16 =	vmul.f32 v25, v25;
	v8 =	vadd.f32 v19, v8  }
0x188: {  	v27 =	vimm.f32 $0.0e+00;
	v4 =	vld.idx.msk [tilespmem:v17+s30+$0x0], $0xffff;
	v17 =	vadd.f32 v7, v18;
	v19 =	vadd.f32 v11, v18  }
0x189: {  	s9 =	simm.s32 $0x1;
	v6 =	vmul.f32 v10, v10;
	v3 =	vadd.f32 v16, v8;
	v8 =	vld.idx.msk [tilespmem:v15+s30+$0x0], $0xffff;
	v15 =	vadd.f32 v14, v18  }
0x18a: {  	v37 =	vadd.s32 s9, v0;
	v14 =	vadd.f32 v12, v18;
	v12 =	vadd.f32 v25, v18  }
0x18b: {  	v5 =	vld.idx.msk [tilespmem:v5+s30+$0x0], $0xffff;
	v25 =	vor.u32 $0x11, v21;
	v3 =	vadd.f32 v6, v3;
	v6 =	vmul.f32 v2, v2  }
0x18c: {  	v63 =	vor.u32 $0x13, v21;
	v7 =	vld.idx.msk [tilespmem:v26+s30+$0x0], $0xffff;
	v11 =	vadd.f32 v10, v18;
	v10 =	vadd.f32 v2, v18  }
0x18d: {  	v2 =	vor.u32 $0x12, v21;
	v3 =	vadd.f32 v6, v3;
	v6 =	vmul.f32 v4, v4  }
0x18e: {  	v38 =	vor.u32 $0x14, v21;
	v35 =	vor.u32 $0x15, v21;
	v36 =	vor.u32 $0x16, v21  }
0x18f: {  	v13 =	vadd.f32 v13, v18;
	v3 =	vadd.f32 v6, v3;
	v6 =	vmul.f32 v8, v8  }
0x190: {  	v26 =	vimm.f32 $0.0e+00;
	v43 =	vmul.f32 v5, v5;
	v16 =	vadd.f32 v9, v18;
	v39 =	vld.idx.msk [tilespmem:v25+s30+$0x0], $0xffff  }
0x191: {  	v9 =	vadd.f32 v4, v18;
	v4 =	vmul.f32 v7, v7;
	v3 =	vadd.f32 v6, v3  }
0x192: {  	v7 =	vadd.f32 v7, v18;
	v25 =	vimm.f32 $0.0e+00;
	v8 =	vadd.f32 v8, v18;
	v41 =	vld.idx.msk [tilespmem:v2+s30+$0x0], $0xffff  }
0x193: {  	v2 =	vimm.f32 $0.0e+00;
	v6 =	vadd.f32 v5, v18;
	v40 =	vadd.f32 v4, v3  }
0x194: {  	s6 =	simm.s32 $0x2;
	v42 =	vld.idx.msk [tilespmem:v63+s30+$0x0], $0xffff;
	v5 =	vimm.f32 $0.0e+00;
	v4 =	vimm.f32 $0.0e+00;
	v3 =	vimm.f32 $0.0e+00  }
.LBB2_5:
0x195: {  	p0 =	sne.s32 s6, $0x19;
	v44 =	vmulhi.u32 $0x4EC4EC4F, v37;
	v40 =	vadd.f32 v43, v40;
	v43 =	vmul.f32 v39, v39;
	v38 =	vld.idx.msk [tilespmem:v38+s30+$0x0], $0xffff  }
0x196: {  	v18 =	vadd.f32 v39, v18;
	v39 =	vor.u32 $0x17, v21  }
0x197: {  	v44 =	vshrl.u32 v44, $0x5;
	v40 =	vadd.f32 v43, v40;
	v43 =	vmul.f32 v41, v41;
	v35 =	vld.idx.msk [tilespmem:v35+s30+$0x0], $0xffff  }
0x198: {  	v34 =	vadd.f32 v41, v34;
	v41 =	vor.u32 $0x18, v21;
	v45 =	vmul.u32 $0xFFFFFF98, v44  }
0x199: {  	v33 =	vadd.f32 v42, v33;
	v42 =	vmul.f32 v42, v42;
	v40 =	vadd.f32 v43, v40;
	v36 =	vld.idx.msk [tilespmem:v36+s30+$0x0], $0xffff  }
0x19a: {  	v44 =	vshll.u32 v44, $0x7;
	v43 =	vadd.s32 v37, v45;
	v45 =	vor.u32 $0x19, v21  }
0x19b: {  	v43 =	vor.u32 v43, v44;
	v40 =	vadd.f32 v42, v40;
	v42 =	vmul.f32 v38, v38;
	v39 =	vld.idx.msk [tilespmem:v39+s30+$0x0], $0xffff  }
0x19c: {  	v31 =	vadd.f32 v38, v31;
	v38 =	vor.u32 $0x1A, v21  }
0x19d: {  	v32 =	vadd.f32 v35, v32;
	v35 =	vmul.f32 v35, v35;
	v40 =	vadd.f32 v42, v40;
	v41 =	vld.idx.msk [tilespmem:v41+s30+$0x0], $0xffff  }
0x19e: {  	v42 =	vor.u32 $0x1B, v21  }
0x19f: {  	v29 =	vadd.f32 v36, v29;
	v36 =	vmul.f32 v36, v36;
	v35 =	vadd.f32 v35, v40;
	v40 =	vld.idx.msk [tilespmem:v45+s30+$0x0], $0xffff  }
0x1a0: {  	v45 =	vor.u32 $0x1C, v21;
	v44 =	vld.idx.msk [tilespmem:v43+s29+$0x0], $0xffff  }
0x1a1: {  	v30 =	vadd.f32 v39, v30;
	v35 =	vadd.f32 v36, v35;
	v36 =	vmul.f32 v39, v39;
	v38 =	vld.idx.msk [tilespmem:v38+s30+$0x0], $0xffff  }
0x1a2: {  	v39 =	vld.idx.msk [tilespmem:v43+s31+$0x0], $0xffff;
	v43 =	vor.u32 $0x1D, v21  }
0x1a3: {  	v27 =	vadd.f32 v41, v27;
	v35 =	vadd.f32 v36, v35;
	v36 =	vmul.f32 v41, v41;
	v41 =	vld.idx.msk [tilespmem:v42+s30+$0x0], $0xffff  }
0x1a4: {  	v42 =	vor.u32 $0x1E, v21  }
0x1a5: {  	v28 =	vadd.f32 v40, v28;
	v35 =	vadd.f32 v36, v35;
	v36 =	vmul.f32 v40, v40;
	v40 =	vld.idx.msk [tilespmem:v45+s30+$0x0], $0xffff  }
0x1a6: {  	v37 =	vshll.u32 v37, $0x7;
	v44 =	vshll.u32 v44, $0x5;
	v45 =	vor.u32 $0x1F, v21  }
0x1a7: {  	v21 =	vand.u32 $0x60, v44;
	v35 =	vadd.f32 v36, v35;
	v36 =	vmul.f32 v38, v38;
	v43 =	vld.idx.msk [tilespmem:v43+s30+$0x0], $0xffff  }
0x1a8: {  	v26 =	vadd.f32 v38, v26;
	v1 =	vadd.f32 v39, v1;
	v21 =	vor.u32 v37, v21  }
0x1a9: {  	v25 =	vadd.f32 v41, v25;
	v35 =	vadd.f32 v36, v35;
	v36 =	vmul.f32 v41, v41;
	v37 =	vld.idx.msk [tilespmem:v42+s30+$0x0], $0xffff  }
0x1aa: {  	v38 =	vor.u32 $0x1, v21  }
0x1ab: {  	v5 =	vadd.f32 v40, v5;
	v35 =	vadd.f32 v36, v35;
	v36 =	vmul.f32 v40, v40;
	v39 =	vld.idx.msk [tilespmem:v45+s30+$0x0], $0xffff  }
0x1ac: {  	v40 =	vor.u32 $0x2, v21  }
0x1ad: {  	v4 =	vadd.f32 v43, v4;
	v41 =	vld.idx.msk [tilespmem:v21+s30+$0x0], $0xffff;
	v35 =	vadd.f32 v36, v35;
	v36 =	vmul.f32 v43, v43  }
0x1ae: {  	v42 =	vor.u32 $0x3, v21  }
0x1af: {  	v3 =	vadd.f32 v37, v3;
	v38 =	vld.idx.msk [tilespmem:v38+s30+$0x0], $0xffff;
	v35 =	vadd.f32 v36, v35;
	v36 =	vmul.f32 v37, v37  }
0x1b0: {  	v37 =	vor.u32 $0x4, v21  }
0x1b1: {  	v2 =	vadd.f32 v39, v2;
	v40 =	vld.idx.msk [tilespmem:v40+s30+$0x0], $0xffff;
	v35 =	vadd.f32 v36, v35;
	v36 =	vmul.f32 v39, v39  }
0x1b2: {  	v39 =	vor.u32 $0x5, v21  }
0x1b3: {  	v24 =	vadd.f32 v41, v24;
	v41 =	vmul.f32 v41, v41;
	v42 =	vld.idx.msk [tilespmem:v42+s30+$0x0], $0xffff;
	v35 =	vadd.f32 v36, v35  }
0x1b4: {  	v36 =	vor.u32 $0x6, v21  }
0x1b5: {  	v23 =	vadd.f32 v38, v23;
	v38 =	vmul.f32 v38, v38;
	v35 =	vadd.f32 v41, v35;
	v37 =	vld.idx.msk [tilespmem:v37+s30+$0x0], $0xffff  }
0x1b6: {  	v41 =	vor.u32 $0x7, v21  }
0x1b7: {  	v22 =	vadd.f32 v40, v22;
	v35 =	vadd.f32 v38, v35;
	v38 =	vmul.f32 v40, v40;
	v39 =	vld.idx.msk [tilespmem:v39+s30+$0x0], $0xffff  }
0x1b8: {  	v40 =	vor.u32 $0x8, v21  }
0x1b9: {  	v20 =	vadd.f32 v42, v20;
	v35 =	vadd.f32 v38, v35;
	v38 =	vmul.f32 v42, v42;
	v36 =	vld.idx.msk [tilespmem:v36+s30+$0x0], $0xffff  }
0x1ba: {  	v42 =	vor.u32 $0x9, v21  }
0x1bb: {  	v19 =	vadd.f32 v37, v19;
	v37 =	vmul.f32 v37, v37;
	v35 =	vadd.f32 v38, v35;
	v38 =	vld.idx.msk [tilespmem:v41+s30+$0x0], $0xffff  }
0x1bc: {  	v41 =	vor.u32 $0xA, v21  }
0x1bd: {  	v17 =	vadd.f32 v39, v17;
	v35 =	vadd.f32 v37, v35;
	v37 =	vmul.f32 v39, v39;
	v39 =	vld.idx.msk [tilespmem:v40+s30+$0x0], $0xffff  }
0x1be: {  	v40 =	vor.u32 $0xB, v21  }
0x1bf: {  	v16 =	vadd.f32 v36, v16;
	v36 =	vmul.f32 v36, v36;
	v35 =	vadd.f32 v37, v35;
	v37 =	vld.idx.msk [tilespmem:v42+s30+$0x0], $0xffff  }
0x1c0: {  	v42 =	vor.u32 $0xC, v21  }
0x1c1: {  	v15 =	vadd.f32 v38, v15;
	v35 =	vadd.f32 v36, v35;
	v36 =	vmul.f32 v38, v38;
	v38 =	vld.idx.msk [tilespmem:v41+s30+$0x0], $0xffff  }
0x1c2: {  	v41 =	vor.u32 $0xD, v21  }
0x1c3: {  	v14 =	vadd.f32 v39, v14;
	v35 =	vadd.f32 v36, v35;
	v36 =	vmul.f32 v39, v39;
	v39 =	vld.idx.msk [tilespmem:v40+s30+$0x0], $0xffff  }
0x1c4: {  	v40 =	vor.u32 $0xE, v21  }
0x1c5: {  	v13 =	vadd.f32 v37, v13;
	v35 =	vadd.f32 v36, v35;
	v36 =	vmul.f32 v37, v37;
	v37 =	vld.idx.msk [tilespmem:v42+s30+$0x0], $0xffff  }
0x1c6: {  	v42 =	vor.u32 $0xF, v21  }
0x1c7: {  	v12 =	vadd.f32 v38, v12;
	v35 =	vadd.f32 v36, v35;
	v36 =	vmul.f32 v38, v38;
	v38 =	vld.idx.msk [tilespmem:v41+s30+$0x0], $0xffff  }
0x1c8: {  	v41 =	vor.u32 $0x10, v21  }
0x1c9: {  	v11 =	vadd.f32 v39, v11;
	v35 =	vadd.f32 v36, v35;
	v36 =	vmul.f32 v39, v39;
	v39 =	vld.idx.msk [tilespmem:v40+s30+$0x0], $0xffff  }
0x1ca: {  	v40 =	vor.u32 $0x11, v21  }
0x1cb: {  	v10 =	vadd.f32 v37, v10;
	v35 =	vadd.f32 v36, v35;
	v36 =	vmul.f32 v37, v37;
	v37 =	vld.idx.msk [tilespmem:v42+s30+$0x0], $0xffff  }
0x1cc: {  	v42 =	vor.u32 $0x12, v21  }
0x1cd: {  	v9 =	vadd.f32 v38, v9;
	v35 =	vadd.f32 v36, v35;
	v36 =	vmul.f32 v38, v38;
	v43 =	vld.idx.msk [tilespmem:v41+s30+$0x0], $0xffff  }
0x1ce: {  	v44 =	vor.u32 $0x13, v21  }
0x1cf: {  	v8 =	vadd.f32 v39, v8;
	v35 =	vadd.f32 v36, v35;
	v36 =	vmul.f32 v39, v39;
	v39 =	vld.idx.msk [tilespmem:v40+s30+$0x0], $0xffff  }
.Ltmp1:
0x1d0: {  	v38 =	vor.u32 $0x14, v21;
	(pc) =	sbr.rel @p0 .LBB2_5-.Ltmp1, $4  }
0x1d1: {  	v7 =	vadd.f32 v37, v7;
	v37 =	vmul.f32 v37, v37;
	v36 =	vadd.f32 v36, v35;
	v41 =	vld.idx.msk [tilespmem:v42+s30+$0x0], $0xffff  }
0x1d2: {  	v35 =	vor.u32 $0x15, v21  }
0x1d3: {  	v6 =	vadd.f32 v43, v6;
	v43 =	vmul.f32 v43, v43;
	v40 =	vadd.f32 v37, v36;
	v42 =	vld.idx.msk [tilespmem:v44+s30+$0x0], $0xffff  }
0x1d4: {  	v37 =	vadd.s32 s6, v0;
	s6 =	sadd.s32 $0x1, s6;
	v36 =	vor.u32 $0x16, v21  }
0x1d5: {  	_ =	sdelay $0x2  }
0x1d6: {  	v40 =	vadd.f32 v43, v40;
	v62 =	vmul.f32 v39, v39  }
0x1d7: {  	v44 =	vmulhi.u32 $0x4EC4EC4F, v37;
	v45 =	vld.idx.msk [tilespmem:v38+s30+$0x0], $0xffff  }
0x1d8: {  	v63 =	vor.u32 $0x17, v21;
	v52 =	vmul.f32 v41, v41;
	v40 =	vadd.f32 v62, v40  }
0x1d9: {  	v46 =	vld.idx.msk [tilespmem:v35+s30+$0x0], $0xffff;
	v47 =	vor.u32 $0x18, v21;
	v44 =	vshrl.u32 v44, $0x5  }
0x1da: {  	v53 =	vmul.u32 $0xFFFFFF98, v44;
	v54 =	vmul.f32 v42, v42;
	v40 =	vadd.f32 v52, v40  }
0x1db: {  	v48 =	vld.idx.msk [tilespmem:v36+s30+$0x0], $0xffff;
	v56 =	vor.u32 $0x19, v21;
	v58 =	vor.u32 $0x1A, v21;
	v55 =	vshll.u32 v44, $0x7  }
0x1dc: {  	v35 =	vadd.s32 v37, v53;
	v57 =	vmul.f32 v45, v45;
	v40 =	vadd.f32 v54, v40  }
0x1dd: {  	v49 =	vld.idx.msk [tilespmem:v63+s30+$0x0], $0xffff;
	v35 =	vor.u32 v35, v55  }
0x1de: {  	v60 =	vmul.f32 v46, v46;
	v59 =	vadd.f32 v57, v40  }
0x1df: {  	v43 =	vld.idx.msk [tilespmem:v47+s30+$0x0], $0xffff  }
0x1e0: {  	v61 =	vor.u32 $0x1B, v21;
	v62 =	vmul.f32 v48, v48;
	v44 =	vld.idx.msk [tilespmem:v56+s30+$0x0], $0xffff;
	v38 =	vadd.f32 v60, v59  }
0x1e1: {  	v52 =	vld.idx.msk [tilespmem:v58+s30+$0x0], $0xffff  }
0x1e2: {  	v51 =	vor.u32 $0x1C, v21;
	v63 =	vmul.f32 v49, v49;
	v50 =	vld.idx.msk [tilespmem:v35+s29+$0x0], $0xffff;
	v38 =	vadd.f32 v62, v38;
	_ =	sdelay $0x1  }
0x1e3: {  	v53 =	vor.u32 $0x1D, v21;
	v56 =	vmul.f32 v43, v43;
	v55 =	vadd.f32 v63, v38  }
0x1e4: {  	v47 =	vld.idx.msk [tilespmem:v61+s30+$0x0], $0xffff  }
0x1e5: {  	v57 =	vor.u32 $0x1E, v21;
	v54 =	vmul.f32 v44, v44;
	v38 =	vadd.f32 v56, v55  }
0x1e6: {  	v36 =	vld.idx.msk [tilespmem:v51+s30+$0x0], $0xffff;
	v51 =	vor.u32 $0x1F, v21;
	v59 =	vmul.f32 v52, v52;
	v50 =	vshll.u32 v50, $0x5  }
0x1e7: {  	v60 =	vshll.u32 v37, $0x7;
	v50 =	vand.u32 $0x60, v50;
	v58 =	vadd.f32 v54, v38  }
0x1e8: {  	v37 =	vld.idx.msk [tilespmem:v53+s30+$0x0], $0xffff;
	v38 =	vor.u32 v60, v50  }
0x1e9: {  	v62 =	vmul.f32 v47, v47;
	v63 =	vor.u32 $0x1, v38;
	v61 =	vadd.f32 v59, v58  }
0x1ea: {  	v32 =	vadd.f32 v46, v32;
	v40 =	vadd.f32 v39, v18;
	v21 =	vld.idx.msk [tilespmem:v57+s30+$0x0], $0xffff;
	v58 =	vor.u32 $0x2, v38  }
0x1eb: {  	v39 =	vadd.f32 v41, v34;
	v57 =	vmul.f32 v36, v36;
	v50 =	vadd.f32 v62, v61  }
0x1ec: {  	v34 =	vadd.f32 v42, v33;
	v33 =	vadd.f32 v45, v31;
	v18 =	vld.idx.msk [tilespmem:v51+s30+$0x0], $0xffff;
	v62 =	vor.u32 $0x3, v38  }
0x1ed: {  	v60 =	vmul.f32 v37, v37;
	v55 =	vor.u32 $0x4, v38;
	v61 =	vld.idx.msk [tilespmem:v38+s30+$0x0], $0xffff;
	v59 =	vadd.f32 v57, v50  }
0x1ee: {  	v31 =	vadd.f32 v48, v29;
	v30 =	vadd.f32 v49, v30;
	v63 =	vld.idx.msk [tilespmem:v63+s30+$0x0], $0xffff  }
0x1ef: {  	v54 =	vmul.f32 v21, v21;
	v57 =	vor.u32 $0x5, v38;
	v41 =	vld.idx.msk [tilespmem:v58+s30+$0x0], $0xffff;
	v42 =	vadd.f32 v60, v59  }
0x1f0: {  	v29 =	vadd.f32 v43, v27;
	v27 =	vadd.f32 v44, v28  }
0x1f1: {  	v56 =	vmul.f32 v18, v18;
	v53 =	vor.u32 $0x7, v38;
	v59 =	vld.idx.msk [tilespmem:v62+s30+$0x0], $0xffff;
	v42 =	vadd.f32 v54, v42  }
0x1f2: {  	v60 =	vor.u32 $0x6, v38;
	v62 =	vld.idx.msk [tilespmem:v55+s30+$0x0], $0xffff;
	v55 =	vor.u32 $0x8, v38;
	v24 =	vadd.f32 v61, v24  }
0x1f3: {  	v58 =	vmul.f32 v61, v61;
	v23 =	vadd.f32 v63, v23;
	v42 =	vadd.f32 v56, v42  }
0x1f4: {  	v61 =	vmul.f32 v63, v63;
	v28 =	vld.idx.msk [tilespmem:v57+s30+$0x0], $0xffff;
	v57 =	vor.u32 $0x9, v38;
	v63 =	vadd.f32 v41, v22  }
0x1f5: {  	v24 =	vmul.f32 v24, v24;
	v23 =	vmul.f32 v23, v23;
	v42 =	vadd.f32 v58, v42  }
0x1f6: {  	v22 =	vadd.f32 v52, v26;
	v41 =	vmul.f32 v41, v41;
	v20 =	vadd.f32 v59, v20  }
0x1f7: {  	v43 =	vld.idx.msk [tilespmem:v60+s30+$0x0], $0xffff;
	v54 =	vmul.f32 v63, v63;
	v24 =	vadd.f32 v23, v24;
	v52 =	vadd.f32 v61, v42  }
0x1f8: {  	v56 =	vmul.f32 v59, v59;
	v19 =	vadd.f32 v62, v19;
	v58 =	vmul.f32 v62, v62  }
0x1f9: {  	v20 =	vmul.f32 v20, v20;
	v42 =	vld.idx.msk [tilespmem:v53+s30+$0x0], $0xffff;
	v24 =	vadd.f32 v54, v24;
	v26 =	vadd.f32 v41, v52  }
0x1fa: {  	v59 =	vor.u32 $0xA, v38;
	v23 =	vadd.f32 v47, v25;
	v17 =	vadd.f32 v28, v17  }
0x1fb: {  	v25 =	vld.idx.msk [tilespmem:v55+s30+$0x0], $0xffff;
	v19 =	vmul.f32 v19, v19;
	v20 =	vadd.f32 v20, v24;
	v26 =	vadd.f32 v56, v26  }
0x1fc: {  	v62 =	vor.u32 $0xB, v38;
	v61 =	vmul.f32 v28, v28;
	v16 =	vadd.f32 v43, v16  }
0x1fd: {  	v47 =	vld.idx.msk [tilespmem:v57+s30+$0x0], $0xffff;
	v17 =	vmul.f32 v17, v17;
	v19 =	vadd.f32 v19, v20;
	v60 =	vadd.f32 v58, v26  }
0x1fe: {  	v48 =	vor.u32 $0xC, v38;
	v46 =	vmul.f32 v43, v43;
	v15 =	vadd.f32 v42, v15  }
0x1ff: {  	v51 =	vld.idx.msk [tilespmem:v59+s30+$0x0], $0xffff;
	v16 =	vmul.f32 v16, v16;
	v17 =	vadd.f32 v17, v19;
	v63 =	vadd.f32 v61, v60  }
0x200: {  	v52 =	vor.u32 $0xD, v38;
	v14 =	vadd.f32 v25, v14;
	v50 =	vmul.f32 v42, v42  }
0x201: {  	v55 =	vld.idx.msk [tilespmem:v62+s30+$0x0], $0xffff;
	v15 =	vmul.f32 v15, v15;
	v16 =	vadd.f32 v16, v17;
	v49 =	vadd.f32 v46, v63  }
0x202: {  	v54 =	vmul.f32 v25, v25;
	v56 =	vor.u32 $0xE, v38;
	v13 =	vadd.f32 v47, v13  }
0x203: {  	v59 =	vld.idx.msk [tilespmem:v48+s30+$0x0], $0xffff;
	v14 =	vmul.f32 v14, v14;
	v15 =	vadd.f32 v15, v16;
	v53 =	vadd.f32 v50, v49  }
0x204: {  	v58 =	vmul.f32 v47, v47;
	v60 =	vor.u32 $0xF, v38;
	v12 =	vadd.f32 v51, v12  }
0x205: {  	v13 =	vmul.f32 v13, v13;
	v63 =	vld.idx.msk [tilespmem:v52+s30+$0x0], $0xffff;
	v14 =	vadd.f32 v14, v15;
	v57 =	vadd.f32 v54, v53  }
0x206: {  	v28 =	vor.u32 $0x10, v38;
	v62 =	vmul.f32 v51, v51;
	v11 =	vadd.f32 v55, v11  }
0x207: {  	v43 =	vld.idx.msk [tilespmem:v56+s30+$0x0], $0xffff;
	v12 =	vmul.f32 v12, v12;
	v13 =	vadd.f32 v13, v14;
	v61 =	vadd.f32 v58, v57  }
0x208: {  	v44 =	vor.u32 $0x11, v38;
	v42 =	vmul.f32 v55, v55;
	v10 =	vadd.f32 v59, v10  }
0x209: {  	v11 =	vmul.f32 v11, v11;
	v47 =	vld.idx.msk [tilespmem:v60+s30+$0x0], $0xffff;
	v12 =	vadd.f32 v12, v13;
	v41 =	vadd.f32 v62, v61  }
0x20a: {  	v48 =	vor.u32 $0x12, v38;
	v46 =	vmul.f32 v59, v59;
	v9 =	vadd.f32 v63, v9  }
0x20b: {  	v51 =	vld.idx.msk [tilespmem:v28+s30+$0x0], $0xffff;
	v10 =	vmul.f32 v10, v10;
	v11 =	vadd.f32 v11, v12;
	v45 =	vadd.f32 v42, v41  }
0x20c: {  	v52 =	vor.u32 $0x13, v38;
	v8 =	vadd.f32 v43, v8;
	v50 =	vmul.f32 v63, v63  }
0x20d: {  	v55 =	vld.idx.msk [tilespmem:v44+s30+$0x0], $0xffff;
	v9 =	vmul.f32 v9, v9;
	v10 =	vadd.f32 v10, v11;
	v49 =	vadd.f32 v46, v45  }
0x20e: {  	v56 =	vor.u32 $0x14, v38;
	v54 =	vmul.f32 v43, v43;
	v7 =	vadd.f32 v47, v7  }
0x20f: {  	v59 =	vld.idx.msk [tilespmem:v48+s30+$0x0], $0xffff;
	v8 =	vmul.f32 v8, v8;
	v9 =	vadd.f32 v9, v10;
	v53 =	vadd.f32 v50, v49  }
0x210: {  	v60 =	vor.u32 $0x15, v38;
	v6 =	vadd.f32 v51, v6;
	v58 =	vmul.f32 v47, v47  }
0x211: {  	v63 =	vld.idx.msk [tilespmem:v52+s30+$0x0], $0xffff;
	v7 =	vmul.f32 v7, v7;
	v8 =	vadd.f32 v8, v9;
	v57 =	vadd.f32 v54, v53  }
0x212: {  	v20 =	vor.u32 $0x16, v38;
	v24 =	vadd.f32 v55, v40;
	v6 =	vmul.f32 v6, v6  }
0x213: {  	v28 =	vld.idx.msk [tilespmem:v56+s30+$0x0], $0xffff;
	v62 =	vmul.f32 v51, v51;
	v7 =	vadd.f32 v7, v8;
	v61 =	vadd.f32 v58, v57  }
0x214: {  	v26 =	vmul.f32 v55, v55;
	v40 =	vor.u32 $0x17, v38;
	v41 =	vadd.f32 v59, v39  }
0x215: {  	v44 =	vld.idx.msk [tilespmem:v60+s30+$0x0], $0xffff;
	v42 =	vmul.f32 v24, v24;
	v6 =	vadd.f32 v6, v7;
	v25 =	vadd.f32 v62, v61  }
0x216: {  	v43 =	vmul.f32 v59, v59;
	v45 =	vor.u32 $0x18, v38;
	v46 =	vadd.f32 v63, v34  }
0x217: {  	v47 =	vmul.f32 v41, v41;
	v49 =	vld.idx.msk [tilespmem:v20+s30+$0x0], $0xffff;
	v6 =	vadd.f32 v42, v6;
	v8 =	vadd.f32 v26, v25  }
0x218: {  	v51 =	vadd.f32 v28, v33;
	v48 =	vmul.f32 v63, v63;
	v50 =	vor.u32 $0x19, v38  }
0x219: {  	v52 =	vmul.f32 v46, v46;
	v54 =	vld.idx.msk [tilespmem:v40+s30+$0x0], $0xffff;
	v6 =	vadd.f32 v47, v6;
	v8 =	vadd.f32 v43, v8  }
0x21a: {  	v55 =	vor.u32 $0x1A, v38;
	v56 =	vadd.f32 v44, v32;
	v53 =	vmul.f32 v28, v28  }
0x21b: {  	v59 =	vld.idx.msk [tilespmem:v45+s30+$0x0], $0xffff;
	v57 =	vmul.f32 v51, v51;
	v6 =	vadd.f32 v52, v6;
	v8 =	vadd.f32 v48, v8  }
0x21c: {  	v60 =	vor.u32 $0x1B, v38;
	v58 =	vmul.f32 v44, v44;
	v61 =	vadd.f32 v49, v31  }
0x21d: {  	v20 =	vld.idx.msk [tilespmem:v50+s30+$0x0], $0xffff;
	v62 =	vmul.f32 v56, v56;
	v6 =	vadd.f32 v57, v6;
	v8 =	vadd.f32 v53, v8  }
0x21e: {  	v24 =	vor.u32 $0x1C, v38;
	v63 =	vmul.f32 v49, v49;
	v25 =	vadd.f32 v54, v30  }
0x21f: {  	v26 =	vmul.f32 v61, v61;
	v30 =	vld.idx.msk [tilespmem:v55+s30+$0x0], $0xffff;
	v6 =	vadd.f32 v62, v6;
	v8 =	vadd.f32 v58, v8  }
0x220: {  	v31 =	vor.u32 $0x1D, v38;
	v28 =	vmul.f32 v54, v54;
	v32 =	vadd.f32 v59, v29  }
0x221: {  	v39 =	vld.idx.msk [tilespmem:v60+s30+$0x0], $0xffff;
	v33 =	vmul.f32 v25, v25;
	v6 =	vadd.f32 v26, v6;
	v8 =	vadd.f32 v63, v8  }
0x222: {  	v40 =	vor.u32 $0x1E, v38;
	v34 =	vmul.f32 v59, v59;
	v41 =	vadd.f32 v20, v27  }
0x223: {  	v44 =	vld.idx.msk [tilespmem:v24+s30+$0x0], $0xffff;
	v42 =	vmul.f32 v32, v32;
	v6 =	vadd.f32 v33, v6;
	v8 =	vadd.f32 v28, v8  }
0x224: {  	v45 =	vor.u32 $0x1F, v38;
	v43 =	vmul.f32 v20, v20;
	v46 =	vadd.f32 v30, v22  }
0x225: {  	v49 =	vld.idx.msk [tilespmem:v31+s30+$0x0], $0xffff;
	v47 =	vmul.f32 v41, v41;
	v6 =	vadd.f32 v42, v6;
	v8 =	vadd.f32 v34, v8  }
0x226: {  	v5 =	vadd.f32 v36, v5;
	v50 =	vadd.f32 v39, v23;
	v48 =	vmul.f32 v30, v30  }
0x227: {  	v53 =	vld.idx.msk [tilespmem:v40+s30+$0x0], $0xffff;
	v51 =	vmul.f32 v46, v46;
	v6 =	vadd.f32 v47, v6;
	v8 =	vadd.f32 v43, v8  }
0x228: {  	v4 =	vadd.f32 v37, v4;
	v54 =	vmul.f32 v50, v50;
	v5 =	vadd.f32 v44, v5  }
0x229: {  	v56 =	vld.idx.msk [tilespmem:v45+s30+$0x0], $0xffff;
	v52 =	vmul.f32 v39, v39;
	v6 =	vadd.f32 v51, v6;
	v8 =	vadd.f32 v48, v8  }
0x22a: {  	v3 =	vadd.f32 v21, v3;
	v55 =	vmul.f32 v44, v44;
	v4 =	vadd.f32 v49, v4  }
0x22b: {  	v5 =	vmul.f32 v5, v5;
	v6 =	vadd.f32 v54, v6;
	v8 =	vadd.f32 v52, v8  }
0x22c: {  	v2 =	vadd.f32 v18, v2;
	v58 =	vmul.f32 v49, v49;
	v3 =	vadd.f32 v53, v3  }
0x22d: {  	v4 =	vmul.f32 v4, v4;
	v5 =	vadd.f32 v5, v6;
	v57 =	vadd.f32 v55, v8  }
0x22e: {  	v2 =	vadd.f32 v56, v2;
	v60 =	vmul.f32 v53, v53  }
0x22f: {  	v3 =	vmul.f32 v3, v3;
	v4 =	vadd.f32 v4, v5;
	v59 =	vadd.f32 v58, v57  }
0x230: {  	v61 =	vld.idx.msk [tilespmem:v35+s31+$0x0], $0xffff;
	v62 =	vmul.f32 v56, v56  }
0x231: {  	v2 =	vmul.f32 v2, v2;
	v3 =	vadd.f32 v3, v4;
	v6 =	vadd.f32 v60, v59  }
0x232: {  	v63 =	vld [tilespmem:$0x1EA00]  }
0x233: {  	v2 =	vadd.f32 v2, v3;
	v6 =	vadd.f32 v62, v6;
	_ =	sdelay $0x1  }
0x234: {  	v1 =	vadd.f32 v61, v1;
	v2 =	vsub.f32 v2, v6;
	_ =	sdelay $0x1  }
0x235: {  	v1 =	vadd.f32 v63, v1;
	v2 =	vmul.f32 $5.000000000e-01, v2;
	_ =	sdelay $0x1  }
0x236: {  	v1 =	vadd.f32 v1, v2;
	_ =	sdelay $0x1  }
0x237: {  	v1 =	vsub.f32 $0.0e+00, v1;
	_ =	sdelay $0x1  }
0x238: {  	v1 =	vmul.f32 $1.442695020e+00, v1;
	_ =	sdelay $0x1  }
0x239: {  	(erf) = vpow2.f32 v1;
	_ =	sdelay $0x8  }
0x23a: {  	v1 =	vpop (erf)  }
0x23b: {  	v1 =	vadd.f32 $1.000000000e+00, v1;
	_ =	sdelay $0x1  }
0x23c: {  	(erf) = vrcp.f32 v1;
	_ =	sdelay $0x3  }
0x23d: {  	s26 =	sadd.s32 $0x1, s26  }
0x23e: {  	p0 =	sne.s32 s26, $0x10  }
.Ltmp2:
0x23f: {  	_ = 	snop;
	(pc) =	sbr.rel @p0 .LBB2_2-.Ltmp2, $3  }
0x240: {  	_ =	sdelay $0x1  }
0x241: {  	s2 =	sshrl.u32 s5, $0x2;
	v1 =	vpop (erf)  }
0x242: {  	[tilespmem:s2+$0x1E800] =	vst v1  }
0x243: {  	s8 =	simm.s32 $0x0;
	s2 =	rddreg [dreg:$0x5];
	s5 =	simm.s32 $0x1E800  }
0x244: {  	[hbm4b:s2+s8] =	stream.linear.scatter [tilespmem:s5], [sflag:$0x5], $0x200, $0x38;
	[tilespmem:$0x1EA80] =	vst v63  }
0x245: {  	_ =	swait.ge [sflag:s10], $0x200  }
0x246: {  	s28 =	sadd.s32 $0x1, s28;
	s26 =	rddreg [dreg:$0x6]  }
0x247: {  	p0 =	sne.s32 s28, s26  }
.Ltmp3:
0x248: {  	_ = 	snop;
	(pc) =	sbr.rel @p0 .LBB2_1-.Ltmp3, $3  }
0x249: {  	_ =	sdelay $0x1  }
0x24a: {  	[sflag:s10] =	ssyncset.done $0x0  }
0x24b: {  	[sflag:s10] =	ssyncadd.s32 $0xFFFFFE00  }
0x24c: {  	_ =	sfence.sel $0x180000  }
0x24d: {  	[bflag:$0x0] =	sbarrier.arrive $0xFFFF  }
0x24e: {  	_ =	strace $0x90000047  }
0x24f: {  	s0 =	stileid.u32;
	[bflag:$0x2] =	sbarrier.arrive $0xFFFF  }
0x250: {  	p0 =	sne.s32 s0, $0x0;
	s0 =	rddreg [dreg:$0x2]  }
0x251: {  	s0 =	sadd.s32 @!p0 $0x100000, s0  }
0x252: {  	[sflag:s0] =	ssyncadd.tile.s32 @!p0 $0x1;
	_ =	shalt  }
.Lfunc_end2:
_tile_overlayer_lowered:
.L_overlay_start_2:
0x253: {  	(tag) =	ssettag $0x2  }
0x254: {  	s0 =	rddreg [dreg:$0x0];
	s2 =	stileid.u32  }
0x255: {  	s1 =	rddreg [dreg:$0x1];
	p0 =	sne.s32 s2, $0x0  }
0x256: {  	s3 =	rddreg [dreg:$0x2];
	[bflag:$0x3] =	sbarrier.arrive $0xFFFF;
	s2 =	simm.s32 @!p0 $0x1C05  }
0x257: {  	[timem:s3], [sflag:s2] =	dma.local @!p0 [hbm:s0], s1  }
0x258: {  	s0 =	simm.s32 @!p0 $0x5  }
0x259: {  	_ =	swait.ge @!p0 [sflag:s0], s1  }
0x25a: {  	s1 =	ssub.s32 @!p0 $0x0, s1;
	[sflag:s0] =	ssyncset.done @!p0 $0x0  }
0x25b: {  	[sflag:s0] =	ssyncadd.s32 @!p0 s1  }
0x25c: {  	[bflag:$0x3] =	sbarrier.arrive $0xFFFF  }
0x25d: {  	_ =	shalt  }

</sc_bundles>
